<compile_context>
chip_gen: v7x
topology: tpu7x:2x2x1
jax: 0.10.2.dev20260603
libtpu: 0.0.44.dev20260713+nightly
codegen_flags: <defaults>
</compile_context>

<pallas_src>
import functools

import jax
import jax.numpy as jnp
from jax import lax
from jax.experimental import pallas as pl
from jax.experimental.pallas import tpu as pltpu
from jax.experimental.pallas import tpu_sc as plsc

N = 10000
E = 160000
TILES = 16
NPAD = 10112
RPT = NPAD // TILES

KA = 128
CHA = 80
GA = 40
NBA = CHA // GA
KB = 128
CHB = 40
EPAD = 16 * CHA * KA

_SELU_ALPHA = 1.6732632423543772
_SELU_SCALE = 1.0507009873554805

_mesh = plsc.VectorSubcoreMesh(
    core_axis_name="c", subcore_axis_name="s", num_cores=2, num_subcores=16
)


@functools.partial(
    pl.kernel,
    out_type=jax.ShapeDtypeStruct((2, NPAD, 128), jnp.float32),
    mesh=_mesh,
    scratch_types=[
        pltpu.VMEM((CHB, KB), jnp.int32),
        pltpu.VMEM((KB, 128), jnp.float32),
        pltpu.VMEM_SHARED((NPAD, 128), jnp.float32),
        pltpu.SemaphoreType.DMA,
        pltpu.SemaphoreType.DMA,
    ],
)
def _sc_degree(dst_hbm, ones_hbm, zeros_hbm, out_hbm, dstv, onesv, acc, s0, s1):
    c = lax.axis_index("c")
    s = lax.axis_index("s")
    flat = c * TILES + s
    row0 = s * RPT
    pltpu.sync_copy(dst_hbm.at[flat], dstv)
    pltpu.sync_copy(ones_hbm.at[pl.ds(0, KB)], onesv)

    @pl.when(c == 0)
    def _():
        pltpu.sync_copy(ones_hbm.at[pl.ds(row0, RPT)], acc.at[pl.ds(row0, RPT)])

    @pl.when(c == 1)
    def _():
        pltpu.sync_copy(zeros_hbm.at[pl.ds(row0, RPT)], acc.at[pl.ds(row0, RPT)])

    plsc.subcore_barrier()

    pltpu.async_copy(onesv, acc.at[dstv.at[0]], s0, add=True)

    def body(j2, carry):
        base = 2 * j2
        pltpu.async_copy(onesv, acc.at[dstv.at[base + 1]], s1, add=True)
        pltpu.make_async_copy(ones_hbm.at[pl.ds(0, KB)], onesv, s0).wait()

        @pl.when(base + 2 < CHB)
        def _():
            pltpu.async_copy(onesv, acc.at[dstv.at[base + 2]], s0, add=True)

        pltpu.make_async_copy(ones_hbm.at[pl.ds(0, KB)], onesv, s1).wait()
        return carry

    lax.fori_loop(0, CHB // 2, body, 0)
    plsc.subcore_barrier()
    pltpu.sync_copy(acc.at[pl.ds(row0, RPT)], out_hbm.at[c, pl.ds(row0, RPT)])


def _agg_edge_loop(g_hbm, acc, srcv, dstv, buf0, buf1, sg0, sg1, ch, k):
    pltpu.async_copy(g_hbm.at[srcv.at[0]], buf0, sg0)

    def body(j2, carry):
        base = 2 * j2
        pltpu.async_copy(g_hbm.at[srcv.at[base + 1]], buf1, sg1)
        pltpu.make_async_copy(g_hbm.at[pl.ds(0, k)], buf0, sg0).wait()
        pltpu.sync_copy(buf0, acc.at[dstv.at[base]], add=True)

        @pl.when(base + 2 < ch)
        def _():
            pltpu.async_copy(g_hbm.at[srcv.at[base + 2]], buf0, sg0)

        pltpu.make_async_copy(g_hbm.at[pl.ds(0, k)], buf1, sg1).wait()
        pltpu.sync_copy(buf1, acc.at[dstv.at[base + 1]], add=True)
        return carry

    lax.fori_loop(0, ch // 2, body, 0)


@functools.partial(
    pl.kernel,
    out_type=jax.ShapeDtypeStruct((2, NPAD, 128), jnp.float32),
    mesh=_mesh,
    scratch_types=[
        pltpu.VMEM((GA, KA), jnp.int32),
        pltpu.VMEM((GA, KA), jnp.int32),
        pltpu.VMEM((KA, 128), jnp.float32),
        pltpu.VMEM((KA, 128), jnp.float32),
        pltpu.VMEM_SHARED((NPAD, 128), jnp.float32),
        pltpu.SemaphoreType.DMA,
        pltpu.SemaphoreType.DMA,
    ],
)
def _sc_agg1(g_hbm, srcA_hbm, srcB_hbm, dst_hbm, out_hbm,
             srcv, dstv, buf0, buf1, acc, sg0, sg1):
    c = lax.axis_index("c")
    s = lax.axis_index("s")
    row0 = s * RPT
    pltpu.sync_copy(g_hbm.at[pl.ds(c * NPAD + row0, RPT)], acc.at[pl.ds(row0, RPT)])
    plsc.subcore_barrier()

    def block(b, carry):
        @pl.when(c == 0)
        def _():
            pltpu.sync_copy(srcA_hbm.at[s, b], srcv)

        @pl.when(c == 1)
        def _():
            pltpu.sync_copy(srcB_hbm.at[s, b], srcv)

        pltpu.sync_copy(dst_hbm.at[s, b], dstv)
        _agg_edge_loop(g_hbm, acc, srcv, dstv, buf0, buf1, sg0, sg1, GA, KA)
        return carry

    lax.fori_loop(0, NBA, block, 0)
    plsc.subcore_barrier()
    pltpu.sync_copy(acc.at[pl.ds(row0, RPT)], out_hbm.at[c, pl.ds(row0, RPT)])


@functools.partial(
    pl.kernel,
    out_type=jax.ShapeDtypeStruct((2, NPAD, 128), jnp.float32),
    mesh=_mesh,
    scratch_types=[
        pltpu.VMEM((CHB, KB), jnp.int32),
        pltpu.VMEM((CHB, KB), jnp.int32),
        pltpu.VMEM((KB, 128), jnp.float32),
        pltpu.VMEM((KB, 128), jnp.float32),
        pltpu.VMEM_SHARED((NPAD, 128), jnp.float32),
        pltpu.SemaphoreType.DMA,
        pltpu.SemaphoreType.DMA,
    ],
)
def _sc_agg2(g_hbm, zeros_hbm, src_hbm, dst_hbm, out_hbm,
             srcv, dstv, buf0, buf1, acc, sg0, sg1):
    c = lax.axis_index("c")
    s = lax.axis_index("s")
    flat = c * TILES + s
    row0 = s * RPT
    pltpu.sync_copy(src_hbm.at[flat], srcv)
    pltpu.sync_copy(dst_hbm.at[flat], dstv)

    @pl.when(c == 0)
    def _():
        pltpu.sync_copy(g_hbm.at[pl.ds(row0, RPT)], acc.at[pl.ds(row0, RPT)])

    @pl.when(c == 1)
    def _():
        pltpu.sync_copy(zeros_hbm.at[pl.ds(row0, RPT)], acc.at[pl.ds(row0, RPT)])

    plsc.subcore_barrier()
    _agg_edge_loop(g_hbm, acc, srcv, dstv, buf0, buf1, sg0, sg1, CHB, KB)
    plsc.subcore_barrier()
    pltpu.sync_copy(acc.at[pl.ds(row0, RPT)], out_hbm.at[c, pl.ds(row0, RPT)])


_BR = 632
_GRID = NPAD // _BR


def _tc_layer1_body(x_ref, w_ref, deg_ref, out_ref, dinv_ref):
    d = deg_ref[0] + deg_ref[1]
    dvf = jnp.where(d > 0, lax.rsqrt(d), 0.0)
    dinv_ref[...] = dvf
    dv = dvf[:, 0:1]
    g = jnp.dot(x_ref[...] * dv, w_ref[...], preferred_element_type=jnp.float32)
    out_ref[0] = g[:, :128]
    out_ref[1] = g[:, 128:]


def _tc_layer1(x, W1, deg2):
    return pl.pallas_call(
        _tc_layer1_body,
        grid=(_GRID,),
        in_specs=[
            pl.BlockSpec((_BR, 256), lambda i: (i, 0)),
            pl.BlockSpec((256, 256), lambda i: (0, 0)),
            pl.BlockSpec((2, _BR, 128), lambda i: (0, i, 0)),
        ],
        out_specs=[
            pl.BlockSpec((2, _BR, 128), lambda i: (0, i, 0)),
            pl.BlockSpec((_BR, 128), lambda i: (i, 0)),
        ],
        out_shape=[
            jax.ShapeDtypeStruct((2, NPAD, 128), jnp.float32),
            jax.ShapeDtypeStruct((NPAD, 128), jnp.float32),
        ],
    )(x, W1, deg2)


def _selu(x):
    return _SELU_SCALE * jnp.where(x > 0, x, _SELU_ALPHA * jnp.exp(x) - _SELU_ALPHA)


def _tc_mid2_body(s_ref, dinv_ref, b_ref, w_ref, out_ref):
    dv = dinv_ref[:, 0:1]
    u0 = dv * _selu(dv * s_ref[0] + b_ref[0:1, :])
    u1 = dv * _selu(dv * s_ref[1] + b_ref[1:2, :])
    g = jnp.dot(u0, w_ref[:128, :], preferred_element_type=jnp.float32)
    g += jnp.dot(u1, w_ref[128:, :], preferred_element_type=jnp.float32)
    out_ref[...] = g


def _tc_mid2(s1, dinv, b2d, W2):
    return pl.pallas_call(
        _tc_mid2_body,
        grid=(_GRID,),
        in_specs=[
            pl.BlockSpec((2, _BR, 128), lambda i: (0, i, 0)),
            pl.BlockSpec((_BR, 128), lambda i: (i, 0)),
            pl.BlockSpec((2, 128), lambda i: (0, 0)),
            pl.BlockSpec((256, 128), lambda i: (0, 0)),
        ],
        out_specs=pl.BlockSpec((_BR, 128), lambda i: (i, 0)),
        out_shape=jax.ShapeDtypeStruct((NPAD, 128), jnp.float32),
    )(s1, dinv, b2d, W2)


def _tc_mid3_body(s_ref, dinv_ref, b_ref, w_ref, out_ref):
    dv = dinv_ref[:, 0:1]
    u = dv * _selu(dv * (s_ref[0] + s_ref[1]) + b_ref[...])
    out_ref[...] = jnp.dot(u, w_ref[...], preferred_element_type=jnp.float32)


def _tc_mid3(s2, dinv, b2d, W3):
    return pl.pallas_call(
        _tc_mid3_body,
        grid=(_GRID,),
        in_specs=[
            pl.BlockSpec((2, _BR, 128), lambda i: (0, i, 0)),
            pl.BlockSpec((_BR, 128), lambda i: (i, 0)),
            pl.BlockSpec((1, 128), lambda i: (0, 0)),
            pl.BlockSpec((128, 128), lambda i: (0, 0)),
        ],
        out_specs=pl.BlockSpec((_BR, 128), lambda i: (i, 0)),
        out_shape=jax.ShapeDtypeStruct((NPAD, 128), jnp.float32),
    )(s2, dinv, b2d, W3)


def _tc_final_body(s_ref, dinv_ref, b_ref, out_ref, acc_ref):
    p = pl.program_id(0)
    i = pl.program_id(1)
    dv = dinv_ref[:, 0:1]
    pre = dv * (s_ref[0] + s_ref[1]) + b_ref[...]

    @pl.when((p == 0) & (i == 0))
    def _():
        acc_ref[...] = jnp.zeros((1, 128), jnp.float32)

    @pl.when(p == 0)
    def _():
        rows = i * _BR + lax.broadcasted_iota(jnp.int32, (_BR, 1), 0)
        acc_ref[...] += jnp.sum(jnp.where(rows < N, pre, 0.0), axis=0, keepdims=True)

    @pl.when(p == 1)
    def _():
        total = jnp.sum(acc_ref[...])
        h = pre / total
        t = jnp.tanh(h)
        t = t * t
        nrm = jnp.maximum(jnp.sqrt(jnp.sum(t * t, axis=1, keepdims=True)), 1e-12)
        out_ref[...] = t / nrm


def _tc_final(s3, dinv, b3):
    return pl.pallas_call(
        _tc_final_body,
        grid=(2, _GRID),
        in_specs=[
            pl.BlockSpec((2, _BR, 128), lambda p, i: (0, i, 0)),
            pl.BlockSpec((_BR, 128), lambda p, i: (i, 0)),
            pl.BlockSpec((1, 128), lambda p, i: (0, 0)),
        ],
        out_specs=pl.BlockSpec((_BR, 128), lambda p, i: (i, 0)),
        out_shape=jax.ShapeDtypeStruct((NPAD, 128), jnp.float32),
        scratch_shapes=[pltpu.VMEM((1, 128), jnp.float32)],
    )(s3, dinv, b3)


def kernel(x, edge_index, W1, b1, W2, b2, W3, b3):
    pad_idx = N + (jnp.arange(EPAD - E, dtype=jnp.int32) % (NPAD - N))
    srcp = jnp.concatenate([edge_index[0], pad_idx])
    dstp = jnp.concatenate([edge_index[1], pad_idx])
    srcA = srcp.reshape(TILES, NBA, GA, KA)
    srcB = srcA + NPAD
    dstM = dstp.reshape(TILES, NBA, GA, KA)
    srcE = srcp.reshape(32, CHB, KB)
    dstE = dstp.reshape(32, CHB, KB)

    ones_full = jnp.concatenate(
        [jnp.ones((N, 128), jnp.float32), jnp.zeros((NPAD - N, 128), jnp.float32)]
    )
    zeros_full = jnp.zeros((NPAD, 128), jnp.float32)
    xp = jnp.pad(x, ((0, NPAD - N), (0, 0)))

    deg2 = _sc_degree(dstE, ones_full, zeros_full)
    g1, dinv = _tc_layer1(xp, W1, deg2)
    s1 = _sc_agg1(g1.reshape(2 * NPAD, 128), srcA, srcB, dstM)
    g2 = _tc_mid2(s1, dinv, b1.reshape(2, 128), W2)
    s2 = _sc_agg2(g2, zeros_full, srcE, dstE)
    g3 = _tc_mid3(s2, dinv, b2.reshape(1, 128), W3)
    s3 = _sc_agg2(g3, zeros_full, srcE, dstE)
    return _tc_final(s3, dinv, b3.reshape(1, 128))[:N]

# --- scband reference (transcript-rebuilt; emitter-appended) ---
"""Pipeline reference for scband-gnn-2851858285027 (READ-ONLY COPY).

The authoritative reference and input builder live on the scoring server;
editing this copy changes nothing except your own understanding.
"""

import jax, jax.numpy as jnp
import numpy as np

N = 10000
E = 160000
IN_DIM = 256
H1 = 256
H2 = 128
OUT_DIM = 128


def _glorot(key, fan_in, fan_out):
    scale = jnp.sqrt(2.0 / (fan_in + fan_out))
    return jax.random.normal(key, (fan_in, fan_out), dtype=jnp.float32) * scale


def setup_inputs(seed: int = 0) -> dict:
    key = jax.random.key(seed)
    ks = jax.random.split(key, 8)
    x = jax.random.normal(ks[0], (N, IN_DIM), dtype=jnp.float32)
    edge_index = jax.random.randint(ks[1], (2, E), 0, N, dtype=jnp.int32)
    W1 = _glorot(ks[2], IN_DIM, H1)
    b1 = jnp.zeros((H1,), dtype=jnp.float32)
    W2 = _glorot(ks[3], H1, H2)
    b2 = jnp.zeros((H2,), dtype=jnp.float32)
    W3 = _glorot(ks[4], H2, OUT_DIM)
    b3 = jnp.zeros((OUT_DIM,), dtype=jnp.float32)
    return {"x": x, "edge_index": edge_index, "W1": W1, "b1": b1, "W2": W2, "b2": b2, "W3": W3, "b3": b3}


def _gcn_conv(h, src, dst, W, b):
    # PyG GCNConv: linear transform, add self-loops, sym-normalized scatter-add
    h = h @ W
    deg = jnp.zeros((N,), dtype=h.dtype).at[dst].add(1.0)
    dinv = jnp.where(deg > 0, 1.0 / jnp.sqrt(deg), 0.0)
    norm = dinv[src] * dinv[dst]
    msg = h[src] * norm[:, None]
    out = jnp.zeros((N, h.shape[1]), dtype=h.dtype).at[dst].add(msg)
    return out + b


def reference(x, edge_index, W1, b1, W2, b2, W3, b3):
    loop = jnp.arange(N, dtype=edge_index.dtype)
    src = jnp.concatenate([edge_index[0], loop])
    dst = jnp.concatenate([edge_index[1], loop])
    h = _gcn_conv(x, src, dst, W1, b1)
    h = jax.nn.selu(h)
    # dropout inactive in eval mode
    h = _gcn_conv(h, src, dst, W2, b2)
    h = jax.nn.selu(h)
    h = _gcn_conv(h, src, dst, W3, b3)
    h = h / jnp.sum(h)
    h = jnp.tanh(h) ** 2
    nrm = jnp.maximum(jnp.linalg.norm(h, axis=1, keepdims=True), 1e-12)
    return h / nrm

if __name__ == "__main__":
    import jax
    _d = setup_inputs()
    print(jax.jit(kernel)(*tuple(_d.values())))

</pallas_src>

<mosaic_0001>
#map = affine_map<(d0, d1) -> (0, 0, 0)>
#map1 = affine_map<(d0, d1) -> (0, 0)>
module attributes {stable_mosaic.version = 14 : i64} {
  func.func @_sc_degree(%arg0: i32, %arg1: i32, %arg2: memref<32x40x128xi32, #tpu.memory_space<hbm>>, %arg3: memref<10112x128xf32, #tpu.memory_space<hbm>>, %arg4: memref<10112x128xf32, #tpu.memory_space<hbm>>, %arg5: memref<2x10112x128xf32, #tpu.memory_space<hbm>>, %arg6: memref<40x128xi32, #tpu.memory_space<vmem>>, %arg7: memref<128x128xf32, #tpu.memory_space<vmem>>, %arg8: memref<10112x128xf32, #tpu.memory_space<vmem_shared>>, %arg9: memref<!tpu.dma_semaphore, #tpu.memory_space<semaphore_mem>>, %arg10: memref<!tpu.dma_semaphore, #tpu.memory_space<semaphore_mem>>) attributes {dimension_semantics = [#tpu.dimension_semantics<core_parallel>, #tpu.dimension_semantics<subcore_parallel>], iteration_bounds = array<i64: 2, 16>, scalar_prefetch = 0 : i64, scratch_operands = 5 : i64, tpu.core_type = #tpu.core_type<sc_vector_subcore>, window_params = [{transform_indices = #map}, {transform_indices = #map1}, {transform_indices = #map1}, {transform_indices = #map}]} {
    %mul3A = arith.constant 16 : i32
    %mul3A_0 = arith.muli %arg0, %mul3A : i32
    %add3A = arith.addi %mul3A_0, %arg1 : i32
    %mul3A_1 = arith.constant 632 : i32
    %mul3A_2 = arith.muli %arg1, %mul3A_1 : i32
    "tpu.region"() ({
      %run_scoped3A = tpu.sem_alloc : memref<!tpu.dma_semaphore, #tpu.memory_space<semaphore_mem>>
      %dma_start3A_22 = arith.constant 0 : i32
      %dma_start3A_23 = arith.constant 0 : i32
      %dma_start3A_24 = tpu.memref_slice %arg2[%add3A, %dma_start3A_22, %dma_start3A_23] : memref<32x40x128xi32, #tpu.memory_space<hbm>> -> memref<1x40x128xi32, #tpu.memory_space<hbm>>
      %dma_start3A_25 = tpu.memref_squeeze %dma_start3A_24 : memref<1x40x128xi32, #tpu.memory_space<hbm>> -> memref<40x128xi32, #tpu.memory_space<hbm>>
      %dma_start3A_26 = arith.constant 0 : i32
      %dma_start3A_27 = arith.constant 0 : i32
      %dma_start3A_28 = tpu.memref_slice %arg2[%add3A, %dma_start3A_26, %dma_start3A_27] : memref<32x40x128xi32, #tpu.memory_space<hbm>> -> memref<1x40x128xi32, #tpu.memory_space<hbm>>
      %dma_start3A_29 = tpu.memref_squeeze %dma_start3A_28 : memref<1x40x128xi32, #tpu.memory_space<hbm>> -> memref<40x128xi32, #tpu.memory_space<hbm>>
      tpu.enqueue_dma source(%dma_start3A_29 : memref<40x128xi32, #tpu.memory_space<hbm>>) target(%arg6 : memref<40x128xi32, #tpu.memory_space<vmem>>) target_semaphore(%run_scoped3A : memref<!tpu.dma_semaphore, #tpu.memory_space<semaphore_mem>>)
      %dma_wait3A = arith.constant 0 : i32
      %dma_wait3A_30 = arith.constant 0 : i32
      %dma_wait3A_31 = tpu.memref_slice %arg2[%add3A, %dma_wait3A, %dma_wait3A_30] : memref<32x40x128xi32, #tpu.memory_space<hbm>> -> memref<1x40x128xi32, #tpu.memory_space<hbm>>
      %dma_wait3A_32 = tpu.memref_squeeze %dma_wait3A_31 : memref<1x40x128xi32, #tpu.memory_space<hbm>> -> memref<40x128xi32, #tpu.memory_space<hbm>>
      %dma_wait3A_33 = arith.constant 0 : i32
      %dma_wait3A_34 = arith.constant 0 : i32
      %dma_wait3A_35 = tpu.memref_slice %arg2[%add3A, %dma_wait3A_33, %dma_wait3A_34] : memref<32x40x128xi32, #tpu.memory_space<hbm>> -> memref<1x40x128xi32, #tpu.memory_space<hbm>>
      %dma_wait3A_36 = tpu.memref_squeeze %dma_wait3A_35 : memref<1x40x128xi32, #tpu.memory_space<hbm>> -> memref<40x128xi32, #tpu.memory_space<hbm>>
      tpu.wait_dma2 semaphore(%run_scoped3A : memref<!tpu.dma_semaphore, #tpu.memory_space<semaphore_mem>>) src(%dma_wait3A_36 : memref<40x128xi32, #tpu.memory_space<hbm>>) dst(%arg6 : memref<40x128xi32, #tpu.memory_space<vmem>>)
      tpu.yield
    }) : () -> ()
    "tpu.region"() ({
      %run_scoped3A = tpu.sem_alloc : memref<!tpu.dma_semaphore, #tpu.memory_space<semaphore_mem>>
      %dma_start3A_22 = arith.constant 0 : i32
      %dma_start3A_23 = arith.constant 0 : i32
      %dma_start3A_24 = tpu.memref_slice %arg3[%dma_start3A_22, %dma_start3A_23] : memref<10112x128xf32, #tpu.memory_space<hbm>> -> memref<128x128xf32, #tpu.memory_space<hbm>>
      %dma_start3A_25 = arith.constant 0 : i32
      %dma_start3A_26 = arith.constant 0 : i32
      %dma_start3A_27 = tpu.memref_slice %arg3[%dma_start3A_25, %dma_start3A_26] : memref<10112x128xf32, #tpu.memory_space<hbm>> -> memref<128x128xf32, #tpu.memory_space<hbm>>
      tpu.enqueue_dma source(%dma_start3A_27 : memref<128x128xf32, #tpu.memory_space<hbm>>) target(%arg7 : memref<128x128xf32, #tpu.memory_space<vmem>>) target_semaphore(%run_scoped3A : memref<!tpu.dma_semaphore, #tpu.memory_space<semaphore_mem>>)
      %dma_wait3A = arith.constant 0 : i32
      %dma_wait3A_28 = arith.constant 0 : i32
      %dma_wait3A_29 = tpu.memref_slice %arg3[%dma_wait3A, %dma_wait3A_28] : memref<10112x128xf32, #tpu.memory_space<hbm>> -> memref<128x128xf32, #tpu.memory_space<hbm>>
      %dma_wait3A_30 = arith.constant 0 : i32
      %dma_wait3A_31 = arith.constant 0 : i32
      %dma_wait3A_32 = tpu.memref_slice %arg3[%dma_wait3A_30, %dma_wait3A_31] : memref<10112x128xf32, #tpu.memory_space<hbm>> -> memref<128x128xf32, #tpu.memory_space<hbm>>
      tpu.wait_dma2 semaphore(%run_scoped3A : memref<!tpu.dma_semaphore, #tpu.memory_space<semaphore_mem>>) src(%dma_wait3A_32 : memref<128x128xf32, #tpu.memory_space<hbm>>) dst(%arg7 : memref<128x128xf32, #tpu.memory_space<vmem>>)
      tpu.yield
    }) : () -> ()
    %eq3A = arith.constant 0 : i32
    %eq3A_3 = arith.cmpi eq, %arg0, %eq3A : i32
    %convert_element_type3A = arith.extui %eq3A_3 : i1 to i32
    %cond3A = arith.constant 0 : i32
    %cond3A_4 = arith.cmpi ne, %convert_element_type3A, %cond3A : i32
    scf.if %cond3A_4 {
      "tpu.region"() ({
        %run_scoped3A = tpu.sem_alloc : memref<!tpu.dma_semaphore, #tpu.memory_space<semaphore_mem>>
        %dma_start3A_22 = arith.constant 0 : i32
        %dma_start3A_23 = tpu.memref_slice %arg8[%mul3A_2, %dma_start3A_22] : memref<10112x128xf32, #tpu.memory_space<vmem_shared>> -> memref<632x128xf32, #tpu.memory_space<vmem_shared>>
        %dma_start3A_24 = arith.constant 0 : i32
        %dma_start3A_25 = tpu.memref_slice %arg3[%mul3A_2, %dma_start3A_24] : memref<10112x128xf32, #tpu.memory_space<hbm>> -> memref<632x128xf32, #tpu.memory_space<hbm>>
        tpu.enqueue_dma source(%dma_start3A_25 : memref<632x128xf32, #tpu.memory_space<hbm>>) target(%dma_start3A_23 : memref<632x128xf32, #tpu.memory_space<vmem_shared>>) target_semaphore(%run_scoped3A : memref<!tpu.dma_semaphore, #tpu.memory_space<semaphore_mem>>)
        %dma_wait3A = arith.constant 0 : i32
        %dma_wait3A_26 = tpu.memref_slice %arg8[%mul3A_2, %dma_wait3A] : memref<10112x128xf32, #tpu.memory_space<vmem_shared>> -> memref<632x128xf32, #tpu.memory_space<vmem_shared>>
        %dma_wait3A_27 = arith.constant 0 : i32
        %dma_wait3A_28 = tpu.memref_slice %arg3[%mul3A_2, %dma_wait3A_27] : memref<10112x128xf32, #tpu.memory_space<hbm>> -> memref<632x128xf32, #tpu.memory_space<hbm>>
        tpu.wait_dma2 semaphore(%run_scoped3A : memref<!tpu.dma_semaphore, #tpu.memory_space<semaphore_mem>>) src(%dma_wait3A_28 : memref<632x128xf32, #tpu.memory_space<hbm>>) dst(%dma_wait3A_26 : memref<632x128xf32, #tpu.memory_space<vmem_shared>>)
        tpu.yield
      }) : () -> ()
    } else {
    }
    %eq3A_5 = arith.constant 1 : i32
    %eq3A_6 = arith.cmpi eq, %arg0, %eq3A_5 : i32
    %convert_element_type3A_7 = arith.extui %eq3A_6 : i1 to i32
    %cond3A_8 = arith.constant 0 : i32
    %cond3A_9 = arith.cmpi ne, %convert_element_type3A_7, %cond3A_8 : i32
    scf.if %cond3A_9 {
      "tpu.region"() ({
        %run_scoped3A = tpu.sem_alloc : memref<!tpu.dma_semaphore, #tpu.memory_space<semaphore_mem>>
        %dma_start3A_22 = arith.constant 0 : i32
        %dma_start3A_23 = tpu.memref_slice %arg8[%mul3A_2, %dma_start3A_22] : memref<10112x128xf32, #tpu.memory_space<vmem_shared>> -> memref<632x128xf32, #tpu.memory_space<vmem_shared>>
        %dma_start3A_24 = arith.constant 0 : i32
        %dma_start3A_25 = tpu.memref_slice %arg4[%mul3A_2, %dma_start3A_24] : memref<10112x128xf32, #tpu.memory_space<hbm>> -> memref<632x128xf32, #tpu.memory_space<hbm>>
        tpu.enqueue_dma source(%dma_start3A_25 : memref<632x128xf32, #tpu.memory_space<hbm>>) target(%dma_start3A_23 : memref<632x128xf32, #tpu.memory_space<vmem_shared>>) target_semaphore(%run_scoped3A : memref<!tpu.dma_semaphore, #tpu.memory_space<semaphore_mem>>)
        %dma_wait3A = arith.constant 0 : i32
        %dma_wait3A_26 = tpu.memref_slice %arg8[%mul3A_2, %dma_wait3A] : memref<10112x128xf32, #tpu.memory_space<vmem_shared>> -> memref<632x128xf32, #tpu.memory_space<vmem_shared>>
        %dma_wait3A_27 = arith.constant 0 : i32
        %dma_wait3A_28 = tpu.memref_slice %arg4[%mul3A_2, %dma_wait3A_27] : memref<10112x128xf32, #tpu.memory_space<hbm>> -> memref<632x128xf32, #tpu.memory_space<hbm>>
        tpu.wait_dma2 semaphore(%run_scoped3A : memref<!tpu.dma_semaphore, #tpu.memory_space<semaphore_mem>>) src(%dma_wait3A_28 : memref<632x128xf32, #tpu.memory_space<hbm>>) dst(%dma_wait3A_26 : memref<632x128xf32, #tpu.memory_space<vmem_shared>>)
        tpu.yield
      }) : () -> ()
    } else {
    }
    %barrier3A = arith.constant 0 : index
    tpu.barrier barrier_id(%barrier3A)
    %dma_start3A = arith.constant 0 : i32
    %dma_start3A_10 = arith.constant 0 : i32
    %dma_start3A_11 = tpu.memref_slice %arg6[%dma_start3A, %dma_start3A_10] : memref<40x128xi32, #tpu.memory_space<vmem>> -> memref<1x128xi32, #tpu.memory_space<vmem>>
    %dma_start3A_12 = tpu.memref_squeeze %dma_start3A_11 : memref<1x128xi32, #tpu.memory_space<vmem>> -> memref<128xi32, #tpu.memory_space<vmem>>
    %dma_start3A_13 = arith.constant 0 : i32
    %dma_start3A_14 = arith.constant 0 : i32
    %dma_start3A_15 = tpu.memref_slice %arg8[%dma_start3A_13, %dma_start3A_14] : memref<10112x128xf32, #tpu.memory_space<vmem_shared>> -> memref<10112x128xf32, #tpu.memory_space<vmem_shared>>
    tpu.enqueue_indirect_dma source(%arg7 : memref<128x128xf32, #tpu.memory_space<vmem>>) target(%dma_start3A_15 : memref<10112x128xf32, #tpu.memory_space<vmem_shared>>) offsets(%dma_start3A_12 : memref<128xi32, #tpu.memory_space<vmem>>) semaphore(%arg9 : memref<!tpu.dma_semaphore, #tpu.memory_space<semaphore_mem>>) {add = true}
    %scan3A = arith.constant 0 : i32
    %scan3A_16 = arith.constant 0 : i32
    %scan3A_17 = arith.constant 20 : i32
    %scan3A_18 = arith.addi %scan3A_16, %scan3A_17 : i32
    %scan3A_19 = arith.constant 1 : i32
    scf.for %scan3A_22 = %scan3A_16 to %scan3A_18 step %scan3A_19  : i32 {
      %mul3A_23 = arith.constant 2 : i32
      %mul3A_24 = arith.muli %mul3A_23, %scan3A_22 : i32
      %add3A_25 = arith.constant 1 : i32
      %add3A_26 = arith.addi %mul3A_24, %add3A_25 : i32
      %dma_start3A_27 = arith.constant 0 : i32
      %dma_start3A_28 = tpu.memref_slice %arg6[%add3A_26, %dma_start3A_27] : memref<40x128xi32, #tpu.memory_space<vmem>> -> memref<1x128xi32, #tpu.memory_space<vmem>>
      %dma_start3A_29 = tpu.memref_squeeze %dma_start3A_28 : memref<1x128xi32, #tpu.memory_space<vmem>> -> memref<128xi32, #tpu.memory_space<vmem>>
      %dma_start3A_30 = arith.constant 0 : i32
      %dma_start3A_31 = arith.constant 0 : i32
      %dma_start3A_32 = tpu.memref_slice %arg8[%dma_start3A_30, %dma_start3A_31] : memref<10112x128xf32, #tpu.memory_space<vmem_shared>> -> memref<10112x128xf32, #tpu.memory_space<vmem_shared>>
      tpu.enqueue_indirect_dma source(%arg7 : memref<128x128xf32, #tpu.memory_space<vmem>>) target(%dma_start3A_32 : memref<10112x128xf32, #tpu.memory_space<vmem_shared>>) offsets(%dma_start3A_29 : memref<128xi32, #tpu.memory_space<vmem>>) semaphore(%arg10 : memref<!tpu.dma_semaphore, #tpu.memory_space<semaphore_mem>>) {add = true}
      %dma_wait3A = arith.constant 0 : i32
      %dma_wait3A_33 = arith.constant 0 : i32
      %dma_wait3A_34 = tpu.memref_slice %arg3[%dma_wait3A, %dma_wait3A_33] : memref<10112x128xf32, #tpu.memory_space<hbm>> -> memref<128x128xf32, #tpu.memory_space<hbm>>
      %dma_wait3A_35 = arith.constant 0 : i32
      %dma_wait3A_36 = arith.constant 0 : i32
      %dma_wait3A_37 = tpu.memref_slice %arg3[%dma_wait3A_35, %dma_wait3A_36] : memref<10112x128xf32, #tpu.memory_space<hbm>> -> memref<128x128xf32, #tpu.memory_space<hbm>>
      tpu.wait_dma2 semaphore(%arg9 : memref<!tpu.dma_semaphore, #tpu.memory_space<semaphore_mem>>) src(%dma_wait3A_37 : memref<128x128xf32, #tpu.memory_space<hbm>>) dst(%arg7 : memref<128x128xf32, #tpu.memory_space<vmem>>)
      %add3A_38 = arith.constant 2 : i32
      %add3A_39 = arith.addi %mul3A_24, %add3A_38 : i32
      %lt3A = arith.constant 40 : i32
      %lt3A_40 = arith.cmpi slt, %add3A_39, %lt3A : i32
      %convert_element_type3A_41 = arith.extui %lt3A_40 : i1 to i32
      %cond3A_42 = arith.constant 0 : i32
      %cond3A_43 = arith.cmpi ne, %convert_element_type3A_41, %cond3A_42 : i32
      scf.if %cond3A_43 {
        %add3A_50 = arith.constant 2 : i32
        %add3A_51 = arith.addi %mul3A_24, %add3A_50 : i32
        %dma_start3A_52 = arith.constant 0 : i32
        %dma_start3A_53 = tpu.memref_slice %arg6[%add3A_51, %dma_start3A_52] : memref<40x128xi32, #tpu.memory_space<vmem>> -> memref<1x128xi32, #tpu.memory_space<vmem>>
        %dma_start3A_54 = tpu.memref_squeeze %dma_start3A_53 : memref<1x128xi32, #tpu.memory_space<vmem>> -> memref<128xi32, #tpu.memory_space<vmem>>
        %dma_start3A_55 = arith.constant 0 : i32
        %dma_start3A_56 = arith.constant 0 : i32
        %dma_start3A_57 = tpu.memref_slice %arg8[%dma_start3A_55, %dma_start3A_56] : memref<10112x128xf32, #tpu.memory_space<vmem_shared>> -> memref<10112x128xf32, #tpu.memory_space<vmem_shared>>
        tpu.enqueue_indirect_dma source(%arg7 : memref<128x128xf32, #tpu.memory_space<vmem>>) target(%dma_start3A_57 : memref<10112x128xf32, #tpu.memory_space<vmem_shared>>) offsets(%dma_start3A_54 : memref<128xi32, #tpu.memory_space<vmem>>) semaphore(%arg9 : memref<!tpu.dma_semaphore, #tpu.memory_space<semaphore_mem>>) {add = true}
      } else {
      }
      %dma_wait3A_44 = arith.constant 0 : i32
      %dma_wait3A_45 = arith.constant 0 : i32
      %dma_wait3A_46 = tpu.memref_slice %arg3[%dma_wait3A_44, %dma_wait3A_45] : memref<10112x128xf32, #tpu.memory_space<hbm>> -> memref<128x128xf32, #tpu.memory_space<hbm>>
      %dma_wait3A_47 = arith.constant 0 : i32
      %dma_wait3A_48 = arith.constant 0 : i32
      %dma_wait3A_49 = tpu.memref_slice %arg3[%dma_wait3A_47, %dma_wait3A_48] : memref<10112x128xf32, #tpu.memory_space<hbm>> -> memref<128x128xf32, #tpu.memory_space<hbm>>
      tpu.wait_dma2 semaphore(%arg10 : memref<!tpu.dma_semaphore, #tpu.memory_space<semaphore_mem>>) src(%dma_wait3A_49 : memref<128x128xf32, #tpu.memory_space<hbm>>) dst(%arg7 : memref<128x128xf32, #tpu.memory_space<vmem>>)
    }
    %scan3A_20 = arith.constant 20 : i32
    %barrier3A_21 = arith.constant 0 : index
    tpu.barrier barrier_id(%barrier3A_21)
    "tpu.region"() ({
      %run_scoped3A = tpu.sem_alloc : memref<!tpu.dma_semaphore, #tpu.memory_space<semaphore_mem>>
      %dma_start3A_22 = arith.constant 0 : i32
      %dma_start3A_23 = tpu.memref_slice %arg5[%arg0, %mul3A_2, %dma_start3A_22] : memref<2x10112x128xf32, #tpu.memory_space<hbm>> -> memref<1x632x128xf32, #tpu.memory_space<hbm>>
      %dma_start3A_24 = tpu.memref_squeeze %dma_start3A_23 : memref<1x632x128xf32, #tpu.memory_space<hbm>> -> memref<632x128xf32, #tpu.memory_space<hbm>>
      %dma_start3A_25 = arith.constant 0 : i32
      %dma_start3A_26 = tpu.memref_slice %arg8[%mul3A_2, %dma_start3A_25] : memref<10112x128xf32, #tpu.memory_space<vmem_shared>> -> memref<632x128xf32, #tpu.memory_space<vmem_shared>>
      tpu.enqueue_dma source(%dma_start3A_26 : memref<632x128xf32, #tpu.memory_space<vmem_shared>>) target(%dma_start3A_24 : memref<632x128xf32, #tpu.memory_space<hbm>>) target_semaphore(%run_scoped3A : memref<!tpu.dma_semaphore, #tpu.memory_space<semaphore_mem>>)
      %dma_wait3A = arith.constant 0 : i32
      %dma_wait3A_27 = tpu.memref_slice %arg5[%arg0, %mul3A_2, %dma_wait3A] : memref<2x10112x128xf32, #tpu.memory_space<hbm>> -> memref<1x632x128xf32, #tpu.memory_space<hbm>>
      %dma_wait3A_28 = tpu.memref_squeeze %dma_wait3A_27 : memref<1x632x128xf32, #tpu.memory_space<hbm>> -> memref<632x128xf32, #tpu.memory_space<hbm>>
      %dma_wait3A_29 = arith.constant 0 : i32
      %dma_wait3A_30 = tpu.memref_slice %arg8[%mul3A_2, %dma_wait3A_29] : memref<10112x128xf32, #tpu.memory_space<vmem_shared>> -> memref<632x128xf32, #tpu.memory_space<vmem_shared>>
      tpu.wait_dma2 semaphore(%run_scoped3A : memref<!tpu.dma_semaphore, #tpu.memory_space<semaphore_mem>>) src(%dma_wait3A_30 : memref<632x128xf32, #tpu.memory_space<vmem_shared>>) dst(%dma_wait3A_28 : memref<632x128xf32, #tpu.memory_space<hbm>>)
      tpu.yield
    }) : () -> ()
    return
  }
}

#map = affine_map<(d0, d1) -> (0, 0)>
#map1 = affine_map<(d0, d1) -> (0, 0, 0)>
module attributes {stable_mosaic.version = 14 : i64} {
  func.func @_sc_agg2(%arg0: i32, %arg1: i32, %arg2: memref<10112x128xf32, #tpu.memory_space<hbm>>, %arg3: memref<10112x128xf32, #tpu.memory_space<hbm>>, %arg4: memref<32x40x128xi32, #tpu.memory_space<hbm>>, %arg5: memref<32x40x128xi32, #tpu.memory_space<hbm>>, %arg6: memref<2x10112x128xf32, #tpu.memory_space<hbm>>, %arg7: memref<40x128xi32, #tpu.memory_space<vmem>>, %arg8: memref<40x128xi32, #tpu.memory_space<vmem>>, %arg9: memref<128x128xf32, #tpu.memory_space<vmem>>, %arg10: memref<128x128xf32, #tpu.memory_space<vmem>>, %arg11: memref<10112x128xf32, #tpu.memory_space<vmem_shared>>, %arg12: memref<!tpu.dma_semaphore, #tpu.memory_space<semaphore_mem>>, %arg13: memref<!tpu.dma_semaphore, #tpu.memory_space<semaphore_mem>>) attributes {dimension_semantics = [#tpu.dimension_semantics<core_parallel>, #tpu.dimension_semantics<subcore_parallel>], iteration_bounds = array<i64: 2, 16>, scalar_prefetch = 0 : i64, scratch_operands = 7 : i64, tpu.core_type = #tpu.core_type<sc_vector_subcore>, window_params = [{transform_indices = #map}, {transform_indices = #map}, {transform_indices = #map1}, {transform_indices = #map1}, {transform_indices = #map1}]} {
    %mul3A = arith.constant 16 : i32
    %mul3A_0 = arith.muli %arg0, %mul3A : i32
    %add3A = arith.addi %mul3A_0, %arg1 : i32
    %mul3A_1 = arith.constant 632 : i32
    %mul3A_2 = arith.muli %arg1, %mul3A_1 : i32
    "tpu.region"() ({
      %run_scoped3A = tpu.sem_alloc : memref<!tpu.dma_semaphore, #tpu.memory_space<semaphore_mem>>
      %dma_start3A_22 = arith.constant 0 : i32
      %dma_start3A_23 = arith.constant 0 : i32
      %dma_start3A_24 = tpu.memref_slice %arg4[%add3A, %dma_start3A_22, %dma_start3A_23] : memref<32x40x128xi32, #tpu.memory_space<hbm>> -> memref<1x40x128xi32, #tpu.memory_space<hbm>>
      %dma_start3A_25 = tpu.memref_squeeze %dma_start3A_24 : memref<1x40x128xi32, #tpu.memory_space<hbm>> -> memref<40x128xi32, #tpu.memory_space<hbm>>
      %dma_start3A_26 = arith.constant 0 : i32
      %dma_start3A_27 = arith.constant 0 : i32
      %dma_start3A_28 = tpu.memref_slice %arg4[%add3A, %dma_start3A_26, %dma_start3A_27] : memref<32x40x128xi32, #tpu.memory_space<hbm>> -> memref<1x40x128xi32, #tpu.memory_space<hbm>>
      %dma_start3A_29 = tpu.memref_squeeze %dma_start3A_28 : memref<1x40x128xi32, #tpu.memory_space<hbm>> -> memref<40x128xi32, #tpu.memory_space<hbm>>
      tpu.enqueue_dma source(%dma_start3A_29 : memref<40x128xi32, #tpu.memory_space<hbm>>) target(%arg7 : memref<40x128xi32, #tpu.memory_space<vmem>>) target_semaphore(%run_scoped3A : memref<!tpu.dma_semaphore, #tpu.memory_space<semaphore_mem>>)
      %dma_wait3A = arith.constant 0 : i32
      %dma_wait3A_30 = arith.constant 0 : i32
      %dma_wait3A_31 = tpu.memref_slice %arg4[%add3A, %dma_wait3A, %dma_wait3A_30] : memref<32x40x128xi32, #tpu.memory_space<hbm>> -> memref<1x40x128xi32, #tpu.memory_space<hbm>>
      %dma_wait3A_32 = tpu.memref_squeeze %dma_wait3A_31 : memref<1x40x128xi32, #tpu.memory_space<hbm>> -> memref<40x128xi32, #tpu.memory_space<hbm>>
      %dma_wait3A_33 = arith.constant 0 : i32
      %dma_wait3A_34 = arith.constant 0 : i32
      %dma_wait3A_35 = tpu.memref_slice %arg4[%add3A, %dma_wait3A_33, %dma_wait3A_34] : memref<32x40x128xi32, #tpu.memory_space<hbm>> -> memref<1x40x128xi32, #tpu.memory_space<hbm>>
      %dma_wait3A_36 = tpu.memref_squeeze %dma_wait3A_35 : memref<1x40x128xi32, #tpu.memory_space<hbm>> -> memref<40x128xi32, #tpu.memory_space<hbm>>
      tpu.wait_dma2 semaphore(%run_scoped3A : memref<!tpu.dma_semaphore, #tpu.memory_space<semaphore_mem>>) src(%dma_wait3A_36 : memref<40x128xi32, #tpu.memory_space<hbm>>) dst(%arg7 : memref<40x128xi32, #tpu.memory_space<vmem>>)
      tpu.yield
    }) : () -> ()
    "tpu.region"() ({
      %run_scoped3A = tpu.sem_alloc : memref<!tpu.dma_semaphore, #tpu.memory_space<semaphore_mem>>
      %dma_start3A_22 = arith.constant 0 : i32
      %dma_start3A_23 = arith.constant 0 : i32
      %dma_start3A_24 = tpu.memref_slice %arg5[%add3A, %dma_start3A_22, %dma_start3A_23] : memref<32x40x128xi32, #tpu.memory_space<hbm>> -> memref<1x40x128xi32, #tpu.memory_space<hbm>>
      %dma_start3A_25 = tpu.memref_squeeze %dma_start3A_24 : memref<1x40x128xi32, #tpu.memory_space<hbm>> -> memref<40x128xi32, #tpu.memory_space<hbm>>
      %dma_start3A_26 = arith.constant 0 : i32
      %dma_start3A_27 = arith.constant 0 : i32
      %dma_start3A_28 = tpu.memref_slice %arg5[%add3A, %dma_start3A_26, %dma_start3A_27] : memref<32x40x128xi32, #tpu.memory_space<hbm>> -> memref<1x40x128xi32, #tpu.memory_space<hbm>>
      %dma_start3A_29 = tpu.memref_squeeze %dma_start3A_28 : memref<1x40x128xi32, #tpu.memory_space<hbm>> -> memref<40x128xi32, #tpu.memory_space<hbm>>
      tpu.enqueue_dma source(%dma_start3A_29 : memref<40x128xi32, #tpu.memory_space<hbm>>) target(%arg8 : memref<40x128xi32, #tpu.memory_space<vmem>>) target_semaphore(%run_scoped3A : memref<!tpu.dma_semaphore, #tpu.memory_space<semaphore_mem>>)
      %dma_wait3A = arith.constant 0 : i32
      %dma_wait3A_30 = arith.constant 0 : i32
      %dma_wait3A_31 = tpu.memref_slice %arg5[%add3A, %dma_wait3A, %dma_wait3A_30] : memref<32x40x128xi32, #tpu.memory_space<hbm>> -> memref<1x40x128xi32, #tpu.memory_space<hbm>>
      %dma_wait3A_32 = tpu.memref_squeeze %dma_wait3A_31 : memref<1x40x128xi32, #tpu.memory_space<hbm>> -> memref<40x128xi32, #tpu.memory_space<hbm>>
      %dma_wait3A_33 = arith.constant 0 : i32
      %dma_wait3A_34 = arith.constant 0 : i32
      %dma_wait3A_35 = tpu.memref_slice %arg5[%add3A, %dma_wait3A_33, %dma_wait3A_34] : memref<32x40x128xi32, #tpu.memory_space<hbm>> -> memref<1x40x128xi32, #tpu.memory_space<hbm>>
      %dma_wait3A_36 = tpu.memref_squeeze %dma_wait3A_35 : memref<1x40x128xi32, #tpu.memory_space<hbm>> -> memref<40x128xi32, #tpu.memory_space<hbm>>
      tpu.wait_dma2 semaphore(%run_scoped3A : memref<!tpu.dma_semaphore, #tpu.memory_space<semaphore_mem>>) src(%dma_wait3A_36 : memref<40x128xi32, #tpu.memory_space<hbm>>) dst(%arg8 : memref<40x128xi32, #tpu.memory_space<vmem>>)
      tpu.yield
    }) : () -> ()
    %eq3A = arith.constant 0 : i32
    %eq3A_3 = arith.cmpi eq, %arg0, %eq3A : i32
    %convert_element_type3A = arith.extui %eq3A_3 : i1 to i32
    %cond3A = arith.constant 0 : i32
    %cond3A_4 = arith.cmpi ne, %convert_element_type3A, %cond3A : i32
    scf.if %cond3A_4 {
      "tpu.region"() ({
        %run_scoped3A = tpu.sem_alloc : memref<!tpu.dma_semaphore, #tpu.memory_space<semaphore_mem>>
        %dma_start3A_22 = arith.constant 0 : i32
        %dma_start3A_23 = tpu.memref_slice %arg11[%mul3A_2, %dma_start3A_22] : memref<10112x128xf32, #tpu.memory_space<vmem_shared>> -> memref<632x128xf32, #tpu.memory_space<vmem_shared>>
        %dma_start3A_24 = arith.constant 0 : i32
        %dma_start3A_25 = tpu.memref_slice %arg2[%mul3A_2, %dma_start3A_24] : memref<10112x128xf32, #tpu.memory_space<hbm>> -> memref<632x128xf32, #tpu.memory_space<hbm>>
        tpu.enqueue_dma source(%dma_start3A_25 : memref<632x128xf32, #tpu.memory_space<hbm>>) target(%dma_start3A_23 : memref<632x128xf32, #tpu.memory_space<vmem_shared>>) target_semaphore(%run_scoped3A : memref<!tpu.dma_semaphore, #tpu.memory_space<semaphore_mem>>)
        %dma_wait3A = arith.constant 0 : i32
        %dma_wait3A_26 = tpu.memref_slice %arg11[%mul3A_2, %dma_wait3A] : memref<10112x128xf32, #tpu.memory_space<vmem_shared>> -> memref<632x128xf32, #tpu.memory_space<vmem_shared>>
        %dma_wait3A_27 = arith.constant 0 : i32
        %dma_wait3A_28 = tpu.memref_slice %arg2[%mul3A_2, %dma_wait3A_27] : memref<10112x128xf32, #tpu.memory_space<hbm>> -> memref<632x128xf32, #tpu.memory_space<hbm>>
        tpu.wait_dma2 semaphore(%run_scoped3A : memref<!tpu.dma_semaphore, #tpu.memory_space<semaphore_mem>>) src(%dma_wait3A_28 : memref<632x128xf32, #tpu.memory_space<hbm>>) dst(%dma_wait3A_26 : memref<632x128xf32, #tpu.memory_space<vmem_shared>>)
        tpu.yield
      }) : () -> ()
    } else {
    }
    %eq3A_5 = arith.constant 1 : i32
    %eq3A_6 = arith.cmpi eq, %arg0, %eq3A_5 : i32
    %convert_element_type3A_7 = arith.extui %eq3A_6 : i1 to i32
    %cond3A_8 = arith.constant 0 : i32
    %cond3A_9 = arith.cmpi ne, %convert_element_type3A_7, %cond3A_8 : i32
    scf.if %cond3A_9 {
      "tpu.region"() ({
        %run_scoped3A = tpu.sem_alloc : memref<!tpu.dma_semaphore, #tpu.memory_space<semaphore_mem>>
        %dma_start3A_22 = arith.constant 0 : i32
        %dma_start3A_23 = tpu.memref_slice %arg11[%mul3A_2, %dma_start3A_22] : memref<10112x128xf32, #tpu.memory_space<vmem_shared>> -> memref<632x128xf32, #tpu.memory_space<vmem_shared>>
        %dma_start3A_24 = arith.constant 0 : i32
        %dma_start3A_25 = tpu.memref_slice %arg3[%mul3A_2, %dma_start3A_24] : memref<10112x128xf32, #tpu.memory_space<hbm>> -> memref<632x128xf32, #tpu.memory_space<hbm>>
        tpu.enqueue_dma source(%dma_start3A_25 : memref<632x128xf32, #tpu.memory_space<hbm>>) target(%dma_start3A_23 : memref<632x128xf32, #tpu.memory_space<vmem_shared>>) target_semaphore(%run_scoped3A : memref<!tpu.dma_semaphore, #tpu.memory_space<semaphore_mem>>)
        %dma_wait3A = arith.constant 0 : i32
        %dma_wait3A_26 = tpu.memref_slice %arg11[%mul3A_2, %dma_wait3A] : memref<10112x128xf32, #tpu.memory_space<vmem_shared>> -> memref<632x128xf32, #tpu.memory_space<vmem_shared>>
        %dma_wait3A_27 = arith.constant 0 : i32
        %dma_wait3A_28 = tpu.memref_slice %arg3[%mul3A_2, %dma_wait3A_27] : memref<10112x128xf32, #tpu.memory_space<hbm>> -> memref<632x128xf32, #tpu.memory_space<hbm>>
        tpu.wait_dma2 semaphore(%run_scoped3A : memref<!tpu.dma_semaphore, #tpu.memory_space<semaphore_mem>>) src(%dma_wait3A_28 : memref<632x128xf32, #tpu.memory_space<hbm>>) dst(%dma_wait3A_26 : memref<632x128xf32, #tpu.memory_space<vmem_shared>>)
        tpu.yield
      }) : () -> ()
    } else {
    }
    %barrier3A = arith.constant 0 : index
    tpu.barrier barrier_id(%barrier3A)
    %dma_start3A = arith.constant 0 : i32
    %dma_start3A_10 = arith.constant 0 : i32
    %dma_start3A_11 = tpu.memref_slice %arg7[%dma_start3A, %dma_start3A_10] : memref<40x128xi32, #tpu.memory_space<vmem>> -> memref<1x128xi32, #tpu.memory_space<vmem>>
    %dma_start3A_12 = tpu.memref_squeeze %dma_start3A_11 : memref<1x128xi32, #tpu.memory_space<vmem>> -> memref<128xi32, #tpu.memory_space<vmem>>
    %dma_start3A_13 = arith.constant 0 : i32
    %dma_start3A_14 = arith.constant 0 : i32
    %dma_start3A_15 = tpu.memref_slice %arg2[%dma_start3A_13, %dma_start3A_14] : memref<10112x128xf32, #tpu.memory_space<hbm>> -> memref<10112x128xf32, #tpu.memory_space<hbm>>
    tpu.enqueue_indirect_dma source(%dma_start3A_15 : memref<10112x128xf32, #tpu.memory_space<hbm>>) target(%arg9 : memref<128x128xf32, #tpu.memory_space<vmem>>) offsets(%dma_start3A_12 : memref<128xi32, #tpu.memory_space<vmem>>) semaphore(%arg12 : memref<!tpu.dma_semaphore, #tpu.memory_space<semaphore_mem>>)
    %scan3A = arith.constant 0 : i32
    %scan3A_16 = arith.constant 0 : i32
    %scan3A_17 = arith.constant 20 : i32
    %scan3A_18 = arith.addi %scan3A_16, %scan3A_17 : i32
    %scan3A_19 = arith.constant 1 : i32
    scf.for %scan3A_22 = %scan3A_16 to %scan3A_18 step %scan3A_19  : i32 {
      %mul3A_23 = arith.constant 2 : i32
      %mul3A_24 = arith.muli %mul3A_23, %scan3A_22 : i32
      %add3A_25 = arith.constant 1 : i32
      %add3A_26 = arith.addi %mul3A_24, %add3A_25 : i32
      %dma_start3A_27 = arith.constant 0 : i32
      %dma_start3A_28 = tpu.memref_slice %arg7[%add3A_26, %dma_start3A_27] : memref<40x128xi32, #tpu.memory_space<vmem>> -> memref<1x128xi32, #tpu.memory_space<vmem>>
      %dma_start3A_29 = tpu.memref_squeeze %dma_start3A_28 : memref<1x128xi32, #tpu.memory_space<vmem>> -> memref<128xi32, #tpu.memory_space<vmem>>
      %dma_start3A_30 = arith.constant 0 : i32
      %dma_start3A_31 = arith.constant 0 : i32
      %dma_start3A_32 = tpu.memref_slice %arg2[%dma_start3A_30, %dma_start3A_31] : memref<10112x128xf32, #tpu.memory_space<hbm>> -> memref<10112x128xf32, #tpu.memory_space<hbm>>
      tpu.enqueue_indirect_dma source(%dma_start3A_32 : memref<10112x128xf32, #tpu.memory_space<hbm>>) target(%arg10 : memref<128x128xf32, #tpu.memory_space<vmem>>) offsets(%dma_start3A_29 : memref<128xi32, #tpu.memory_space<vmem>>) semaphore(%arg13 : memref<!tpu.dma_semaphore, #tpu.memory_space<semaphore_mem>>)
      %dma_wait3A = arith.constant 0 : i32
      %dma_wait3A_33 = arith.constant 0 : i32
      %dma_wait3A_34 = tpu.memref_slice %arg2[%dma_wait3A, %dma_wait3A_33] : memref<10112x128xf32, #tpu.memory_space<hbm>> -> memref<128x128xf32, #tpu.memory_space<hbm>>
      %dma_wait3A_35 = arith.constant 0 : i32
      %dma_wait3A_36 = arith.constant 0 : i32
      %dma_wait3A_37 = tpu.memref_slice %arg2[%dma_wait3A_35, %dma_wait3A_36] : memref<10112x128xf32, #tpu.memory_space<hbm>> -> memref<128x128xf32, #tpu.memory_space<hbm>>
      tpu.wait_dma2 semaphore(%arg12 : memref<!tpu.dma_semaphore, #tpu.memory_space<semaphore_mem>>) src(%dma_wait3A_37 : memref<128x128xf32, #tpu.memory_space<hbm>>) dst(%arg9 : memref<128x128xf32, #tpu.memory_space<vmem>>)
      "tpu.region"() ({
        %run_scoped3A = tpu.sem_alloc : memref<!tpu.dma_semaphore, #tpu.memory_space<semaphore_mem>>
        %dma_start3A_52 = arith.constant 0 : i32
        %dma_start3A_53 = tpu.memref_slice %arg8[%mul3A_24, %dma_start3A_52] : memref<40x128xi32, #tpu.memory_space<vmem>> -> memref<1x128xi32, #tpu.memory_space<vmem>>
        %dma_start3A_54 = tpu.memref_squeeze %dma_start3A_53 : memref<1x128xi32, #tpu.memory_space<vmem>> -> memref<128xi32, #tpu.memory_space<vmem>>
        %dma_start3A_55 = arith.constant 0 : i32
        %dma_start3A_56 = arith.constant 0 : i32
        %dma_start3A_57 = tpu.memref_slice %arg11[%dma_start3A_55, %dma_start3A_56] : memref<10112x128xf32, #tpu.memory_space<vmem_shared>> -> memref<10112x128xf32, #tpu.memory_space<vmem_shared>>
        tpu.enqueue_indirect_dma source(%arg9 : memref<128x128xf32, #tpu.memory_space<vmem>>) target(%dma_start3A_57 : memref<10112x128xf32, #tpu.memory_space<vmem_shared>>) offsets(%dma_start3A_54 : memref<128xi32, #tpu.memory_space<vmem>>) semaphore(%run_scoped3A : memref<!tpu.dma_semaphore, #tpu.memory_space<semaphore_mem>>) {add = true}
        %dma_wait3A_58 = arith.constant 0 : i32
        %dma_wait3A_59 = tpu.memref_slice %arg8[%mul3A_24, %dma_wait3A_58] : memref<40x128xi32, #tpu.memory_space<vmem>> -> memref<1x128xi32, #tpu.memory_space<vmem>>
        %dma_wait3A_60 = tpu.memref_squeeze %dma_wait3A_59 : memref<1x128xi32, #tpu.memory_space<vmem>> -> memref<128xi32, #tpu.memory_space<vmem>>
        %dma_wait3A_61 = arith.constant 0 : i32
        %dma_wait3A_62 = arith.constant 0 : i32
        %dma_wait3A_63 = tpu.memref_slice %arg11[%dma_wait3A_61, %dma_wait3A_62] : memref<10112x128xf32, #tpu.memory_space<vmem_shared>> -> memref<10112x128xf32, #tpu.memory_space<vmem_shared>>
        tpu.wait_indirect_dma semaphore(%run_scoped3A : memref<!tpu.dma_semaphore, #tpu.memory_space<semaphore_mem>>) src(%arg9 : memref<128x128xf32, #tpu.memory_space<vmem>>) dst(%dma_wait3A_63 : memref<10112x128xf32, #tpu.memory_space<vmem_shared>>)
        tpu.yield
      }) : () -> ()
      %add3A_38 = arith.constant 2 : i32
      %add3A_39 = arith.addi %mul3A_24, %add3A_38 : i32
      %lt3A = arith.constant 40 : i32
      %lt3A_40 = arith.cmpi slt, %add3A_39, %lt3A : i32
      %convert_element_type3A_41 = arith.extui %lt3A_40 : i1 to i32
      %cond3A_42 = arith.constant 0 : i32
      %cond3A_43 = arith.cmpi ne, %convert_element_type3A_41, %cond3A_42 : i32
      scf.if %cond3A_43 {
        %add3A_52 = arith.constant 2 : i32
        %add3A_53 = arith.addi %mul3A_24, %add3A_52 : i32
        %dma_start3A_54 = arith.constant 0 : i32
        %dma_start3A_55 = tpu.memref_slice %arg7[%add3A_53, %dma_start3A_54] : memref<40x128xi32, #tpu.memory_space<vmem>> -> memref<1x128xi32, #tpu.memory_space<vmem>>
        %dma_start3A_56 = tpu.memref_squeeze %dma_start3A_55 : memref<1x128xi32, #tpu.memory_space<vmem>> -> memref<128xi32, #tpu.memory_space<vmem>>
        %dma_start3A_57 = arith.constant 0 : i32
        %dma_start3A_58 = arith.constant 0 : i32
        %dma_start3A_59 = tpu.memref_slice %arg2[%dma_start3A_57, %dma_start3A_58] : memref<10112x128xf32, #tpu.memory_space<hbm>> -> memref<10112x128xf32, #tpu.memory_space<hbm>>
        tpu.enqueue_indirect_dma source(%dma_start3A_59 : memref<10112x128xf32, #tpu.memory_space<hbm>>) target(%arg9 : memref<128x128xf32, #tpu.memory_space<vmem>>) offsets(%dma_start3A_56 : memref<128xi32, #tpu.memory_space<vmem>>) semaphore(%arg12 : memref<!tpu.dma_semaphore, #tpu.memory_space<semaphore_mem>>)
      } else {
      }
      %dma_wait3A_44 = arith.constant 0 : i32
      %dma_wait3A_45 = arith.constant 0 : i32
      %dma_wait3A_46 = tpu.memref_slice %arg2[%dma_wait3A_44, %dma_wait3A_45] : memref<10112x128xf32, #tpu.memory_space<hbm>> -> memref<128x128xf32, #tpu.memory_space<hbm>>
      %dma_wait3A_47 = arith.constant 0 : i32
      %dma_wait3A_48 = arith.constant 0 : i32
      %dma_wait3A_49 = tpu.memref_slice %arg2[%dma_wait3A_47, %dma_wait3A_48] : memref<10112x128xf32, #tpu.memory_space<hbm>> -> memref<128x128xf32, #tpu.memory_space<hbm>>
      tpu.wait_dma2 semaphore(%arg13 : memref<!tpu.dma_semaphore, #tpu.memory_space<semaphore_mem>>) src(%dma_wait3A_49 : memref<128x128xf32, #tpu.memory_space<hbm>>) dst(%arg10 : memref<128x128xf32, #tpu.memory_space<vmem>>)
      %add3A_50 = arith.constant 1 : i32
      %add3A_51 = arith.addi %mul3A_24, %add3A_50 : i32
      "tpu.region"() ({
        %run_scoped3A = tpu.sem_alloc : memref<!tpu.dma_semaphore, #tpu.memory_space<semaphore_mem>>
        %dma_start3A_52 = arith.constant 0 : i32
        %dma_start3A_53 = tpu.memref_slice %arg8[%add3A_51, %dma_start3A_52] : memref<40x128xi32, #tpu.memory_space<vmem>> -> memref<1x128xi32, #tpu.memory_space<vmem>>
        %dma_start3A_54 = tpu.memref_squeeze %dma_start3A_53 : memref<1x128xi32, #tpu.memory_space<vmem>> -> memref<128xi32, #tpu.memory_space<vmem>>
        %dma_start3A_55 = arith.constant 0 : i32
        %dma_start3A_56 = arith.constant 0 : i32
        %dma_start3A_57 = tpu.memref_slice %arg11[%dma_start3A_55, %dma_start3A_56] : memref<10112x128xf32, #tpu.memory_space<vmem_shared>> -> memref<10112x128xf32, #tpu.memory_space<vmem_shared>>
        tpu.enqueue_indirect_dma source(%arg10 : memref<128x128xf32, #tpu.memory_space<vmem>>) target(%dma_start3A_57 : memref<10112x128xf32, #tpu.memory_space<vmem_shared>>) offsets(%dma_start3A_54 : memref<128xi32, #tpu.memory_space<vmem>>) semaphore(%run_scoped3A : memref<!tpu.dma_semaphore, #tpu.memory_space<semaphore_mem>>) {add = true}
        %dma_wait3A_58 = arith.constant 0 : i32
        %dma_wait3A_59 = tpu.memref_slice %arg8[%add3A_51, %dma_wait3A_58] : memref<40x128xi32, #tpu.memory_space<vmem>> -> memref<1x128xi32, #tpu.memory_space<vmem>>
        %dma_wait3A_60 = tpu.memref_squeeze %dma_wait3A_59 : memref<1x128xi32, #tpu.memory_space<vmem>> -> memref<128xi32, #tpu.memory_space<vmem>>
        %dma_wait3A_61 = arith.constant 0 : i32
        %dma_wait3A_62 = arith.constant 0 : i32
        %dma_wait3A_63 = tpu.memref_slice %arg11[%dma_wait3A_61, %dma_wait3A_62] : memref<10112x128xf32, #tpu.memory_space<vmem_shared>> -> memref<10112x128xf32, #tpu.memory_space<vmem_shared>>
        tpu.wait_indirect_dma semaphore(%run_scoped3A : memref<!tpu.dma_semaphore, #tpu.memory_space<semaphore_mem>>) src(%arg10 : memref<128x128xf32, #tpu.memory_space<vmem>>) dst(%dma_wait3A_63 : memref<10112x128xf32, #tpu.memory_space<vmem_shared>>)
        tpu.yield
      }) : () -> ()
    }
    %scan3A_20 = arith.constant 20 : i32
    %barrier3A_21 = arith.constant 0 : index
    tpu.barrier barrier_id(%barrier3A_21)
    "tpu.region"() ({
      %run_scoped3A = tpu.sem_alloc : memref<!tpu.dma_semaphore, #tpu.memory_space<semaphore_mem>>
      %dma_start3A_22 = arith.constant 0 : i32
      %dma_start3A_23 = tpu.memref_slice %arg6[%arg0, %mul3A_2, %dma_start3A_22] : memref<2x10112x128xf32, #tpu.memory_space<hbm>> -> memref<1x632x128xf32, #tpu.memory_space<hbm>>
      %dma_start3A_24 = tpu.memref_squeeze %dma_start3A_23 : memref<1x632x128xf32, #tpu.memory_space<hbm>> -> memref<632x128xf32, #tpu.memory_space<hbm>>
      %dma_start3A_25 = arith.constant 0 : i32
      %dma_start3A_26 = tpu.memref_slice %arg11[%mul3A_2, %dma_start3A_25] : memref<10112x128xf32, #tpu.memory_space<vmem_shared>> -> memref<632x128xf32, #tpu.memory_space<vmem_shared>>
      tpu.enqueue_dma source(%dma_start3A_26 : memref<632x128xf32, #tpu.memory_space<vmem_shared>>) target(%dma_start3A_24 : memref<632x128xf32, #tpu.memory_space<hbm>>) target_semaphore(%run_scoped3A : memref<!tpu.dma_semaphore, #tpu.memory_space<semaphore_mem>>)
      %dma_wait3A = arith.constant 0 : i32
      %dma_wait3A_27 = tpu.memref_slice %arg6[%arg0, %mul3A_2, %dma_wait3A] : memref<2x10112x128xf32, #tpu.memory_space<hbm>> -> memref<1x632x128xf32, #tpu.memory_space<hbm>>
      %dma_wait3A_28 = tpu.memref_squeeze %dma_wait3A_27 : memref<1x632x128xf32, #tpu.memory_space<hbm>> -> memref<632x128xf32, #tpu.memory_space<hbm>>
      %dma_wait3A_29 = arith.constant 0 : i32
      %dma_wait3A_30 = tpu.memref_slice %arg11[%mul3A_2, %dma_wait3A_29] : memref<10112x128xf32, #tpu.memory_space<vmem_shared>> -> memref<632x128xf32, #tpu.memory_space<vmem_shared>>
      tpu.wait_dma2 semaphore(%run_scoped3A : memref<!tpu.dma_semaphore, #tpu.memory_space<semaphore_mem>>) src(%dma_wait3A_30 : memref<632x128xf32, #tpu.memory_space<vmem_shared>>) dst(%dma_wait3A_28 : memref<632x128xf32, #tpu.memory_space<hbm>>)
      tpu.yield
    }) : () -> ()
    return
  }
}

#map = affine_map<(d0, d1) -> (0, 0)>
#map1 = affine_map<(d0, d1) -> (0, 0, 0, 0)>
#map2 = affine_map<(d0, d1) -> (0, 0, 0)>
module attributes {stable_mosaic.version = 14 : i64} {
  func.func @_sc_agg1(%arg0: i32, %arg1: i32, %arg2: memref<20224x128xf32, #tpu.memory_space<hbm>>, %arg3: memref<16x2x40x128xi32, #tpu.memory_space<hbm>>, %arg4: memref<16x2x40x128xi32, #tpu.memory_space<hbm>>, %arg5: memref<16x2x40x128xi32, #tpu.memory_space<hbm>>, %arg6: memref<2x10112x128xf32, #tpu.memory_space<hbm>>, %arg7: memref<40x128xi32, #tpu.memory_space<vmem>>, %arg8: memref<40x128xi32, #tpu.memory_space<vmem>>, %arg9: memref<128x128xf32, #tpu.memory_space<vmem>>, %arg10: memref<128x128xf32, #tpu.memory_space<vmem>>, %arg11: memref<10112x128xf32, #tpu.memory_space<vmem_shared>>, %arg12: memref<!tpu.dma_semaphore, #tpu.memory_space<semaphore_mem>>, %arg13: memref<!tpu.dma_semaphore, #tpu.memory_space<semaphore_mem>>) attributes {dimension_semantics = [#tpu.dimension_semantics<core_parallel>, #tpu.dimension_semantics<subcore_parallel>], iteration_bounds = array<i64: 2, 16>, scalar_prefetch = 0 : i64, scratch_operands = 7 : i64, tpu.core_type = #tpu.core_type<sc_vector_subcore>, window_params = [{transform_indices = #map}, {transform_indices = #map1}, {transform_indices = #map1}, {transform_indices = #map1}, {transform_indices = #map2}]} {
    %mul3A = arith.constant 632 : i32
    %mul3A_0 = arith.muli %arg1, %mul3A : i32
    %mul3A_1 = arith.constant 10112 : i32
    %mul3A_2 = arith.muli %arg0, %mul3A_1 : i32
    %add3A = arith.addi %mul3A_2, %mul3A_0 : i32
    "tpu.region"() ({
      %run_scoped3A = tpu.sem_alloc : memref<!tpu.dma_semaphore, #tpu.memory_space<semaphore_mem>>
      %dma_start3A = arith.constant 0 : i32
      %dma_start3A_9 = tpu.memref_slice %arg11[%mul3A_0, %dma_start3A] : memref<10112x128xf32, #tpu.memory_space<vmem_shared>> -> memref<632x128xf32, #tpu.memory_space<vmem_shared>>
      %dma_start3A_10 = arith.constant 0 : i32
      %dma_start3A_11 = tpu.memref_slice %arg2[%add3A, %dma_start3A_10] : memref<20224x128xf32, #tpu.memory_space<hbm>> -> memref<632x128xf32, #tpu.memory_space<hbm>>
      tpu.enqueue_dma source(%dma_start3A_11 : memref<632x128xf32, #tpu.memory_space<hbm>>) target(%dma_start3A_9 : memref<632x128xf32, #tpu.memory_space<vmem_shared>>) target_semaphore(%run_scoped3A : memref<!tpu.dma_semaphore, #tpu.memory_space<semaphore_mem>>)
      %dma_wait3A = arith.constant 0 : i32
      %dma_wait3A_12 = tpu.memref_slice %arg11[%mul3A_0, %dma_wait3A] : memref<10112x128xf32, #tpu.memory_space<vmem_shared>> -> memref<632x128xf32, #tpu.memory_space<vmem_shared>>
      %dma_wait3A_13 = arith.constant 0 : i32
      %dma_wait3A_14 = tpu.memref_slice %arg2[%add3A, %dma_wait3A_13] : memref<20224x128xf32, #tpu.memory_space<hbm>> -> memref<632x128xf32, #tpu.memory_space<hbm>>
      tpu.wait_dma2 semaphore(%run_scoped3A : memref<!tpu.dma_semaphore, #tpu.memory_space<semaphore_mem>>) src(%dma_wait3A_14 : memref<632x128xf32, #tpu.memory_space<hbm>>) dst(%dma_wait3A_12 : memref<632x128xf32, #tpu.memory_space<vmem_shared>>)
      tpu.yield
    }) : () -> ()
    %barrier3A = arith.constant 0 : index
    tpu.barrier barrier_id(%barrier3A)
    %scan3A = arith.constant 0 : i32
    %scan3A_3 = arith.constant 0 : i32
    %scan3A_4 = arith.constant 2 : i32
    %scan3A_5 = arith.addi %scan3A_3, %scan3A_4 : i32
    %scan3A_6 = arith.constant 1 : i32
    scf.for %scan3A_9 = %scan3A_3 to %scan3A_5 step %scan3A_6  : i32 {
      %eq3A = arith.constant 0 : i32
      %eq3A_10 = arith.cmpi eq, %arg0, %eq3A : i32
      %convert_element_type3A = arith.extui %eq3A_10 : i1 to i32
      %cond3A = arith.constant 0 : i32
      %cond3A_11 = arith.cmpi ne, %convert_element_type3A, %cond3A : i32
      scf.if %cond3A_11 {
        "tpu.region"() ({
          %run_scoped3A = tpu.sem_alloc : memref<!tpu.dma_semaphore, #tpu.memory_space<semaphore_mem>>
          %dma_start3A_29 = arith.constant 0 : i32
          %dma_start3A_30 = arith.constant 0 : i32
          %dma_start3A_31 = tpu.memref_slice %arg3[%arg1, %scan3A_9, %dma_start3A_29, %dma_start3A_30] : memref<16x2x40x128xi32, #tpu.memory_space<hbm>> -> memref<1x1x40x128xi32, #tpu.memory_space<hbm>>
          %dma_start3A_32 = tpu.memref_squeeze %dma_start3A_31 : memref<1x1x40x128xi32, #tpu.memory_space<hbm>> -> memref<40x128xi32, #tpu.memory_space<hbm>>
          %dma_start3A_33 = arith.constant 0 : i32
          %dma_start3A_34 = arith.constant 0 : i32
          %dma_start3A_35 = tpu.memref_slice %arg3[%arg1, %scan3A_9, %dma_start3A_33, %dma_start3A_34] : memref<16x2x40x128xi32, #tpu.memory_space<hbm>> -> memref<1x1x40x128xi32, #tpu.memory_space<hbm>>
          %dma_start3A_36 = tpu.memref_squeeze %dma_start3A_35 : memref<1x1x40x128xi32, #tpu.memory_space<hbm>> -> memref<40x128xi32, #tpu.memory_space<hbm>>
          tpu.enqueue_dma source(%dma_start3A_36 : memref<40x128xi32, #tpu.memory_space<hbm>>) target(%arg7 : memref<40x128xi32, #tpu.memory_space<vmem>>) target_semaphore(%run_scoped3A : memref<!tpu.dma_semaphore, #tpu.memory_space<semaphore_mem>>)
          %dma_wait3A = arith.constant 0 : i32
          %dma_wait3A_37 = arith.constant 0 : i32
          %dma_wait3A_38 = tpu.memref_slice %arg3[%arg1, %scan3A_9, %dma_wait3A, %dma_wait3A_37] : memref<16x2x40x128xi32, #tpu.memory_space<hbm>> -> memref<1x1x40x128xi32, #tpu.memory_space<hbm>>
          %dma_wait3A_39 = tpu.memref_squeeze %dma_wait3A_38 : memref<1x1x40x128xi32, #tpu.memory_space<hbm>> -> memref<40x128xi32, #tpu.memory_space<hbm>>
          %dma_wait3A_40 = arith.constant 0 : i32
          %dma_wait3A_41 = arith.constant 0 : i32
          %dma_wait3A_42 = tpu.memref_slice %arg3[%arg1, %scan3A_9, %dma_wait3A_40, %dma_wait3A_41] : memref<16x2x40x128xi32, #tpu.memory_space<hbm>> -> memref<1x1x40x128xi32, #tpu.memory_space<hbm>>
          %dma_wait3A_43 = tpu.memref_squeeze %dma_wait3A_42 : memref<1x1x40x128xi32, #tpu.memory_space<hbm>> -> memref<40x128xi32, #tpu.memory_space<hbm>>
          tpu.wait_dma2 semaphore(%run_scoped3A : memref<!tpu.dma_semaphore, #tpu.memory_space<semaphore_mem>>) src(%dma_wait3A_43 : memref<40x128xi32, #tpu.memory_space<hbm>>) dst(%arg7 : memref<40x128xi32, #tpu.memory_space<vmem>>)
          tpu.yield
        }) : () -> ()
      } else {
      }
      %eq3A_12 = arith.constant 1 : i32
      %eq3A_13 = arith.cmpi eq, %arg0, %eq3A_12 : i32
      %convert_element_type3A_14 = arith.extui %eq3A_13 : i1 to i32
      %cond3A_15 = arith.constant 0 : i32
      %cond3A_16 = arith.cmpi ne, %convert_element_type3A_14, %cond3A_15 : i32
      scf.if %cond3A_16 {
        "tpu.region"() ({
          %run_scoped3A = tpu.sem_alloc : memref<!tpu.dma_semaphore, #tpu.memory_space<semaphore_mem>>
          %dma_start3A_29 = arith.constant 0 : i32
          %dma_start3A_30 = arith.constant 0 : i32
          %dma_start3A_31 = tpu.memref_slice %arg4[%arg1, %scan3A_9, %dma_start3A_29, %dma_start3A_30] : memref<16x2x40x128xi32, #tpu.memory_space<hbm>> -> memref<1x1x40x128xi32, #tpu.memory_space<hbm>>
          %dma_start3A_32 = tpu.memref_squeeze %dma_start3A_31 : memref<1x1x40x128xi32, #tpu.memory_space<hbm>> -> memref<40x128xi32, #tpu.memory_space<hbm>>
          %dma_start3A_33 = arith.constant 0 : i32
          %dma_start3A_34 = arith.constant 0 : i32
          %dma_start3A_35 = tpu.memref_slice %arg4[%arg1, %scan3A_9, %dma_start3A_33, %dma_start3A_34] : memref<16x2x40x128xi32, #tpu.memory_space<hbm>> -> memref<1x1x40x128xi32, #tpu.memory_space<hbm>>
          %dma_start3A_36 = tpu.memref_squeeze %dma_start3A_35 : memref<1x1x40x128xi32, #tpu.memory_space<hbm>> -> memref<40x128xi32, #tpu.memory_space<hbm>>
          tpu.enqueue_dma source(%dma_start3A_36 : memref<40x128xi32, #tpu.memory_space<hbm>>) target(%arg7 : memref<40x128xi32, #tpu.memory_space<vmem>>) target_semaphore(%run_scoped3A : memref<!tpu.dma_semaphore, #tpu.memory_space<semaphore_mem>>)
          %dma_wait3A = arith.constant 0 : i32
          %dma_wait3A_37 = arith.constant 0 : i32
          %dma_wait3A_38 = tpu.memref_slice %arg4[%arg1, %scan3A_9, %dma_wait3A, %dma_wait3A_37] : memref<16x2x40x128xi32, #tpu.memory_space<hbm>> -> memref<1x1x40x128xi32, #tpu.memory_space<hbm>>
          %dma_wait3A_39 = tpu.memref_squeeze %dma_wait3A_38 : memref<1x1x40x128xi32, #tpu.memory_space<hbm>> -> memref<40x128xi32, #tpu.memory_space<hbm>>
          %dma_wait3A_40 = arith.constant 0 : i32
          %dma_wait3A_41 = arith.constant 0 : i32
          %dma_wait3A_42 = tpu.memref_slice %arg4[%arg1, %scan3A_9, %dma_wait3A_40, %dma_wait3A_41] : memref<16x2x40x128xi32, #tpu.memory_space<hbm>> -> memref<1x1x40x128xi32, #tpu.memory_space<hbm>>
          %dma_wait3A_43 = tpu.memref_squeeze %dma_wait3A_42 : memref<1x1x40x128xi32, #tpu.memory_space<hbm>> -> memref<40x128xi32, #tpu.memory_space<hbm>>
          tpu.wait_dma2 semaphore(%run_scoped3A : memref<!tpu.dma_semaphore, #tpu.memory_space<semaphore_mem>>) src(%dma_wait3A_43 : memref<40x128xi32, #tpu.memory_space<hbm>>) dst(%arg7 : memref<40x128xi32, #tpu.memory_space<vmem>>)
          tpu.yield
        }) : () -> ()
      } else {
      }
      "tpu.region"() ({
        %run_scoped3A = tpu.sem_alloc : memref<!tpu.dma_semaphore, #tpu.memory_space<semaphore_mem>>
        %dma_start3A_29 = arith.constant 0 : i32
        %dma_start3A_30 = arith.constant 0 : i32
        %dma_start3A_31 = tpu.memref_slice %arg5[%arg1, %scan3A_9, %dma_start3A_29, %dma_start3A_30] : memref<16x2x40x128xi32, #tpu.memory_space<hbm>> -> memref<1x1x40x128xi32, #tpu.memory_space<hbm>>
        %dma_start3A_32 = tpu.memref_squeeze %dma_start3A_31 : memref<1x1x40x128xi32, #tpu.memory_space<hbm>> -> memref<40x128xi32, #tpu.memory_space<hbm>>
        %dma_start3A_33 = arith.constant 0 : i32
        %dma_start3A_34 = arith.constant 0 : i32
        %dma_start3A_35 = tpu.memref_slice %arg5[%arg1, %scan3A_9, %dma_start3A_33, %dma_start3A_34] : memref<16x2x40x128xi32, #tpu.memory_space<hbm>> -> memref<1x1x40x128xi32, #tpu.memory_space<hbm>>
        %dma_start3A_36 = tpu.memref_squeeze %dma_start3A_35 : memref<1x1x40x128xi32, #tpu.memory_space<hbm>> -> memref<40x128xi32, #tpu.memory_space<hbm>>
        tpu.enqueue_dma source(%dma_start3A_36 : memref<40x128xi32, #tpu.memory_space<hbm>>) target(%arg8 : memref<40x128xi32, #tpu.memory_space<vmem>>) target_semaphore(%run_scoped3A : memref<!tpu.dma_semaphore, #tpu.memory_space<semaphore_mem>>)
        %dma_wait3A = arith.constant 0 : i32
        %dma_wait3A_37 = arith.constant 0 : i32
        %dma_wait3A_38 = tpu.memref_slice %arg5[%arg1, %scan3A_9, %dma_wait3A, %dma_wait3A_37] : memref<16x2x40x128xi32, #tpu.memory_space<hbm>> -> memref<1x1x40x128xi32, #tpu.memory_space<hbm>>
        %dma_wait3A_39 = tpu.memref_squeeze %dma_wait3A_38 : memref<1x1x40x128xi32, #tpu.memory_space<hbm>> -> memref<40x128xi32, #tpu.memory_space<hbm>>
        %dma_wait3A_40 = arith.constant 0 : i32
        %dma_wait3A_41 = arith.constant 0 : i32
        %dma_wait3A_42 = tpu.memref_slice %arg5[%arg1, %scan3A_9, %dma_wait3A_40, %dma_wait3A_41] : memref<16x2x40x128xi32, #tpu.memory_space<hbm>> -> memref<1x1x40x128xi32, #tpu.memory_space<hbm>>
        %dma_wait3A_43 = tpu.memref_squeeze %dma_wait3A_42 : memref<1x1x40x128xi32, #tpu.memory_space<hbm>> -> memref<40x128xi32, #tpu.memory_space<hbm>>
        tpu.wait_dma2 semaphore(%run_scoped3A : memref<!tpu.dma_semaphore, #tpu.memory_space<semaphore_mem>>) src(%dma_wait3A_43 : memref<40x128xi32, #tpu.memory_space<hbm>>) dst(%arg8 : memref<40x128xi32, #tpu.memory_space<vmem>>)
        tpu.yield
      }) : () -> ()
      %dma_start3A = arith.constant 0 : i32
      %dma_start3A_17 = arith.constant 0 : i32
      %dma_start3A_18 = tpu.memref_slice %arg7[%dma_start3A, %dma_start3A_17] : memref<40x128xi32, #tpu.memory_space<vmem>> -> memref<1x128xi32, #tpu.memory_space<vmem>>
      %dma_start3A_19 = tpu.memref_squeeze %dma_start3A_18 : memref<1x128xi32, #tpu.memory_space<vmem>> -> memref<128xi32, #tpu.memory_space<vmem>>
      %dma_start3A_20 = arith.constant 0 : i32
      %dma_start3A_21 = arith.constant 0 : i32
      %dma_start3A_22 = tpu.memref_slice %arg2[%dma_start3A_20, %dma_start3A_21] : memref<20224x128xf32, #tpu.memory_space<hbm>> -> memref<20224x128xf32, #tpu.memory_space<hbm>>
      tpu.enqueue_indirect_dma source(%dma_start3A_22 : memref<20224x128xf32, #tpu.memory_space<hbm>>) target(%arg9 : memref<128x128xf32, #tpu.memory_space<vmem>>) offsets(%dma_start3A_19 : memref<128xi32, #tpu.memory_space<vmem>>) semaphore(%arg12 : memref<!tpu.dma_semaphore, #tpu.memory_space<semaphore_mem>>)
      %scan3A_23 = arith.constant 0 : i32
      %scan3A_24 = arith.constant 0 : i32
      %scan3A_25 = arith.constant 20 : i32
      %scan3A_26 = arith.addi %scan3A_24, %scan3A_25 : i32
      %scan3A_27 = arith.constant 1 : i32
      scf.for %scan3A_29 = %scan3A_24 to %scan3A_26 step %scan3A_27  : i32 {
        %mul3A_30 = arith.constant 2 : i32
        %mul3A_31 = arith.muli %mul3A_30, %scan3A_29 : i32
        %add3A_32 = arith.constant 1 : i32
        %add3A_33 = arith.addi %mul3A_31, %add3A_32 : i32
        %dma_start3A_34 = arith.constant 0 : i32
        %dma_start3A_35 = tpu.memref_slice %arg7[%add3A_33, %dma_start3A_34] : memref<40x128xi32, #tpu.memory_space<vmem>> -> memref<1x128xi32, #tpu.memory_space<vmem>>
        %dma_start3A_36 = tpu.memref_squeeze %dma_start3A_35 : memref<1x128xi32, #tpu.memory_space<vmem>> -> memref<128xi32, #tpu.memory_space<vmem>>
        %dma_start3A_37 = arith.constant 0 : i32
        %dma_start3A_38 = arith.constant 0 : i32
        %dma_start3A_39 = tpu.memref_slice %arg2[%dma_start3A_37, %dma_start3A_38] : memref<20224x128xf32, #tpu.memory_space<hbm>> -> memref<20224x128xf32, #tpu.memory_space<hbm>>
        tpu.enqueue_indirect_dma source(%dma_start3A_39 : memref<20224x128xf32, #tpu.memory_space<hbm>>) target(%arg10 : memref<128x128xf32, #tpu.memory_space<vmem>>) offsets(%dma_start3A_36 : memref<128xi32, #tpu.memory_space<vmem>>) semaphore(%arg13 : memref<!tpu.dma_semaphore, #tpu.memory_space<semaphore_mem>>)
        %dma_wait3A = arith.constant 0 : i32
        %dma_wait3A_40 = arith.constant 0 : i32
        %dma_wait3A_41 = tpu.memref_slice %arg2[%dma_wait3A, %dma_wait3A_40] : memref<20224x128xf32, #tpu.memory_space<hbm>> -> memref<128x128xf32, #tpu.memory_space<hbm>>
        %dma_wait3A_42 = arith.constant 0 : i32
        %dma_wait3A_43 = arith.constant 0 : i32
        %dma_wait3A_44 = tpu.memref_slice %arg2[%dma_wait3A_42, %dma_wait3A_43] : memref<20224x128xf32, #tpu.memory_space<hbm>> -> memref<128x128xf32, #tpu.memory_space<hbm>>
        tpu.wait_dma2 semaphore(%arg12 : memref<!tpu.dma_semaphore, #tpu.memory_space<semaphore_mem>>) src(%dma_wait3A_44 : memref<128x128xf32, #tpu.memory_space<hbm>>) dst(%arg9 : memref<128x128xf32, #tpu.memory_space<vmem>>)
        "tpu.region"() ({
          %run_scoped3A = tpu.sem_alloc : memref<!tpu.dma_semaphore, #tpu.memory_space<semaphore_mem>>
          %dma_start3A_59 = arith.constant 0 : i32
          %dma_start3A_60 = tpu.memref_slice %arg8[%mul3A_31, %dma_start3A_59] : memref<40x128xi32, #tpu.memory_space<vmem>> -> memref<1x128xi32, #tpu.memory_space<vmem>>
          %dma_start3A_61 = tpu.memref_squeeze %dma_start3A_60 : memref<1x128xi32, #tpu.memory_space<vmem>> -> memref<128xi32, #tpu.memory_space<vmem>>
          %dma_start3A_62 = arith.constant 0 : i32
          %dma_start3A_63 = arith.constant 0 : i32
          %dma_start3A_64 = tpu.memref_slice %arg11[%dma_start3A_62, %dma_start3A_63] : memref<10112x128xf32, #tpu.memory_space<vmem_shared>> -> memref<10112x128xf32, #tpu.memory_space<vmem_shared>>
          tpu.enqueue_indirect_dma source(%arg9 : memref<128x128xf32, #tpu.memory_space<vmem>>) target(%dma_start3A_64 : memref<10112x128xf32, #tpu.memory_space<vmem_shared>>) offsets(%dma_start3A_61 : memref<128xi32, #tpu.memory_space<vmem>>) semaphore(%run_scoped3A : memref<!tpu.dma_semaphore, #tpu.memory_space<semaphore_mem>>) {add = true}
          %dma_wait3A_65 = arith.constant 0 : i32
          %dma_wait3A_66 = tpu.memref_slice %arg8[%mul3A_31, %dma_wait3A_65] : memref<40x128xi32, #tpu.memory_space<vmem>> -> memref<1x128xi32, #tpu.memory_space<vmem>>
          %dma_wait3A_67 = tpu.memref_squeeze %dma_wait3A_66 : memref<1x128xi32, #tpu.memory_space<vmem>> -> memref<128xi32, #tpu.memory_space<vmem>>
          %dma_wait3A_68 = arith.constant 0 : i32
          %dma_wait3A_69 = arith.constant 0 : i32
          %dma_wait3A_70 = tpu.memref_slice %arg11[%dma_wait3A_68, %dma_wait3A_69] : memref<10112x128xf32, #tpu.memory_space<vmem_shared>> -> memref<10112x128xf32, #tpu.memory_space<vmem_shared>>
          tpu.wait_indirect_dma semaphore(%run_scoped3A : memref<!tpu.dma_semaphore, #tpu.memory_space<semaphore_mem>>) src(%arg9 : memref<128x128xf32, #tpu.memory_space<vmem>>) dst(%dma_wait3A_70 : memref<10112x128xf32, #tpu.memory_space<vmem_shared>>)
          tpu.yield
        }) : () -> ()
        %add3A_45 = arith.constant 2 : i32
        %add3A_46 = arith.addi %mul3A_31, %add3A_45 : i32
        %lt3A = arith.constant 40 : i32
        %lt3A_47 = arith.cmpi slt, %add3A_46, %lt3A : i32
        %convert_element_type3A_48 = arith.extui %lt3A_47 : i1 to i32
        %cond3A_49 = arith.constant 0 : i32
        %cond3A_50 = arith.cmpi ne, %convert_element_type3A_48, %cond3A_49 : i32
        scf.if %cond3A_50 {
          %add3A_59 = arith.constant 2 : i32
          %add3A_60 = arith.addi %mul3A_31, %add3A_59 : i32
          %dma_start3A_61 = arith.constant 0 : i32
          %dma_start3A_62 = tpu.memref_slice %arg7[%add3A_60, %dma_start3A_61] : memref<40x128xi32, #tpu.memory_space<vmem>> -> memref<1x128xi32, #tpu.memory_space<vmem>>
          %dma_start3A_63 = tpu.memref_squeeze %dma_start3A_62 : memref<1x128xi32, #tpu.memory_space<vmem>> -> memref<128xi32, #tpu.memory_space<vmem>>
          %dma_start3A_64 = arith.constant 0 : i32
          %dma_start3A_65 = arith.constant 0 : i32
          %dma_start3A_66 = tpu.memref_slice %arg2[%dma_start3A_64, %dma_start3A_65] : memref<20224x128xf32, #tpu.memory_space<hbm>> -> memref<20224x128xf32, #tpu.memory_space<hbm>>
          tpu.enqueue_indirect_dma source(%dma_start3A_66 : memref<20224x128xf32, #tpu.memory_space<hbm>>) target(%arg9 : memref<128x128xf32, #tpu.memory_space<vmem>>) offsets(%dma_start3A_63 : memref<128xi32, #tpu.memory_space<vmem>>) semaphore(%arg12 : memref<!tpu.dma_semaphore, #tpu.memory_space<semaphore_mem>>)
        } else {
        }
        %dma_wait3A_51 = arith.constant 0 : i32
        %dma_wait3A_52 = arith.constant 0 : i32
        %dma_wait3A_53 = tpu.memref_slice %arg2[%dma_wait3A_51, %dma_wait3A_52] : memref<20224x128xf32, #tpu.memory_space<hbm>> -> memref<128x128xf32, #tpu.memory_space<hbm>>
        %dma_wait3A_54 = arith.constant 0 : i32
        %dma_wait3A_55 = arith.constant 0 : i32
        %dma_wait3A_56 = tpu.memref_slice %arg2[%dma_wait3A_54, %dma_wait3A_55] : memref<20224x128xf32, #tpu.memory_space<hbm>> -> memref<128x128xf32, #tpu.memory_space<hbm>>
        tpu.wait_dma2 semaphore(%arg13 : memref<!tpu.dma_semaphore, #tpu.memory_space<semaphore_mem>>) src(%dma_wait3A_56 : memref<128x128xf32, #tpu.memory_space<hbm>>) dst(%arg10 : memref<128x128xf32, #tpu.memory_space<vmem>>)
        %add3A_57 = arith.constant 1 : i32
        %add3A_58 = arith.addi %mul3A_31, %add3A_57 : i32
        "tpu.region"() ({
          %run_scoped3A = tpu.sem_alloc : memref<!tpu.dma_semaphore, #tpu.memory_space<semaphore_mem>>
          %dma_start3A_59 = arith.constant 0 : i32
          %dma_start3A_60 = tpu.memref_slice %arg8[%add3A_58, %dma_start3A_59] : memref<40x128xi32, #tpu.memory_space<vmem>> -> memref<1x128xi32, #tpu.memory_space<vmem>>
          %dma_start3A_61 = tpu.memref_squeeze %dma_start3A_60 : memref<1x128xi32, #tpu.memory_space<vmem>> -> memref<128xi32, #tpu.memory_space<vmem>>
          %dma_start3A_62 = arith.constant 0 : i32
          %dma_start3A_63 = arith.constant 0 : i32
          %dma_start3A_64 = tpu.memref_slice %arg11[%dma_start3A_62, %dma_start3A_63] : memref<10112x128xf32, #tpu.memory_space<vmem_shared>> -> memref<10112x128xf32, #tpu.memory_space<vmem_shared>>
          tpu.enqueue_indirect_dma source(%arg10 : memref<128x128xf32, #tpu.memory_space<vmem>>) target(%dma_start3A_64 : memref<10112x128xf32, #tpu.memory_space<vmem_shared>>) offsets(%dma_start3A_61 : memref<128xi32, #tpu.memory_space<vmem>>) semaphore(%run_scoped3A : memref<!tpu.dma_semaphore, #tpu.memory_space<semaphore_mem>>) {add = true}
          %dma_wait3A_65 = arith.constant 0 : i32
          %dma_wait3A_66 = tpu.memref_slice %arg8[%add3A_58, %dma_wait3A_65] : memref<40x128xi32, #tpu.memory_space<vmem>> -> memref<1x128xi32, #tpu.memory_space<vmem>>
          %dma_wait3A_67 = tpu.memref_squeeze %dma_wait3A_66 : memref<1x128xi32, #tpu.memory_space<vmem>> -> memref<128xi32, #tpu.memory_space<vmem>>
          %dma_wait3A_68 = arith.constant 0 : i32
          %dma_wait3A_69 = arith.constant 0 : i32
          %dma_wait3A_70 = tpu.memref_slice %arg11[%dma_wait3A_68, %dma_wait3A_69] : memref<10112x128xf32, #tpu.memory_space<vmem_shared>> -> memref<10112x128xf32, #tpu.memory_space<vmem_shared>>
          tpu.wait_indirect_dma semaphore(%run_scoped3A : memref<!tpu.dma_semaphore, #tpu.memory_space<semaphore_mem>>) src(%arg10 : memref<128x128xf32, #tpu.memory_space<vmem>>) dst(%dma_wait3A_70 : memref<10112x128xf32, #tpu.memory_space<vmem_shared>>)
          tpu.yield
        }) : () -> ()
      }
      %scan3A_28 = arith.constant 20 : i32
    }
    %scan3A_7 = arith.constant 2 : i32
    %barrier3A_8 = arith.constant 0 : index
    tpu.barrier barrier_id(%barrier3A_8)
    "tpu.region"() ({
      %run_scoped3A = tpu.sem_alloc : memref<!tpu.dma_semaphore, #tpu.memory_space<semaphore_mem>>
      %dma_start3A = arith.constant 0 : i32
      %dma_start3A_9 = tpu.memref_slice %arg6[%arg0, %mul3A_0, %dma_start3A] : memref<2x10112x128xf32, #tpu.memory_space<hbm>> -> memref<1x632x128xf32, #tpu.memory_space<hbm>>
      %dma_start3A_10 = tpu.memref_squeeze %dma_start3A_9 : memref<1x632x128xf32, #tpu.memory_space<hbm>> -> memref<632x128xf32, #tpu.memory_space<hbm>>
      %dma_start3A_11 = arith.constant 0 : i32
      %dma_start3A_12 = tpu.memref_slice %arg11[%mul3A_0, %dma_start3A_11] : memref<10112x128xf32, #tpu.memory_space<vmem_shared>> -> memref<632x128xf32, #tpu.memory_space<vmem_shared>>
      tpu.enqueue_dma source(%dma_start3A_12 : memref<632x128xf32, #tpu.memory_space<vmem_shared>>) target(%dma_start3A_10 : memref<632x128xf32, #tpu.memory_space<hbm>>) target_semaphore(%run_scoped3A : memref<!tpu.dma_semaphore, #tpu.memory_space<semaphore_mem>>)
      %dma_wait3A = arith.constant 0 : i32
      %dma_wait3A_13 = tpu.memref_slice %arg6[%arg0, %mul3A_0, %dma_wait3A] : memref<2x10112x128xf32, #tpu.memory_space<hbm>> -> memref<1x632x128xf32, #tpu.memory_space<hbm>>
      %dma_wait3A_14 = tpu.memref_squeeze %dma_wait3A_13 : memref<1x632x128xf32, #tpu.memory_space<hbm>> -> memref<632x128xf32, #tpu.memory_space<hbm>>
      %dma_wait3A_15 = arith.constant 0 : i32
      %dma_wait3A_16 = tpu.memref_slice %arg11[%mul3A_0, %dma_wait3A_15] : memref<10112x128xf32, #tpu.memory_space<vmem_shared>> -> memref<632x128xf32, #tpu.memory_space<vmem_shared>>
      tpu.wait_dma2 semaphore(%run_scoped3A : memref<!tpu.dma_semaphore, #tpu.memory_space<semaphore_mem>>) src(%dma_wait3A_16 : memref<632x128xf32, #tpu.memory_space<vmem_shared>>) dst(%dma_wait3A_14 : memref<632x128xf32, #tpu.memory_space<hbm>>)
      tpu.yield
    }) : () -> ()
    return
  }
}

#map = affine_map<(d0, d1) -> (0, 0)>
#map1 = affine_map<(d0, d1) -> (0, 0, 0)>
module attributes {stable_mosaic.version = 14 : i64} {
  func.func @_sc_agg2(%arg0: i32, %arg1: i32, %arg2: memref<10112x128xf32, #tpu.memory_space<hbm>>, %arg3: memref<10112x128xf32, #tpu.memory_space<hbm>>, %arg4: memref<32x40x128xi32, #tpu.memory_space<hbm>>, %arg5: memref<32x40x128xi32, #tpu.memory_space<hbm>>, %arg6: memref<2x10112x128xf32, #tpu.memory_space<hbm>>, %arg7: memref<40x128xi32, #tpu.memory_space<vmem>>, %arg8: memref<40x128xi32, #tpu.memory_space<vmem>>, %arg9: memref<128x128xf32, #tpu.memory_space<vmem>>, %arg10: memref<128x128xf32, #tpu.memory_space<vmem>>, %arg11: memref<10112x128xf32, #tpu.memory_space<vmem_shared>>, %arg12: memref<!tpu.dma_semaphore, #tpu.memory_space<semaphore_mem>>, %arg13: memref<!tpu.dma_semaphore, #tpu.memory_space<semaphore_mem>>) attributes {dimension_semantics = [#tpu.dimension_semantics<core_parallel>, #tpu.dimension_semantics<subcore_parallel>], iteration_bounds = array<i64: 2, 16>, scalar_prefetch = 0 : i64, scratch_operands = 7 : i64, tpu.core_type = #tpu.core_type<sc_vector_subcore>, window_params = [{transform_indices = #map}, {transform_indices = #map}, {transform_indices = #map1}, {transform_indices = #map1}, {transform_indices = #map1}]} {
    %mul3A = arith.constant 16 : i32
    %mul3A_0 = arith.muli %arg0, %mul3A : i32
    %add3A = arith.addi %mul3A_0, %arg1 : i32
    %mul3A_1 = arith.constant 632 : i32
    %mul3A_2 = arith.muli %arg1, %mul3A_1 : i32
    "tpu.region"() ({
      %run_scoped3A = tpu.sem_alloc : memref<!tpu.dma_semaphore, #tpu.memory_space<semaphore_mem>>
      %dma_start3A_22 = arith.constant 0 : i32
      %dma_start3A_23 = arith.constant 0 : i32
      %dma_start3A_24 = tpu.memref_slice %arg4[%add3A, %dma_start3A_22, %dma_start3A_23] : memref<32x40x128xi32, #tpu.memory_space<hbm>> -> memref<1x40x128xi32, #tpu.memory_space<hbm>>
      %dma_start3A_25 = tpu.memref_squeeze %dma_start3A_24 : memref<1x40x128xi32, #tpu.memory_space<hbm>> -> memref<40x128xi32, #tpu.memory_space<hbm>>
      %dma_start3A_26 = arith.constant 0 : i32
      %dma_start3A_27 = arith.constant 0 : i32
      %dma_start3A_28 = tpu.memref_slice %arg4[%add3A, %dma_start3A_26, %dma_start3A_27] : memref<32x40x128xi32, #tpu.memory_space<hbm>> -> memref<1x40x128xi32, #tpu.memory_space<hbm>>
      %dma_start3A_29 = tpu.memref_squeeze %dma_start3A_28 : memref<1x40x128xi32, #tpu.memory_space<hbm>> -> memref<40x128xi32, #tpu.memory_space<hbm>>
      tpu.enqueue_dma source(%dma_start3A_29 : memref<40x128xi32, #tpu.memory_space<hbm>>) target(%arg7 : memref<40x128xi32, #tpu.memory_space<vmem>>) target_semaphore(%run_scoped3A : memref<!tpu.dma_semaphore, #tpu.memory_space<semaphore_mem>>)
      %dma_wait3A = arith.constant 0 : i32
      %dma_wait3A_30 = arith.constant 0 : i32
      %dma_wait3A_31 = tpu.memref_slice %arg4[%add3A, %dma_wait3A, %dma_wait3A_30] : memref<32x40x128xi32, #tpu.memory_space<hbm>> -> memref<1x40x128xi32, #tpu.memory_space<hbm>>
      %dma_wait3A_32 = tpu.memref_squeeze %dma_wait3A_31 : memref<1x40x128xi32, #tpu.memory_space<hbm>> -> memref<40x128xi32, #tpu.memory_space<hbm>>
      %dma_wait3A_33 = arith.constant 0 : i32
      %dma_wait3A_34 = arith.constant 0 : i32
      %dma_wait3A_35 = tpu.memref_slice %arg4[%add3A, %dma_wait3A_33, %dma_wait3A_34] : memref<32x40x128xi32, #tpu.memory_space<hbm>> -> memref<1x40x128xi32, #tpu.memory_space<hbm>>
      %dma_wait3A_36 = tpu.memref_squeeze %dma_wait3A_35 : memref<1x40x128xi32, #tpu.memory_space<hbm>> -> memref<40x128xi32, #tpu.memory_space<hbm>>
      tpu.wait_dma2 semaphore(%run_scoped3A : memref<!tpu.dma_semaphore, #tpu.memory_space<semaphore_mem>>) src(%dma_wait3A_36 : memref<40x128xi32, #tpu.memory_space<hbm>>) dst(%arg7 : memref<40x128xi32, #tpu.memory_space<vmem>>)
      tpu.yield
    }) : () -> ()
    "tpu.region"() ({
      %run_scoped3A = tpu.sem_alloc : memref<!tpu.dma_semaphore, #tpu.memory_space<semaphore_mem>>
      %dma_start3A_22 = arith.constant 0 : i32
      %dma_start3A_23 = arith.constant 0 : i32
      %dma_start3A_24 = tpu.memref_slice %arg5[%add3A, %dma_start3A_22, %dma_start3A_23] : memref<32x40x128xi32, #tpu.memory_space<hbm>> -> memref<1x40x128xi32, #tpu.memory_space<hbm>>
      %dma_start3A_25 = tpu.memref_squeeze %dma_start3A_24 : memref<1x40x128xi32, #tpu.memory_space<hbm>> -> memref<40x128xi32, #tpu.memory_space<hbm>>
      %dma_start3A_26 = arith.constant 0 : i32
      %dma_start3A_27 = arith.constant 0 : i32
      %dma_start3A_28 = tpu.memref_slice %arg5[%add3A, %dma_start3A_26, %dma_start3A_27] : memref<32x40x128xi32, #tpu.memory_space<hbm>> -> memref<1x40x128xi32, #tpu.memory_space<hbm>>
      %dma_start3A_29 = tpu.memref_squeeze %dma_start3A_28 : memref<1x40x128xi32, #tpu.memory_space<hbm>> -> memref<40x128xi32, #tpu.memory_space<hbm>>
      tpu.enqueue_dma source(%dma_start3A_29 : memref<40x128xi32, #tpu.memory_space<hbm>>) target(%arg8 : memref<40x128xi32, #tpu.memory_space<vmem>>) target_semaphore(%run_scoped3A : memref<!tpu.dma_semaphore, #tpu.memory_space<semaphore_mem>>)
      %dma_wait3A = arith.constant 0 : i32
      %dma_wait3A_30 = arith.constant 0 : i32
      %dma_wait3A_31 = tpu.memref_slice %arg5[%add3A, %dma_wait3A, %dma_wait3A_30] : memref<32x40x128xi32, #tpu.memory_space<hbm>> -> memref<1x40x128xi32, #tpu.memory_space<hbm>>
      %dma_wait3A_32 = tpu.memref_squeeze %dma_wait3A_31 : memref<1x40x128xi32, #tpu.memory_space<hbm>> -> memref<40x128xi32, #tpu.memory_space<hbm>>
      %dma_wait3A_33 = arith.constant 0 : i32
      %dma_wait3A_34 = arith.constant 0 : i32
      %dma_wait3A_35 = tpu.memref_slice %arg5[%add3A, %dma_wait3A_33, %dma_wait3A_34] : memref<32x40x128xi32, #tpu.memory_space<hbm>> -> memref<1x40x128xi32, #tpu.memory_space<hbm>>
      %dma_wait3A_36 = tpu.memref_squeeze %dma_wait3A_35 : memref<1x40x128xi32, #tpu.memory_space<hbm>> -> memref<40x128xi32, #tpu.memory_space<hbm>>
      tpu.wait_dma2 semaphore(%run_scoped3A : memref<!tpu.dma_semaphore, #tpu.memory_space<semaphore_mem>>) src(%dma_wait3A_36 : memref<40x128xi32, #tpu.memory_space<hbm>>) dst(%arg8 : memref<40x128xi32, #tpu.memory_space<vmem>>)
      tpu.yield
    }) : () -> ()
    %eq3A = arith.constant 0 : i32
    %eq3A_3 = arith.cmpi eq, %arg0, %eq3A : i32
    %convert_element_type3A = arith.extui %eq3A_3 : i1 to i32
    %cond3A = arith.constant 0 : i32
    %cond3A_4 = arith.cmpi ne, %convert_element_type3A, %cond3A : i32
    scf.if %cond3A_4 {
      "tpu.region"() ({
        %run_scoped3A = tpu.sem_alloc : memref<!tpu.dma_semaphore, #tpu.memory_space<semaphore_mem>>
        %dma_start3A_22 = arith.constant 0 : i32
        %dma_start3A_23 = tpu.memref_slice %arg11[%mul3A_2, %dma_start3A_22] : memref<10112x128xf32, #tpu.memory_space<vmem_shared>> -> memref<632x128xf32, #tpu.memory_space<vmem_shared>>
        %dma_start3A_24 = arith.constant 0 : i32
        %dma_start3A_25 = tpu.memref_slice %arg2[%mul3A_2, %dma_start3A_24] : memref<10112x128xf32, #tpu.memory_space<hbm>> -> memref<632x128xf32, #tpu.memory_space<hbm>>
        tpu.enqueue_dma source(%dma_start3A_25 : memref<632x128xf32, #tpu.memory_space<hbm>>) target(%dma_start3A_23 : memref<632x128xf32, #tpu.memory_space<vmem_shared>>) target_semaphore(%run_scoped3A : memref<!tpu.dma_semaphore, #tpu.memory_space<semaphore_mem>>)
        %dma_wait3A = arith.constant 0 : i32
        %dma_wait3A_26 = tpu.memref_slice %arg11[%mul3A_2, %dma_wait3A] : memref<10112x128xf32, #tpu.memory_space<vmem_shared>> -> memref<632x128xf32, #tpu.memory_space<vmem_shared>>
        %dma_wait3A_27 = arith.constant 0 : i32
        %dma_wait3A_28 = tpu.memref_slice %arg2[%mul3A_2, %dma_wait3A_27] : memref<10112x128xf32, #tpu.memory_space<hbm>> -> memref<632x128xf32, #tpu.memory_space<hbm>>
        tpu.wait_dma2 semaphore(%run_scoped3A : memref<!tpu.dma_semaphore, #tpu.memory_space<semaphore_mem>>) src(%dma_wait3A_28 : memref<632x128xf32, #tpu.memory_space<hbm>>) dst(%dma_wait3A_26 : memref<632x128xf32, #tpu.memory_space<vmem_shared>>)
        tpu.yield
      }) : () -> ()
    } else {
    }
    %eq3A_5 = arith.constant 1 : i32
    %eq3A_6 = arith.cmpi eq, %arg0, %eq3A_5 : i32
    %convert_element_type3A_7 = arith.extui %eq3A_6 : i1 to i32
    %cond3A_8 = arith.constant 0 : i32
    %cond3A_9 = arith.cmpi ne, %convert_element_type3A_7, %cond3A_8 : i32
    scf.if %cond3A_9 {
      "tpu.region"() ({
        %run_scoped3A = tpu.sem_alloc : memref<!tpu.dma_semaphore, #tpu.memory_space<semaphore_mem>>
        %dma_start3A_22 = arith.constant 0 : i32
        %dma_start3A_23 = tpu.memref_slice %arg11[%mul3A_2, %dma_start3A_22] : memref<10112x128xf32, #tpu.memory_space<vmem_shared>> -> memref<632x128xf32, #tpu.memory_space<vmem_shared>>
        %dma_start3A_24 = arith.constant 0 : i32
        %dma_start3A_25 = tpu.memref_slice %arg3[%mul3A_2, %dma_start3A_24] : memref<10112x128xf32, #tpu.memory_space<hbm>> -> memref<632x128xf32, #tpu.memory_space<hbm>>
        tpu.enqueue_dma source(%dma_start3A_25 : memref<632x128xf32, #tpu.memory_space<hbm>>) target(%dma_start3A_23 : memref<632x128xf32, #tpu.memory_space<vmem_shared>>) target_semaphore(%run_scoped3A : memref<!tpu.dma_semaphore, #tpu.memory_space<semaphore_mem>>)
        %dma_wait3A = arith.constant 0 : i32
        %dma_wait3A_26 = tpu.memref_slice %arg11[%mul3A_2, %dma_wait3A] : memref<10112x128xf32, #tpu.memory_space<vmem_shared>> -> memref<632x128xf32, #tpu.memory_space<vmem_shared>>
        %dma_wait3A_27 = arith.constant 0 : i32
        %dma_wait3A_28 = tpu.memref_slice %arg3[%mul3A_2, %dma_wait3A_27] : memref<10112x128xf32, #tpu.memory_space<hbm>> -> memref<632x128xf32, #tpu.memory_space<hbm>>
        tpu.wait_dma2 semaphore(%run_scoped3A : memref<!tpu.dma_semaphore, #tpu.memory_space<semaphore_mem>>) src(%dma_wait3A_28 : memref<632x128xf32, #tpu.memory_space<hbm>>) dst(%dma_wait3A_26 : memref<632x128xf32, #tpu.memory_space<vmem_shared>>)
        tpu.yield
      }) : () -> ()
    } else {
    }
    %barrier3A = arith.constant 0 : index
    tpu.barrier barrier_id(%barrier3A)
    %dma_start3A = arith.constant 0 : i32
    %dma_start3A_10 = arith.constant 0 : i32
    %dma_start3A_11 = tpu.memref_slice %arg7[%dma_start3A, %dma_start3A_10] : memref<40x128xi32, #tpu.memory_space<vmem>> -> memref<1x128xi32, #tpu.memory_space<vmem>>
    %dma_start3A_12 = tpu.memref_squeeze %dma_start3A_11 : memref<1x128xi32, #tpu.memory_space<vmem>> -> memref<128xi32, #tpu.memory_space<vmem>>
    %dma_start3A_13 = arith.constant 0 : i32
    %dma_start3A_14 = arith.constant 0 : i32
    %dma_start3A_15 = tpu.memref_slice %arg2[%dma_start3A_13, %dma_start3A_14] : memref<10112x128xf32, #tpu.memory_space<hbm>> -> memref<10112x128xf32, #tpu.memory_space<hbm>>
    tpu.enqueue_indirect_dma source(%dma_start3A_15 : memref<10112x128xf32, #tpu.memory_space<hbm>>) target(%arg9 : memref<128x128xf32, #tpu.memory_space<vmem>>) offsets(%dma_start3A_12 : memref<128xi32, #tpu.memory_space<vmem>>) semaphore(%arg12 : memref<!tpu.dma_semaphore, #tpu.memory_space<semaphore_mem>>)
    %scan3A = arith.constant 0 : i32
    %scan3A_16 = arith.constant 0 : i32
    %scan3A_17 = arith.constant 20 : i32
    %scan3A_18 = arith.addi %scan3A_16, %scan3A_17 : i32
    %scan3A_19 = arith.constant 1 : i32
    scf.for %scan3A_22 = %scan3A_16 to %scan3A_18 step %scan3A_19  : i32 {
      %mul3A_23 = arith.constant 2 : i32
      %mul3A_24 = arith.muli %mul3A_23, %scan3A_22 : i32
      %add3A_25 = arith.constant 1 : i32
      %add3A_26 = arith.addi %mul3A_24, %add3A_25 : i32
      %dma_start3A_27 = arith.constant 0 : i32
      %dma_start3A_28 = tpu.memref_slice %arg7[%add3A_26, %dma_start3A_27] : memref<40x128xi32, #tpu.memory_space<vmem>> -> memref<1x128xi32, #tpu.memory_space<vmem>>
      %dma_start3A_29 = tpu.memref_squeeze %dma_start3A_28 : memref<1x128xi32, #tpu.memory_space<vmem>> -> memref<128xi32, #tpu.memory_space<vmem>>
      %dma_start3A_30 = arith.constant 0 : i32
      %dma_start3A_31 = arith.constant 0 : i32
      %dma_start3A_32 = tpu.memref_slice %arg2[%dma_start3A_30, %dma_start3A_31] : memref<10112x128xf32, #tpu.memory_space<hbm>> -> memref<10112x128xf32, #tpu.memory_space<hbm>>
      tpu.enqueue_indirect_dma source(%dma_start3A_32 : memref<10112x128xf32, #tpu.memory_space<hbm>>) target(%arg10 : memref<128x128xf32, #tpu.memory_space<vmem>>) offsets(%dma_start3A_29 : memref<128xi32, #tpu.memory_space<vmem>>) semaphore(%arg13 : memref<!tpu.dma_semaphore, #tpu.memory_space<semaphore_mem>>)
      %dma_wait3A = arith.constant 0 : i32
      %dma_wait3A_33 = arith.constant 0 : i32
      %dma_wait3A_34 = tpu.memref_slice %arg2[%dma_wait3A, %dma_wait3A_33] : memref<10112x128xf32, #tpu.memory_space<hbm>> -> memref<128x128xf32, #tpu.memory_space<hbm>>
      %dma_wait3A_35 = arith.constant 0 : i32
      %dma_wait3A_36 = arith.constant 0 : i32
      %dma_wait3A_37 = tpu.memref_slice %arg2[%dma_wait3A_35, %dma_wait3A_36] : memref<10112x128xf32, #tpu.memory_space<hbm>> -> memref<128x128xf32, #tpu.memory_space<hbm>>
      tpu.wait_dma2 semaphore(%arg12 : memref<!tpu.dma_semaphore, #tpu.memory_space<semaphore_mem>>) src(%dma_wait3A_37 : memref<128x128xf32, #tpu.memory_space<hbm>>) dst(%arg9 : memref<128x128xf32, #tpu.memory_space<vmem>>)
      "tpu.region"() ({
        %run_scoped3A = tpu.sem_alloc : memref<!tpu.dma_semaphore, #tpu.memory_space<semaphore_mem>>
        %dma_start3A_52 = arith.constant 0 : i32
        %dma_start3A_53 = tpu.memref_slice %arg8[%mul3A_24, %dma_start3A_52] : memref<40x128xi32, #tpu.memory_space<vmem>> -> memref<1x128xi32, #tpu.memory_space<vmem>>
        %dma_start3A_54 = tpu.memref_squeeze %dma_start3A_53 : memref<1x128xi32, #tpu.memory_space<vmem>> -> memref<128xi32, #tpu.memory_space<vmem>>
        %dma_start3A_55 = arith.constant 0 : i32
        %dma_start3A_56 = arith.constant 0 : i32
        %dma_start3A_57 = tpu.memref_slice %arg11[%dma_start3A_55, %dma_start3A_56] : memref<10112x128xf32, #tpu.memory_space<vmem_shared>> -> memref<10112x128xf32, #tpu.memory_space<vmem_shared>>
        tpu.enqueue_indirect_dma source(%arg9 : memref<128x128xf32, #tpu.memory_space<vmem>>) target(%dma_start3A_57 : memref<10112x128xf32, #tpu.memory_space<vmem_shared>>) offsets(%dma_start3A_54 : memref<128xi32, #tpu.memory_space<vmem>>) semaphore(%run_scoped3A : memref<!tpu.dma_semaphore, #tpu.memory_space<semaphore_mem>>) {add = true}
        %dma_wait3A_58 = arith.constant 0 : i32
        %dma_wait3A_59 = tpu.memref_slice %arg8[%mul3A_24, %dma_wait3A_58] : memref<40x128xi32, #tpu.memory_space<vmem>> -> memref<1x128xi32, #tpu.memory_space<vmem>>
        %dma_wait3A_60 = tpu.memref_squeeze %dma_wait3A_59 : memref<1x128xi32, #tpu.memory_space<vmem>> -> memref<128xi32, #tpu.memory_space<vmem>>
        %dma_wait3A_61 = arith.constant 0 : i32
        %dma_wait3A_62 = arith.constant 0 : i32
        %dma_wait3A_63 = tpu.memref_slice %arg11[%dma_wait3A_61, %dma_wait3A_62] : memref<10112x128xf32, #tpu.memory_space<vmem_shared>> -> memref<10112x128xf32, #tpu.memory_space<vmem_shared>>
        tpu.wait_indirect_dma semaphore(%run_scoped3A : memref<!tpu.dma_semaphore, #tpu.memory_space<semaphore_mem>>) src(%arg9 : memref<128x128xf32, #tpu.memory_space<vmem>>) dst(%dma_wait3A_63 : memref<10112x128xf32, #tpu.memory_space<vmem_shared>>)
        tpu.yield
      }) : () -> ()
      %add3A_38 = arith.constant 2 : i32
      %add3A_39 = arith.addi %mul3A_24, %add3A_38 : i32
      %lt3A = arith.constant 40 : i32
      %lt3A_40 = arith.cmpi slt, %add3A_39, %lt3A : i32
      %convert_element_type3A_41 = arith.extui %lt3A_40 : i1 to i32
      %cond3A_42 = arith.constant 0 : i32
      %cond3A_43 = arith.cmpi ne, %convert_element_type3A_41, %cond3A_42 : i32
      scf.if %cond3A_43 {
        %add3A_52 = arith.constant 2 : i32
        %add3A_53 = arith.addi %mul3A_24, %add3A_52 : i32
        %dma_start3A_54 = arith.constant 0 : i32
        %dma_start3A_55 = tpu.memref_slice %arg7[%add3A_53, %dma_start3A_54] : memref<40x128xi32, #tpu.memory_space<vmem>> -> memref<1x128xi32, #tpu.memory_space<vmem>>
        %dma_start3A_56 = tpu.memref_squeeze %dma_start3A_55 : memref<1x128xi32, #tpu.memory_space<vmem>> -> memref<128xi32, #tpu.memory_space<vmem>>
        %dma_start3A_57 = arith.constant 0 : i32
        %dma_start3A_58 = arith.constant 0 : i32
        %dma_start3A_59 = tpu.memref_slice %arg2[%dma_start3A_57, %dma_start3A_58] : memref<10112x128xf32, #tpu.memory_space<hbm>> -> memref<10112x128xf32, #tpu.memory_space<hbm>>
        tpu.enqueue_indirect_dma source(%dma_start3A_59 : memref<10112x128xf32, #tpu.memory_space<hbm>>) target(%arg9 : memref<128x128xf32, #tpu.memory_space<vmem>>) offsets(%dma_start3A_56 : memref<128xi32, #tpu.memory_space<vmem>>) semaphore(%arg12 : memref<!tpu.dma_semaphore, #tpu.memory_space<semaphore_mem>>)
      } else {
      }
      %dma_wait3A_44 = arith.constant 0 : i32
      %dma_wait3A_45 = arith.constant 0 : i32
      %dma_wait3A_46 = tpu.memref_slice %arg2[%dma_wait3A_44, %dma_wait3A_45] : memref<10112x128xf32, #tpu.memory_space<hbm>> -> memref<128x128xf32, #tpu.memory_space<hbm>>
      %dma_wait3A_47 = arith.constant 0 : i32
      %dma_wait3A_48 = arith.constant 0 : i32
      %dma_wait3A_49 = tpu.memref_slice %arg2[%dma_wait3A_47, %dma_wait3A_48] : memref<10112x128xf32, #tpu.memory_space<hbm>> -> memref<128x128xf32, #tpu.memory_space<hbm>>
      tpu.wait_dma2 semaphore(%arg13 : memref<!tpu.dma_semaphore, #tpu.memory_space<semaphore_mem>>) src(%dma_wait3A_49 : memref<128x128xf32, #tpu.memory_space<hbm>>) dst(%arg10 : memref<128x128xf32, #tpu.memory_space<vmem>>)
      %add3A_50 = arith.constant 1 : i32
      %add3A_51 = arith.addi %mul3A_24, %add3A_50 : i32
      "tpu.region"() ({
        %run_scoped3A = tpu.sem_alloc : memref<!tpu.dma_semaphore, #tpu.memory_space<semaphore_mem>>
        %dma_start3A_52 = arith.constant 0 : i32
        %dma_start3A_53 = tpu.memref_slice %arg8[%add3A_51, %dma_start3A_52] : memref<40x128xi32, #tpu.memory_space<vmem>> -> memref<1x128xi32, #tpu.memory_space<vmem>>
        %dma_start3A_54 = tpu.memref_squeeze %dma_start3A_53 : memref<1x128xi32, #tpu.memory_space<vmem>> -> memref<128xi32, #tpu.memory_space<vmem>>
        %dma_start3A_55 = arith.constant 0 : i32
        %dma_start3A_56 = arith.constant 0 : i32
        %dma_start3A_57 = tpu.memref_slice %arg11[%dma_start3A_55, %dma_start3A_56] : memref<10112x128xf32, #tpu.memory_space<vmem_shared>> -> memref<10112x128xf32, #tpu.memory_space<vmem_shared>>
        tpu.enqueue_indirect_dma source(%arg10 : memref<128x128xf32, #tpu.memory_space<vmem>>) target(%dma_start3A_57 : memref<10112x128xf32, #tpu.memory_space<vmem_shared>>) offsets(%dma_start3A_54 : memref<128xi32, #tpu.memory_space<vmem>>) semaphore(%run_scoped3A : memref<!tpu.dma_semaphore, #tpu.memory_space<semaphore_mem>>) {add = true}
        %dma_wait3A_58 = arith.constant 0 : i32
        %dma_wait3A_59 = tpu.memref_slice %arg8[%add3A_51, %dma_wait3A_58] : memref<40x128xi32, #tpu.memory_space<vmem>> -> memref<1x128xi32, #tpu.memory_space<vmem>>
        %dma_wait3A_60 = tpu.memref_squeeze %dma_wait3A_59 : memref<1x128xi32, #tpu.memory_space<vmem>> -> memref<128xi32, #tpu.memory_space<vmem>>
        %dma_wait3A_61 = arith.constant 0 : i32
        %dma_wait3A_62 = arith.constant 0 : i32
        %dma_wait3A_63 = tpu.memref_slice %arg11[%dma_wait3A_61, %dma_wait3A_62] : memref<10112x128xf32, #tpu.memory_space<vmem_shared>> -> memref<10112x128xf32, #tpu.memory_space<vmem_shared>>
        tpu.wait_indirect_dma semaphore(%run_scoped3A : memref<!tpu.dma_semaphore, #tpu.memory_space<semaphore_mem>>) src(%arg10 : memref<128x128xf32, #tpu.memory_space<vmem>>) dst(%dma_wait3A_63 : memref<10112x128xf32, #tpu.memory_space<vmem_shared>>)
        tpu.yield
      }) : () -> ()
    }
    %scan3A_20 = arith.constant 20 : i32
    %barrier3A_21 = arith.constant 0 : index
    tpu.barrier barrier_id(%barrier3A_21)
    "tpu.region"() ({
      %run_scoped3A = tpu.sem_alloc : memref<!tpu.dma_semaphore, #tpu.memory_space<semaphore_mem>>
      %dma_start3A_22 = arith.constant 0 : i32
      %dma_start3A_23 = tpu.memref_slice %arg6[%arg0, %mul3A_2, %dma_start3A_22] : memref<2x10112x128xf32, #tpu.memory_space<hbm>> -> memref<1x632x128xf32, #tpu.memory_space<hbm>>
      %dma_start3A_24 = tpu.memref_squeeze %dma_start3A_23 : memref<1x632x128xf32, #tpu.memory_space<hbm>> -> memref<632x128xf32, #tpu.memory_space<hbm>>
      %dma_start3A_25 = arith.constant 0 : i32
      %dma_start3A_26 = tpu.memref_slice %arg11[%mul3A_2, %dma_start3A_25] : memref<10112x128xf32, #tpu.memory_space<vmem_shared>> -> memref<632x128xf32, #tpu.memory_space<vmem_shared>>
      tpu.enqueue_dma source(%dma_start3A_26 : memref<632x128xf32, #tpu.memory_space<vmem_shared>>) target(%dma_start3A_24 : memref<632x128xf32, #tpu.memory_space<hbm>>) target_semaphore(%run_scoped3A : memref<!tpu.dma_semaphore, #tpu.memory_space<semaphore_mem>>)
      %dma_wait3A = arith.constant 0 : i32
      %dma_wait3A_27 = tpu.memref_slice %arg6[%arg0, %mul3A_2, %dma_wait3A] : memref<2x10112x128xf32, #tpu.memory_space<hbm>> -> memref<1x632x128xf32, #tpu.memory_space<hbm>>
      %dma_wait3A_28 = tpu.memref_squeeze %dma_wait3A_27 : memref<1x632x128xf32, #tpu.memory_space<hbm>> -> memref<632x128xf32, #tpu.memory_space<hbm>>
      %dma_wait3A_29 = arith.constant 0 : i32
      %dma_wait3A_30 = tpu.memref_slice %arg11[%mul3A_2, %dma_wait3A_29] : memref<10112x128xf32, #tpu.memory_space<vmem_shared>> -> memref<632x128xf32, #tpu.memory_space<vmem_shared>>
      tpu.wait_dma2 semaphore(%run_scoped3A : memref<!tpu.dma_semaphore, #tpu.memory_space<semaphore_mem>>) src(%dma_wait3A_30 : memref<632x128xf32, #tpu.memory_space<vmem_shared>>) dst(%dma_wait3A_28 : memref<632x128xf32, #tpu.memory_space<hbm>>)
      tpu.yield
    }) : () -> ()
    return
  }
}

module attributes {stable_mosaic.version = 14 : i64} {
  func.func @_tc_layer1_body(%arg0: i32, %arg1: memref<632x256xf32, #tpu.memory_space<vmem>>, %arg2: memref<256x256xf32, #tpu.memory_space<vmem>>, %arg3: memref<2x632x128xf32, #tpu.memory_space<vmem>>, %arg4: memref<2x632x128xf32, #tpu.memory_space<vmem>>, %arg5: memref<632x128xf32, #tpu.memory_space<vmem>>) attributes {dimension_semantics = [#tpu.dimension_semantics<arbitrary>], iteration_bounds = array<i64: 16>, scalar_prefetch = 0 : i64, scratch_operands = 0 : i64, tpu.core_type = #tpu.core_type<tc>, window_params = [{transform_indices = @transform_0, window_bounds = array<i64: 632, 256>}, {pipeline_mode = #tpu.pipeline_mode<synchronous>, transform_indices = @transform_1, window_bounds = array<i64: 256, 256>}, {transform_indices = @transform_2, window_bounds = array<i64: 2, 632, 128>}, {transform_indices = @transform_3, window_bounds = array<i64: 2, 632, 128>}, {transform_indices = @transform_4, window_bounds = array<i64: 632, 128>}]} {
    %get3A = arith.constant 0 : index
    %get3A_0 = arith.constant 0 : index
    %get3A_1 = arith.constant 0 : index
    %get3A_2 = vector.load %arg3[%get3A, %get3A_0, %get3A_1] : memref<2x632x128xf32, #tpu.memory_space<vmem>>, vector<1x632x128xf32>
    %get3A_3 = vector.shape_cast %get3A_2 : vector<1x632x128xf32> to vector<632x128xf32>
    %get3A_4 = arith.constant 1 : index
    %get3A_5 = arith.constant 0 : index
    %get3A_6 = arith.constant 0 : index
    %get3A_7 = vector.load %arg3[%get3A_4, %get3A_5, %get3A_6] : memref<2x632x128xf32, #tpu.memory_space<vmem>>, vector<1x632x128xf32>
    %get3A_8 = vector.shape_cast %get3A_7 : vector<1x632x128xf32> to vector<632x128xf32>
    %add3A = arith.addf %get3A_3, %get3A_8 : vector<632x128xf32>
    %gt3A = arith.constant 0.000000e+00 : f32
    %gt3A_9 = vector.broadcast %gt3A : f32 to vector<632x128xf32>
    %gt3A_10 = arith.cmpf ogt, %add3A, %gt3A_9 : vector<632x128xf32>
    %rsqrt3A = math.rsqrt %add3A : vector<632x128xf32>
    %jit3A = arith.constant 0.000000e+00 : f32
    %broadcast_in_dim3A = vector.broadcast %jit3A : f32 to vector<632x128xf32>
    %select_n3A = arith.select %gt3A_10, %rsqrt3A, %broadcast_in_dim3A : vector<632x128xi1>, vector<632x128xf32>
    %swap3A = arith.constant 0 : index
    %swap3A_11 = arith.constant 0 : index
    %swap3A_12 = vector.load %arg5[%swap3A, %swap3A_11] : memref<632x128xf32, #tpu.memory_space<vmem>>, vector<632x128xf32>
    tpu.vector_store %arg5[%swap3A, %swap3A_11], %select_n3A {strides = array<i32>} : memref<632x128xf32, #tpu.memory_space<vmem>>, vector<632x128xf32>,
    %slice3A = vector.extract_strided_slice %select_n3A {offsets = [0, 0], sizes = [632, 1], strides = [1, 1]} : vector<632x128xf32> to vector<632x1xf32>
    %get3A_13 = arith.constant 0 : index
    %get3A_14 = arith.constant 0 : index
    %get3A_15 = vector.load %arg1[%get3A_13, %get3A_14] : memref<632x256xf32, #tpu.memory_space<vmem>>, vector<632x256xf32>
    %mul3A = vector.broadcast %slice3A : vector<632x1xf32> to vector<632x256xf32>
    %mul3A_16 = arith.mulf %get3A_15, %mul3A : vector<632x256xf32>
    %get3A_17 = arith.constant 0 : index
    %get3A_18 = arith.constant 0 : index
    %get3A_19 = vector.load %arg2[%get3A_17, %get3A_18] : memref<256x256xf32, #tpu.memory_space<vmem>>, vector<256x256xf32>
    %dot_general3A = arith.constant dense<0.000000e+00> : vector<632x256xf32>
    %dot_general3A_20 = tpu.matmul %mul3A_16, %get3A_19, %dot_general3A {dimension_numbers = #tpu.dot_dimension_numbers<[1], [0], [0], [1], [0, 0, 1, 1], [], []>, transpose_lhs_hint = false} : vector<632x256xf32>, vector<256x256xf32>, vector<632x256xf32> -> vector<632x256xf32>
    %slice3A_21 = vector.extract_strided_slice %dot_general3A_20 {offsets = [0, 0], sizes = [632, 128], strides = [1, 1]} : vector<632x256xf32> to vector<632x128xf32>
    %swap3A_22 = arith.constant 0 : index
    %swap3A_23 = arith.constant 0 : index
    %swap3A_24 = arith.constant 0 : index
    %swap3A_25 = vector.load %arg4[%swap3A_22, %swap3A_23, %swap3A_24] : memref<2x632x128xf32, #tpu.memory_space<vmem>>, vector<1x632x128xf32>
    %swap3A_26 = vector.shape_cast %swap3A_25 : vector<1x632x128xf32> to vector<632x128xf32>
    %swap3A_27 = vector.shape_cast %slice3A_21 : vector<632x128xf32> to vector<1x632x128xf32>
    tpu.vector_store %arg4[%swap3A_22, %swap3A_23, %swap3A_24], %swap3A_27 {strides = array<i32>} : memref<2x632x128xf32, #tpu.memory_space<vmem>>, vector<1x632x128xf32>,
    %slice3A_28 = vector.extract_strided_slice %dot_general3A_20 {offsets = [0, 128], sizes = [632, 128], strides = [1, 1]} : vector<632x256xf32> to vector<632x128xf32>
    %swap3A_29 = arith.constant 1 : index
    %swap3A_30 = arith.constant 0 : index
    %swap3A_31 = arith.constant 0 : index
    %swap3A_32 = vector.load %arg4[%swap3A_29, %swap3A_30, %swap3A_31] : memref<2x632x128xf32, #tpu.memory_space<vmem>>, vector<1x632x128xf32>
    %swap3A_33 = vector.shape_cast %swap3A_32 : vector<1x632x128xf32> to vector<632x128xf32>
    %swap3A_34 = vector.shape_cast %slice3A_28 : vector<632x128xf32> to vector<1x632x128xf32>
    tpu.vector_store %arg4[%swap3A_29, %swap3A_30, %swap3A_31], %swap3A_34 {strides = array<i32>} : memref<2x632x128xf32, #tpu.memory_space<vmem>>, vector<1x632x128xf32>,
    return
  }
  func.func @transform_0(%arg0: i32) -> (i32, i32) {
    %c0_i32 = arith.constant 0 : i32
    %c0_i32_0 = arith.constant 0 : i32
    return %arg0, %c0_i32 : i32, i32
  }
  func.func @transform_1(%arg0: i32) -> (i32, i32) {
    %c0_i32 = arith.constant 0 : i32
    %c0_i32_0 = arith.constant 0 : i32
    %c0_i32_1 = arith.constant 0 : i32
    return %c0_i32, %c0_i32_0 : i32, i32
  }
  func.func @transform_2(%arg0: i32) -> (i32, i32, i32) {
    %c0_i32 = arith.constant 0 : i32
    %c0_i32_0 = arith.constant 0 : i32
    %c0_i32_1 = arith.constant 0 : i32
    return %c0_i32, %arg0, %c0_i32_0 : i32, i32, i32
  }
  func.func @transform_3(%arg0: i32) -> (i32, i32, i32) {
    %c0_i32 = arith.constant 0 : i32
    %c0_i32_0 = arith.constant 0 : i32
    %c0_i32_1 = arith.constant 0 : i32
    return %c0_i32, %arg0, %c0_i32_0 : i32, i32, i32
  }
  func.func @transform_4(%arg0: i32) -> (i32, i32) {
    %c0_i32 = arith.constant 0 : i32
    %c0_i32_0 = arith.constant 0 : i32
    return %arg0, %c0_i32 : i32, i32
  }
}

module attributes {stable_mosaic.version = 14 : i64} {
  func.func @_tc_mid2_body(%arg0: i32, %arg1: memref<2x632x128xf32, #tpu.memory_space<vmem>>, %arg2: memref<632x128xf32, #tpu.memory_space<vmem>>, %arg3: memref<2x128xf32, #tpu.memory_space<vmem>>, %arg4: memref<256x128xf32, #tpu.memory_space<vmem>>, %arg5: memref<632x128xf32, #tpu.memory_space<vmem>>) attributes {dimension_semantics = [#tpu.dimension_semantics<arbitrary>], iteration_bounds = array<i64: 16>, scalar_prefetch = 0 : i64, scratch_operands = 0 : i64, tpu.core_type = #tpu.core_type<tc>, window_params = [{transform_indices = @transform_0, window_bounds = array<i64: 2, 632, 128>}, {transform_indices = @transform_1, window_bounds = array<i64: 632, 128>}, {pipeline_mode = #tpu.pipeline_mode<synchronous>, transform_indices = @transform_2, window_bounds = array<i64: 2, 128>}, {pipeline_mode = #tpu.pipeline_mode<synchronous>, transform_indices = @transform_3, window_bounds = array<i64: 256, 128>}, {transform_indices = @transform_4, window_bounds = array<i64: 632, 128>}]} {
    %get3A = arith.constant 0 : index
    %get3A_0 = arith.constant 0 : index
    %get3A_1 = vector.load %arg2[%get3A, %get3A_0] : memref<632x128xf32, #tpu.memory_space<vmem>>, vector<632x1xf32>
    %get3A_2 = arith.constant 0 : index
    %get3A_3 = arith.constant 0 : index
    %get3A_4 = arith.constant 0 : index
    %get3A_5 = vector.load %arg1[%get3A_2, %get3A_3, %get3A_4] : memref<2x632x128xf32, #tpu.memory_space<vmem>>, vector<1x632x128xf32>
    %get3A_6 = vector.shape_cast %get3A_5 : vector<1x632x128xf32> to vector<632x128xf32>
    %mul3A = vector.broadcast %get3A_1 : vector<632x1xf32> to vector<632x128xf32>
    %mul3A_7 = arith.mulf %mul3A, %get3A_6 : vector<632x128xf32>
    %get3A_8 = arith.constant 0 : index
    %get3A_9 = arith.constant 0 : index
    %get3A_10 = vector.load %arg3[%get3A_8, %get3A_9] : memref<2x128xf32, #tpu.memory_space<vmem>>, vector<1x128xf32>
    %add3A = vector.broadcast %get3A_10 : vector<1x128xf32> to vector<632x128xf32>
    %add3A_11 = arith.addf %mul3A_7, %add3A : vector<632x128xf32>
    %gt3A = arith.constant 0.000000e+00 : f32
    %gt3A_12 = vector.broadcast %gt3A : f32 to vector<632x128xf32>
    %gt3A_13 = arith.cmpf ogt, %add3A_11, %gt3A_12 : vector<632x128xf32>
    %exp3A = math.exp %add3A_11 : vector<632x128xf32>
    %mul3A_14 = arith.constant 1.67326319 : f32
    %mul3A_15 = vector.broadcast %mul3A_14 : f32 to vector<632x128xf32>
    %mul3A_16 = arith.mulf %mul3A_15, %exp3A : vector<632x128xf32>
    %sub3A = arith.constant 1.67326319 : f32
    %sub3A_17 = vector.broadcast %sub3A : f32 to vector<632x128xf32>
    %sub3A_18 = arith.subf %mul3A_16, %sub3A_17 : vector<632x128xf32>
    %select_n3A = arith.select %gt3A_13, %add3A_11, %sub3A_18 : vector<632x128xi1>, vector<632x128xf32>
    %mul3A_19 = arith.constant 1.05070102 : f32
    %mul3A_20 = vector.broadcast %mul3A_19 : f32 to vector<632x128xf32>
    %mul3A_21 = arith.mulf %mul3A_20, %select_n3A : vector<632x128xf32>
    %mul3A_22 = vector.broadcast %get3A_1 : vector<632x1xf32> to vector<632x128xf32>
    %mul3A_23 = arith.mulf %mul3A_22, %mul3A_21 : vector<632x128xf32>
    %get3A_24 = arith.constant 1 : index
    %get3A_25 = arith.constant 0 : index
    %get3A_26 = arith.constant 0 : index
    %get3A_27 = vector.load %arg1[%get3A_24, %get3A_25, %get3A_26] : memref<2x632x128xf32, #tpu.memory_space<vmem>>, vector<1x632x128xf32>
    %get3A_28 = vector.shape_cast %get3A_27 : vector<1x632x128xf32> to vector<632x128xf32>
    %mul3A_29 = vector.broadcast %get3A_1 : vector<632x1xf32> to vector<632x128xf32>
    %mul3A_30 = arith.mulf %mul3A_29, %get3A_28 : vector<632x128xf32>
    %get3A_31 = arith.constant 1 : index
    %get3A_32 = arith.constant 0 : index
    %get3A_33 = vector.load %arg3[%get3A_31, %get3A_32] : memref<2x128xf32, #tpu.memory_space<vmem>>, vector<1x128xf32>
    %add3A_34 = vector.broadcast %get3A_33 : vector<1x128xf32> to vector<632x128xf32>
    %add3A_35 = arith.addf %mul3A_30, %add3A_34 : vector<632x128xf32>
    %gt3A_36 = arith.constant 0.000000e+00 : f32
    %gt3A_37 = vector.broadcast %gt3A_36 : f32 to vector<632x128xf32>
    %gt3A_38 = arith.cmpf ogt, %add3A_35, %gt3A_37 : vector<632x128xf32>
    %exp3A_39 = math.exp %add3A_35 : vector<632x128xf32>
    %mul3A_40 = arith.constant 1.67326319 : f32
    %mul3A_41 = vector.broadcast %mul3A_40 : f32 to vector<632x128xf32>
    %mul3A_42 = arith.mulf %mul3A_41, %exp3A_39 : vector<632x128xf32>
    %sub3A_43 = arith.constant 1.67326319 : f32
    %sub3A_44 = vector.broadcast %sub3A_43 : f32 to vector<632x128xf32>
    %sub3A_45 = arith.subf %mul3A_42, %sub3A_44 : vector<632x128xf32>
    %select_n3A_46 = arith.select %gt3A_38, %add3A_35, %sub3A_45 : vector<632x128xi1>, vector<632x128xf32>
    %mul3A_47 = arith.constant 1.05070102 : f32
    %mul3A_48 = vector.broadcast %mul3A_47 : f32 to vector<632x128xf32>
    %mul3A_49 = arith.mulf %mul3A_48, %select_n3A_46 : vector<632x128xf32>
    %mul3A_50 = vector.broadcast %get3A_1 : vector<632x1xf32> to vector<632x128xf32>
    %mul3A_51 = arith.mulf %mul3A_50, %mul3A_49 : vector<632x128xf32>
    %get3A_52 = arith.constant 0 : index
    %get3A_53 = arith.constant 0 : index
    %get3A_54 = vector.load %arg4[%get3A_52, %get3A_53] : memref<256x128xf32, #tpu.memory_space<vmem>>, vector<128x128xf32>
    %dot_general3A = arith.constant dense<0.000000e+00> : vector<632x128xf32>
    %dot_general3A_55 = tpu.matmul %mul3A_23, %get3A_54, %dot_general3A {dimension_numbers = #tpu.dot_dimension_numbers<[1], [0], [0], [1], [0, 0, 1, 1], [], []>, transpose_lhs_hint = false} : vector<632x128xf32>, vector<128x128xf32>, vector<632x128xf32> -> vector<632x128xf32>
    %get3A_56 = arith.constant 128 : index
    %get3A_57 = arith.constant 0 : index
    %get3A_58 = vector.load %arg4[%get3A_56, %get3A_57] : memref<256x128xf32, #tpu.memory_space<vmem>>, vector<128x128xf32>
    %dot_general3A_59 = arith.constant dense<0.000000e+00> : vector<632x128xf32>
    %dot_general3A_60 = tpu.matmul %mul3A_51, %get3A_58, %dot_general3A_59 {dimension_numbers = #tpu.dot_dimension_numbers<[1], [0], [0], [1], [0, 0, 1, 1], [], []>, transpose_lhs_hint = false} : vector<632x128xf32>, vector<128x128xf32>, vector<632x128xf32> -> vector<632x128xf32>
    %add3A_61 = arith.addf %dot_general3A_55, %dot_general3A_60 : vector<632x128xf32>
    %swap3A = arith.constant 0 : index
    %swap3A_62 = arith.constant 0 : index
    %swap3A_63 = vector.load %arg5[%swap3A, %swap3A_62] : memref<632x128xf32, #tpu.memory_space<vmem>>, vector<632x128xf32>
    tpu.vector_store %arg5[%swap3A, %swap3A_62], %add3A_61 {strides = array<i32>} : memref<632x128xf32, #tpu.memory_space<vmem>>, vector<632x128xf32>,
    return
  }
  func.func @transform_0(%arg0: i32) -> (i32, i32, i32) {
    %c0_i32 = arith.constant 0 : i32
    %c0_i32_0 = arith.constant 0 : i32
    %c0_i32_1 = arith.constant 0 : i32
    return %c0_i32, %arg0, %c0_i32_0 : i32, i32, i32
  }
  func.func @transform_1(%arg0: i32) -> (i32, i32) {
    %c0_i32 = arith.constant 0 : i32
    %c0_i32_0 = arith.constant 0 : i32
    return %arg0, %c0_i32 : i32, i32
  }
  func.func @transform_2(%arg0: i32) -> (i32, i32) {
    %c0_i32 = arith.constant 0 : i32
    %c0_i32_0 = arith.constant 0 : i32
    %c0_i32_1 = arith.constant 0 : i32
    return %c0_i32, %c0_i32_0 : i32, i32
  }
  func.func @transform_3(%arg0: i32) -> (i32, i32) {
    %c0_i32 = arith.constant 0 : i32
    %c0_i32_0 = arith.constant 0 : i32
    %c0_i32_1 = arith.constant 0 : i32
    return %c0_i32, %c0_i32_0 : i32, i32
  }
  func.func @transform_4(%arg0: i32) -> (i32, i32) {
    %c0_i32 = arith.constant 0 : i32
    %c0_i32_0 = arith.constant 0 : i32
    return %arg0, %c0_i32 : i32, i32
  }
}

module attributes {stable_mosaic.version = 14 : i64} {
  func.func @_tc_mid3_body(%arg0: i32, %arg1: memref<2x632x128xf32, #tpu.memory_space<vmem>>, %arg2: memref<632x128xf32, #tpu.memory_space<vmem>>, %arg3: memref<1x128xf32, #tpu.memory_space<vmem>>, %arg4: memref<128x128xf32, #tpu.memory_space<vmem>>, %arg5: memref<632x128xf32, #tpu.memory_space<vmem>>) attributes {dimension_semantics = [#tpu.dimension_semantics<arbitrary>], iteration_bounds = array<i64: 16>, scalar_prefetch = 0 : i64, scratch_operands = 0 : i64, tpu.core_type = #tpu.core_type<tc>, window_params = [{transform_indices = @transform_0, window_bounds = array<i64: 2, 632, 128>}, {transform_indices = @transform_1, window_bounds = array<i64: 632, 128>}, {pipeline_mode = #tpu.pipeline_mode<synchronous>, transform_indices = @transform_2, window_bounds = array<i64: 1, 128>}, {pipeline_mode = #tpu.pipeline_mode<synchronous>, transform_indices = @transform_3, window_bounds = array<i64: 128, 128>}, {transform_indices = @transform_4, window_bounds = array<i64: 632, 128>}]} {
    %get3A = arith.constant 0 : index
    %get3A_0 = arith.constant 0 : index
    %get3A_1 = vector.load %arg2[%get3A, %get3A_0] : memref<632x128xf32, #tpu.memory_space<vmem>>, vector<632x1xf32>
    %get3A_2 = arith.constant 0 : index
    %get3A_3 = arith.constant 0 : index
    %get3A_4 = arith.constant 0 : index
    %get3A_5 = vector.load %arg1[%get3A_2, %get3A_3, %get3A_4] : memref<2x632x128xf32, #tpu.memory_space<vmem>>, vector<1x632x128xf32>
    %get3A_6 = vector.shape_cast %get3A_5 : vector<1x632x128xf32> to vector<632x128xf32>
    %get3A_7 = arith.constant 1 : index
    %get3A_8 = arith.constant 0 : index
    %get3A_9 = arith.constant 0 : index
    %get3A_10 = vector.load %arg1[%get3A_7, %get3A_8, %get3A_9] : memref<2x632x128xf32, #tpu.memory_space<vmem>>, vector<1x632x128xf32>
    %get3A_11 = vector.shape_cast %get3A_10 : vector<1x632x128xf32> to vector<632x128xf32>
    %add3A = arith.addf %get3A_6, %get3A_11 : vector<632x128xf32>
    %mul3A = vector.broadcast %get3A_1 : vector<632x1xf32> to vector<632x128xf32>
    %mul3A_12 = arith.mulf %mul3A, %add3A : vector<632x128xf32>
    %get3A_13 = arith.constant 0 : index
    %get3A_14 = arith.constant 0 : index
    %get3A_15 = vector.load %arg3[%get3A_13, %get3A_14] : memref<1x128xf32, #tpu.memory_space<vmem>>, vector<1x128xf32>
    %add3A_16 = vector.broadcast %get3A_15 : vector<1x128xf32> to vector<632x128xf32>
    %add3A_17 = arith.addf %mul3A_12, %add3A_16 : vector<632x128xf32>
    %gt3A = arith.constant 0.000000e+00 : f32
    %gt3A_18 = vector.broadcast %gt3A : f32 to vector<632x128xf32>
    %gt3A_19 = arith.cmpf ogt, %add3A_17, %gt3A_18 : vector<632x128xf32>
    %exp3A = math.exp %add3A_17 : vector<632x128xf32>
    %mul3A_20 = arith.constant 1.67326319 : f32
    %mul3A_21 = vector.broadcast %mul3A_20 : f32 to vector<632x128xf32>
    %mul3A_22 = arith.mulf %mul3A_21, %exp3A : vector<632x128xf32>
    %sub3A = arith.constant 1.67326319 : f32
    %sub3A_23 = vector.broadcast %sub3A : f32 to vector<632x128xf32>
    %sub3A_24 = arith.subf %mul3A_22, %sub3A_23 : vector<632x128xf32>
    %select_n3A = arith.select %gt3A_19, %add3A_17, %sub3A_24 : vector<632x128xi1>, vector<632x128xf32>
    %mul3A_25 = arith.constant 1.05070102 : f32
    %mul3A_26 = vector.broadcast %mul3A_25 : f32 to vector<632x128xf32>
    %mul3A_27 = arith.mulf %mul3A_26, %select_n3A : vector<632x128xf32>
    %mul3A_28 = vector.broadcast %get3A_1 : vector<632x1xf32> to vector<632x128xf32>
    %mul3A_29 = arith.mulf %mul3A_28, %mul3A_27 : vector<632x128xf32>
    %get3A_30 = arith.constant 0 : index
    %get3A_31 = arith.constant 0 : index
    %get3A_32 = vector.load %arg4[%get3A_30, %get3A_31] : memref<128x128xf32, #tpu.memory_space<vmem>>, vector<128x128xf32>
    %dot_general3A = arith.constant dense<0.000000e+00> : vector<632x128xf32>
    %dot_general3A_33 = tpu.matmul %mul3A_29, %get3A_32, %dot_general3A {dimension_numbers = #tpu.dot_dimension_numbers<[1], [0], [0], [1], [0, 0, 1, 1], [], []>, transpose_lhs_hint = false} : vector<632x128xf32>, vector<128x128xf32>, vector<632x128xf32> -> vector<632x128xf32>
    %swap3A = arith.constant 0 : index
    %swap3A_34 = arith.constant 0 : index
    %swap3A_35 = vector.load %arg5[%swap3A, %swap3A_34] : memref<632x128xf32, #tpu.memory_space<vmem>>, vector<632x128xf32>
    tpu.vector_store %arg5[%swap3A, %swap3A_34], %dot_general3A_33 {strides = array<i32>} : memref<632x128xf32, #tpu.memory_space<vmem>>, vector<632x128xf32>,
    return
  }
  func.func @transform_0(%arg0: i32) -> (i32, i32, i32) {
    %c0_i32 = arith.constant 0 : i32
    %c0_i32_0 = arith.constant 0 : i32
    %c0_i32_1 = arith.constant 0 : i32
    return %c0_i32, %arg0, %c0_i32_0 : i32, i32, i32
  }
  func.func @transform_1(%arg0: i32) -> (i32, i32) {
    %c0_i32 = arith.constant 0 : i32
    %c0_i32_0 = arith.constant 0 : i32
    return %arg0, %c0_i32 : i32, i32
  }
  func.func @transform_2(%arg0: i32) -> (i32, i32) {
    %c0_i32 = arith.constant 0 : i32
    %c0_i32_0 = arith.constant 0 : i32
    %c0_i32_1 = arith.constant 0 : i32
    return %c0_i32, %c0_i32_0 : i32, i32
  }
  func.func @transform_3(%arg0: i32) -> (i32, i32) {
    %c0_i32 = arith.constant 0 : i32
    %c0_i32_0 = arith.constant 0 : i32
    %c0_i32_1 = arith.constant 0 : i32
    return %c0_i32, %c0_i32_0 : i32, i32
  }
  func.func @transform_4(%arg0: i32) -> (i32, i32) {
    %c0_i32 = arith.constant 0 : i32
    %c0_i32_0 = arith.constant 0 : i32
    return %arg0, %c0_i32 : i32, i32
  }
}

module attributes {stable_mosaic.version = 14 : i64} {
  func.func @_tc_final_body(%arg0: i32, %arg1: i32, %arg2: memref<2x632x128xf32, #tpu.memory_space<vmem>>, %arg3: memref<632x128xf32, #tpu.memory_space<vmem>>, %arg4: memref<1x128xf32, #tpu.memory_space<vmem>>, %arg5: memref<632x128xf32, #tpu.memory_space<vmem>>, %arg6: memref<1x128xf32, #tpu.memory_space<vmem>>) attributes {dimension_semantics = [#tpu.dimension_semantics<arbitrary>, #tpu.dimension_semantics<arbitrary>], iteration_bounds = array<i64: 2, 16>, scalar_prefetch = 0 : i64, scratch_operands = 1 : i64, tpu.core_type = #tpu.core_type<tc>, window_params = [{transform_indices = @transform_0, window_bounds = array<i64: 2, 632, 128>}, {transform_indices = @transform_1, window_bounds = array<i64: 632, 128>}, {pipeline_mode = #tpu.pipeline_mode<synchronous>, transform_indices = @transform_2, window_bounds = array<i64: 1, 128>}, {transform_indices = @transform_3, window_bounds = array<i64: 632, 128>}]} {
    %get3A = arith.constant 0 : index
    %get3A_0 = arith.constant 0 : index
    %get3A_1 = vector.load %arg3[%get3A, %get3A_0] : memref<632x128xf32, #tpu.memory_space<vmem>>, vector<632x1xf32>
    %get3A_2 = arith.constant 0 : index
    %get3A_3 = arith.constant 0 : index
    %get3A_4 = arith.constant 0 : index
    %get3A_5 = vector.load %arg2[%get3A_2, %get3A_3, %get3A_4] : memref<2x632x128xf32, #tpu.memory_space<vmem>>, vector<1x632x128xf32>
    %get3A_6 = vector.shape_cast %get3A_5 : vector<1x632x128xf32> to vector<632x128xf32>
    %get3A_7 = arith.constant 1 : index
    %get3A_8 = arith.constant 0 : index
    %get3A_9 = arith.constant 0 : index
    %get3A_10 = vector.load %arg2[%get3A_7, %get3A_8, %get3A_9] : memref<2x632x128xf32, #tpu.memory_space<vmem>>, vector<1x632x128xf32>
    %get3A_11 = vector.shape_cast %get3A_10 : vector<1x632x128xf32> to vector<632x128xf32>
    %add3A = arith.addf %get3A_6, %get3A_11 : vector<632x128xf32>
    %mul3A = vector.broadcast %get3A_1 : vector<632x1xf32> to vector<632x128xf32>
    %mul3A_12 = arith.mulf %mul3A, %add3A : vector<632x128xf32>
    %get3A_13 = arith.constant 0 : index
    %get3A_14 = arith.constant 0 : index
    %get3A_15 = vector.load %arg4[%get3A_13, %get3A_14] : memref<1x128xf32, #tpu.memory_space<vmem>>, vector<1x128xf32>
    %add3A_16 = vector.broadcast %get3A_15 : vector<1x128xf32> to vector<632x128xf32>
    %add3A_17 = arith.addf %mul3A_12, %add3A_16 : vector<632x128xf32>
    %eq3A = arith.constant 0 : i32
    %eq3A_18 = arith.cmpi eq, %arg0, %eq3A : i32
    %eq3A_19 = arith.constant 0 : i32
    %eq3A_20 = arith.cmpi eq, %arg1, %eq3A_19 : i32
    %and3A = arith.andi %eq3A_18, %eq3A_20 : i1
    %convert_element_type3A = arith.extui %and3A : i1 to i32
    %cond3A = arith.constant 0 : i32
    %cond3A_21 = arith.cmpi ne, %convert_element_type3A, %cond3A : i32
    scf.if %cond3A_21 {
      %broadcast_in_dim3A = arith.constant 0.000000e+00 : f32
      %broadcast_in_dim3A_32 = vector.broadcast %broadcast_in_dim3A : f32 to vector<1x128xf32>
      %swap3A = arith.constant 0 : index
      %swap3A_33 = arith.constant 0 : index
      %swap3A_34 = vector.load %arg6[%swap3A, %swap3A_33] : memref<1x128xf32, #tpu.memory_space<vmem>>, vector<1x128xf32>
      tpu.vector_store %arg6[%swap3A, %swap3A_33], %broadcast_in_dim3A_32 {strides = array<i32>} : memref<1x128xf32, #tpu.memory_space<vmem>>, vector<1x128xf32>,
    } else {
    }
    %eq3A_22 = arith.constant 0 : i32
    %eq3A_23 = arith.cmpi eq, %arg0, %eq3A_22 : i32
    %convert_element_type3A_24 = arith.extui %eq3A_23 : i1 to i32
    %cond3A_25 = arith.constant 0 : i32
    %cond3A_26 = arith.cmpi ne, %convert_element_type3A_24, %cond3A_25 : i32
    scf.if %cond3A_26 {
      %mul3A_32 = arith.constant 632 : i32
      %mul3A_33 = arith.muli %arg1, %mul3A_32 : i32
      %iota3A = tpu.iota {dimensions = array<i32: 0>} : vector<632x1xi32>
      %add3A_34 = vector.broadcast %mul3A_33 : i32 to vector<632x1xi32>
      %add3A_35 = arith.addi %add3A_34, %iota3A : vector<632x1xi32>
      %get3A_36 = arith.constant 0 : index
      %get3A_37 = arith.constant 0 : index
      %get3A_38 = vector.load %arg6[%get3A_36, %get3A_37] : memref<1x128xf32, #tpu.memory_space<vmem>>, vector<1x128xf32>
      %lt3A = arith.constant 10000 : i32
      %lt3A_39 = vector.broadcast %lt3A : i32 to vector<632x1xi32>
      %lt3A_40 = arith.cmpi slt, %add3A_35, %lt3A_39 : vector<632x1xi32>
      %jit3A = arith.constant 0.000000e+00 : f32
      %broadcast_in_dim3A = vector.shape_cast %lt3A_40 : vector<632x1xi1> to vector<632x1xi1>
      %broadcast_in_dim3A_41 = vector.broadcast %broadcast_in_dim3A : vector<632x1xi1> to vector<632x128xi1>
      %broadcast_in_dim3A_42 = vector.broadcast %jit3A : f32 to vector<632x128xf32>
      %select_n3A = arith.select %broadcast_in_dim3A_41, %add3A_17, %broadcast_in_dim3A_42 : vector<632x128xi1>, vector<632x128xf32>
      %reduce_sum3A = arith.constant dense<0.000000e+00> : vector<128xf32>
      %reduce_sum3A_43 = vector.multi_reduction <add>, %select_n3A, %reduce_sum3A [0] : vector<632x128xf32> to vector<128xf32>
      %broadcast_in_dim3A_44 = vector.shape_cast %reduce_sum3A_43 : vector<128xf32> to vector<1x128xf32>
      %add3A_45 = arith.addf %get3A_38, %broadcast_in_dim3A_44 : vector<1x128xf32>
      %swap3A = arith.constant 0 : index
      %swap3A_46 = arith.constant 0 : index
      %swap3A_47 = vector.load %arg6[%swap3A, %swap3A_46] : memref<1x128xf32, #tpu.memory_space<vmem>>, vector<1x128xf32>
      tpu.vector_store %arg6[%swap3A, %swap3A_46], %add3A_45 {strides = array<i32>} : memref<1x128xf32, #tpu.memory_space<vmem>>, vector<1x128xf32>,
    } else {
    }
    %eq3A_27 = arith.constant 1 : i32
    %eq3A_28 = arith.cmpi eq, %arg0, %eq3A_27 : i32
    %convert_element_type3A_29 = arith.extui %eq3A_28 : i1 to i32
    %cond3A_30 = arith.constant 0 : i32
    %cond3A_31 = arith.cmpi ne, %convert_element_type3A_29, %cond3A_30 : i32
    scf.if %cond3A_31 {
      %get3A_32 = arith.constant 0 : index
      %get3A_33 = arith.constant 0 : index
      %get3A_34 = vector.load %arg6[%get3A_32, %get3A_33] : memref<1x128xf32, #tpu.memory_space<vmem>>, vector<1x128xf32>
      %reduce_sum3A = vector.shape_cast %get3A_34 : vector<1x128xf32> to vector<1x1x128xf32>
      %reduce_sum3A_35 = arith.constant dense<0.000000e+00> : vector<1xf32>
      %reduce_sum3A_36 = vector.multi_reduction <add>, %reduce_sum3A, %reduce_sum3A_35 [1, 2] : vector<1x1x128xf32> to vector<1xf32>
      %reduce_sum3A_37 = vector.shape_cast %reduce_sum3A_36 : vector<1xf32> to vector<1x1x1xf32>
      %reduce_sum3A_38 = vector.extract %reduce_sum3A_37[0, 0, 0] : f32 from vector<1x1x1xf32>
      %div3A = vector.broadcast %reduce_sum3A_38 : f32 to vector<632x128xf32>
      %div3A_39 = arith.divf %add3A_17, %div3A : vector<632x128xf32>
      %tanh3A = math.tanh %div3A_39 : vector<632x128xf32>
      %mul3A_40 = arith.mulf %tanh3A, %tanh3A : vector<632x128xf32>
      %mul3A_41 = arith.mulf %mul3A_40, %mul3A_40 : vector<632x128xf32>
      %reduce_sum3A_42 = arith.constant dense<0.000000e+00> : vector<632xf32>
      %reduce_sum3A_43 = vector.multi_reduction <add>, %mul3A_41, %reduce_sum3A_42 [1] : vector<632x128xf32> to vector<632xf32>
      %broadcast_in_dim3A = vector.shape_cast %reduce_sum3A_43 : vector<632xf32> to vector<632x1xf32>
      %sqrt3A = math.sqrt %broadcast_in_dim3A : vector<632x1xf32>
      %max3A = arith.constant 9.99999996E-13 : f32
      %max3A_44 = vector.broadcast %max3A : f32 to vector<632x1xf32>
      %max3A_45 = arith.maximumf %sqrt3A, %max3A_44 : vector<632x1xf32>
      %div3A_46 = vector.broadcast %max3A_45 : vector<632x1xf32> to vector<632x128xf32>
      %div3A_47 = arith.divf %mul3A_40, %div3A_46 : vector<632x128xf32>
      %swap3A = arith.constant 0 : index
      %swap3A_48 = arith.constant 0 : index
      %swap3A_49 = vector.load %arg5[%swap3A, %swap3A_48] : memref<632x128xf32, #tpu.memory_space<vmem>>, vector<632x128xf32>
      tpu.vector_store %arg5[%swap3A, %swap3A_48], %div3A_47 {strides = array<i32>} : memref<632x128xf32, #tpu.memory_space<vmem>>, vector<632x128xf32>,
    } else {
    }
    return
  }
  func.func @transform_0(%arg0: i32, %arg1: i32) -> (i32, i32, i32) {
    %c0_i32 = arith.constant 0 : i32
    %c0_i32_0 = arith.constant 0 : i32
    %c0_i32_1 = arith.constant 0 : i32
    return %c0_i32, %arg1, %c0_i32_0 : i32, i32, i32
  }
  func.func @transform_1(%arg0: i32, %arg1: i32) -> (i32, i32) {
    %c0_i32 = arith.constant 0 : i32
    %c0_i32_0 = arith.constant 0 : i32
    return %arg1, %c0_i32 : i32, i32
  }
  func.func @transform_2(%arg0: i32, %arg1: i32) -> (i32, i32) {
    %c0_i32 = arith.constant 0 : i32
    %c0_i32_0 = arith.constant 0 : i32
    %c0_i32_1 = arith.constant 0 : i32
    return %c0_i32, %c0_i32_0 : i32, i32
  }
  func.func @transform_3(%arg0: i32, %arg1: i32) -> (i32, i32) {
    %c0_i32 = arith.constant 0 : i32
    %c0_i32_0 = arith.constant 0 : i32
    return %arg1, %c0_i32 : i32, i32
  }
}

</mosaic_0001>

<sc_bundles>
// kernel: kernel.10.cloned.1.call-start
scs
__scs_entry_jumppad:
0x0: {  	(pc) =	sbr.rel $0x88, $3  }
0x1: {  	(tag) =	ssettag $0x0;
	lr =	simm.s32 $0x1  }
0x2: {  	[smem:$0x3F99] =	sst lr;
	_ =	strace $0xD0000000  }
0x3: {  	_ = 	snop  }
0x4: {  	_ = 	snop  }
0x5: {  	_ = 	snop  }
0x6: {  	_ = 	snop  }
0x7: {  	_ = 	snop  }
__scs_overlays_trampoline_lowered:
0x8: {  	[smem:$0x3FA8] =	sst s0  }
0x9: {  	[smem:$0x3FA9] =	sst s1  }
0xa: {  	[smem:$0x3FAA] =	sst s2  }
0xb: {  	[smem:$0x3FAB] =	sst s3  }
0xc: {  	[smem:$0x3FAC] =	sst s4  }
0xd: {  	[smem:$0x3FAD] =	sst s5  }
0xe: {  	[smem:$0x3FAE] =	sst s6  }
0xf: {  	[smem:$0x3FAF] =	sst s7  }
0x10: {  	[smem:$0x3FB0] =	sst s8  }
0x11: {  	[smem:$0x3FB1] =	sst s9;
	s0 =	simm.s32 @!p0 $0x0  }
0x12: {  	s1 =	sld [smem:$0x3F97];
	s0 =	simm.s32 @p0 $0x1  }
0x13: {  	[smem:$0x3FB2] =	sst s0;
	s0 =	simm.s32 @!p1 $0x0  }
0x14: {  	s2 =	sld [smem:$0x3F96];
	s0 =	simm.s32 @p1 $0x1  }
0x15: {  	[smem:$0x3FB3] =	sst s0;
	s0 =	simm.s32 @!p2 $0x0  }
0x16: {  	s3 =	sld [smem:$0x3FDB];
	s0 =	simm.s32 @p2 $0x1  }
0x17: {  	s4 =	simm.s32 $0x1BF5;
	[smem:$0x3FB5] =	sst s0  }
0x18: {  	s0 =	sld [smem:$0x3F98];
	_ =	swait.ge [sflag:s4], $0x0  }
0x19: {  	s7 =	sld [smem:$0x3F99]  }
0x1a: {  	s8 =	sadd.s32 $0xFFFFE003, lr  }
0x1b: {  	s9 =	sadd.s32 $0xFFFFFEF7, lr;
	s5 =	simm.s32 $0xFFFFFFFF;
	p2 =	slt.u32 s8, $0xFFFFF086  }
0x1c: {  	p1 =	slt.u32 s9, $0xF7A;
	s5 =	simm.s32 @!p2 $0x0  }
0x1d: {  	s5 =	simm.s32 @p1 $0x1;
	p0 =	seq.s32 s7, s2  }
0x1e: {  	s7 =	smul.u32 @!p0 $0xF7A, s2;
	p2 =	seq.s32 @!p0 s5, $0x0  }
0x1f: {  	s9 =	smul.u32 $0xF7A, s1;
	s8 =	simm.s32 @!p0 $0x1BF5;
	p2 =	por !p2, p0  }
0x20: {  	[sflag:s8] =	ssyncset.s32 @!p0 $0xFFFFF086;
	s6 =	sadd.s32 @!p0 s3, s7;
	s7 =	simm.s32 @!p0 $0x108  }
0x21: {  	s3 =	sadd.s32 s3, s9;
	s6 =	sadd.s32 @!p0 $0x88, s6;
	s7 =	simm.s32 @p2 $0x1082  }
0x22: {  	[simem:s7], [sflag:s8] =	dma.local @!p0 [hbm:s6], $0xF7A  }
0x23: {  	s9 =	sor.u32 $0xD0000000, s2;
	s6 =	simm.s32 $0x108;
	_ =	swait.ge @!p0 [sflag:s8], $0x0  }
0x24: {  	s3 =	sadd.s32 $0x88, s3;
	s6 =	simm.s32 @!p1 $0x1082;
	[sflag:s4] =	ssyncset.s32 $0xFFFFF086  }
0x25: {  	[simem:s6], [sflag:s4] =	dma.local [hbm:s3], $0xF7A  }
0x26: {  	[smem:$0x3F99] =	sst s1;
	(tag) =	ssettag s2;
	_ =	strace s9  }
0x27: {  	s1 =	sld [smem:$0x3FA9]  }
0x28: {  	s2 =	sld [smem:$0x3FAA]  }
0x29: {  	s4 =	sld [smem:$0x3FAC]  }
0x2a: {  	p0 =	seq.s32 s5, $0x0;
	s5 =	sld [smem:$0x3FAD]  }
0x2b: {  	s6 =	sld [smem:$0x3FAE]  }
0x2c: {  	s7 =	sld [smem:$0x3FAF]  }
0x2d: {  	s3 =	simm.s32 $0x108;
	s8 =	sld [smem:$0x3FB0]  }
0x2e: {  	s3 =	simm.s32 @!p0 $0x1082;
	s9 =	sld [smem:$0x3FB1]  }
0x2f: {  	lr =	sadd.s32 s0, s3;
	s0 =	sld [smem:$0x3FA8]  }
0x30: {  	s3 =	sld [smem:$0x3FAB]  }
0x31: {  	[smem:$0x3FB4] =	sst s10  }
0x32: {  	s10 =	sld [smem:$0x3FB2];
	_ =	sdelay $0x3  }
0x33: {  	p0 =	seq.s32 s10, $0x1;
	s10 =	sld [smem:$0x3FB4];
	_ =	sdelay $0x3  }
0x34: {  	[smem:$0x3FB4] =	sst s10  }
0x35: {  	s10 =	sld [smem:$0x3FB3];
	_ =	sdelay $0x3  }
0x36: {  	p1 =	seq.s32 s10, $0x1;
	s10 =	sld [smem:$0x3FB4];
	_ =	sdelay $0x3  }
0x37: {  	[smem:$0x3FB4] =	sst s10  }
0x38: {  	s10 =	sld [smem:$0x3FB5]  }
0x39: {  	_ = 	snop;
	(pc) =	sbr.ind lr, $3  }
0x3a: {  	_ = 	snop  }
0x3b: {  	_ = 	snop  }
0x3c: {  	p2 =	seq.s32 s10, $0x1;
	s10 =	sld [smem:$0x3FB4]  }
0x3d: {  	_ =	shalt  }
0x3e: {  	_ =	shalt  }
0x3f: {  	_ =	shalt  }
0x40: {  	_ =	shalt  }
0x41: {  	_ =	shalt  }
0x42: {  	_ =	shalt  }
0x43: {  	_ =	shalt  }
0x44: {  	_ =	shalt  }
0x45: {  	_ =	shalt  }
0x46: {  	_ =	shalt  }
0x47: {  	_ =	shalt  }
0x48: {  	_ =	shalt  }
0x49: {  	_ =	shalt  }
0x4a: {  	_ =	shalt  }
0x4b: {  	_ =	shalt  }
0x4c: {  	_ =	shalt  }
0x4d: {  	_ =	shalt  }
0x4e: {  	_ =	shalt  }
0x4f: {  	_ =	shalt  }
0x50: {  	_ =	shalt  }
0x51: {  	_ =	shalt  }
0x52: {  	_ =	shalt  }
0x53: {  	_ =	shalt  }
0x54: {  	_ =	shalt  }
0x55: {  	_ =	shalt  }
0x56: {  	_ =	shalt  }
0x57: {  	_ =	shalt  }
0x58: {  	_ =	shalt  }
0x59: {  	_ =	shalt  }
0x5a: {  	_ =	shalt  }
0x5b: {  	_ =	shalt  }
0x5c: {  	_ =	shalt  }
0x5d: {  	_ =	shalt  }
0x5e: {  	_ =	shalt  }
0x5f: {  	_ =	shalt  }
0x60: {  	_ =	shalt  }
0x61: {  	_ =	shalt  }
0x62: {  	_ =	shalt  }
0x63: {  	_ =	shalt  }
0x64: {  	_ =	shalt  }
0x65: {  	_ =	shalt  }
0x66: {  	_ =	shalt  }
0x67: {  	_ =	shalt  }
0x68: {  	_ =	shalt  }
0x69: {  	_ =	shalt  }
0x6a: {  	_ =	shalt  }
0x6b: {  	_ =	shalt  }
0x6c: {  	_ =	shalt  }
0x6d: {  	_ =	shalt  }
0x6e: {  	_ =	shalt  }
0x6f: {  	_ =	shalt  }
0x70: {  	_ =	shalt  }
0x71: {  	_ =	shalt  }
0x72: {  	_ =	shalt  }
0x73: {  	_ =	shalt  }
0x74: {  	_ =	shalt  }
0x75: {  	_ =	shalt  }
0x76: {  	_ =	shalt  }
0x77: {  	_ =	shalt  }
0x78: {  	_ =	shalt  }
0x79: {  	_ =	shalt  }
0x7a: {  	_ =	shalt  }
0x7b: {  	_ =	shalt  }
0x7c: {  	_ =	shalt  }
0x7d: {  	_ =	shalt  }
0x7e: {  	_ =	shalt  }
0x7f: {  	_ =	shalt  }
0x80: {  	_ =	shalt  }
0x81: {  	_ =	shalt  }
0x82: {  	_ =	shalt  }
0x83: {  	_ =	shalt  }
0x84: {  	_ =	shalt  }
0x85: {  	_ =	shalt  }
0x86: {  	_ =	shalt  }
0x87: {  	_ =	shalt  }
.Lfunc_end0:
.L_simem_size_0:
called_computation_lowered:
.L_overlay_start_0:
0x88: {  	s2 =	sld [smem:$0x3FD9]  }
0x89: {  	s3 =	sld [smem:$0x3FFE];
	_ =	sdelay $0x1  }
0x8a: {  	s1 =	srdreg.scid  }
0x8b: {  	s0 =	sand.u32 $0x1, s1  }
0x8c: {  	s17 =	sshll.u32 s0, $0xA;
	s2 =	sadd.s32 s3, s2  }
0x8d: {  	s2 =	sadd.s32 s2, s17  }
0x8e: {  	[smem:$0x3FC0] =	sst s2  }
0x8f: {  	_ = 	snop  }
0x90: {  	s2 =	sld [smem:$0x3FD0];
	(tm) =	ssettm $0x1  }
0x91: {  	s18 =	sld [smem:$0x3FFB];
	_ =	sdelay $0x3  }
0x92: {  	_ =	strace s18  }
0x93: {  	s3 =	sld [smem:$0x3FFC];
	_ =	sdelay $0x3  }
0x94: {  	_ =	strace s3  }
0x95: {  	s3 =	sld [smem:$0x3FFD];
	_ =	sdelay $0x3  }
0x96: {  	_ =	strace s3  }
0x97: {  	_ =	strace $0x8FFFFFFF  }
0x98: {  	s19 =	sld [smem:$0x3FDB];
	_ =	sdelay $0x1  }
0x99: {  	s4 =	simm.s32 $_scs_section_size  }
0x9a: {  	s5 =	simm.s32 $_size__tile_overlayer_lowered;
	s6 =	simm.s32 $_tile_overlayer_lowered  }
0x9b: {  	s22 =	simm.s32 $0x1BFF;
	s21 =	sshll.u32 s6, $0x1;
	s3 =	sadd.s32 s4, s19  }
0x9c: {  	s7 =	simm.s32 $0x0;
	s20 =	sshll.u32 s5, $0x1;
	s5 =	sadd.s32 s21, s3  }
0x9d: {  	[timem:s7], [sflag:s22] =	dma.local [hbm:s5], s20  }
0x9e: {  	_ =	swait.ge [sflag:s22], s20  }
0x9f: {  	s4 =	ssub.s32 $0x0, s20;
	[sflag:s22] =	ssyncset.done $0x0  }
0xa0: {  	[sflag:s22] =	ssyncadd.s32 s4;
	_ =	sdelay $0x1  }
0xa1: {  	s23 =	simm.s32 $0x1B8B  }
0xa2: {  	_ =	swait.ge [sflag:s23], $0x1  }
0xa3: {  	[sflag:s23] =	ssyncset.done $0x0  }
0xa4: {  	s25 =	simm.s32 $0x1B8E;
	s24 =	sld [smem:$0x3FFE];
	[sflag:s23] =	ssyncadd.s32 $0xFFFFFFFF  }
0xa5: {  	s26 =	simm.s32 $execute0_lowered;
	[smem:$0x3FD2] =	sst s25  }
0xa6: {  	s5 =	sshll.u32 s26, $0x1;
	_ =	strace $0x80000046;
	[dreg:$0x1] =	wrdreg $0xFFFFFFFF  }
0xa7: {  	s28 =	simm.s32 $_size_execute0_lowered;
	s3 =	sadd.s32 s3, s5;
	[dreg:$0x0] =	wrdreg $0x0  }
0xa8: {  	s5 =	sshll.u32 s28, $0x1;
	[dreg:$0x2] =	wrdreg s3  }
0xa9: {  	[dreg:$0x3] =	wrdreg s5  }
0xaa: {  	[dreg:$0x4] =	wrdreg $0xC0  }
0xab: {  	_ =	task [dreg:s7], $0x5FFFF  }
0xac: {  	[dreg:$0x1] =	wrdreg $0xFFFFFFFF  }
0xad: {  	[dreg:$0x0] =	wrdreg $0x60  }
0xae: {  	[dreg:$0x2] =	wrdreg s2  }
0xaf: {  	[dreg:$0x3] =	wrdreg s24  }
0xb0: {  	[dreg:$0x4] =	wrdreg $0x54000  }
0xb1: {  	[dreg:$0x5] =	wrdreg $0x9  }
0xb2: {  	_ =	task.clear_ibuf [dreg:s7], $0x6FFFF;
	_ =	strace $0x90000046  }
0xb3: {  	s29 =	simm.s32 $0x9;
	_ =	strace $0x80000048  }
0xb4: {  	_ =	swait.ge [sflag:s29], $0x1  }
0xb5: {  	[sflag:s29] =	ssyncadd.s32 $0xFFFFFFFF  }
0xb6: {  	_ =	strace $0x90000048  }
0xb7: {  	_ =	sfence  }
0xb8: {  	s30 =	sld [smem:$0x0];
	_ =	sdelay $0x2  }
0xb9: {  	s31 =	sshll.u32 s1, $0xD;
	s1 =	sshrl.u32 s1, $0x2  }
0xba: {  	s3 =	sand.u32 $0x4000, s31;
	s1 =	sadd.s32 s1, s30  }
0xbb: {  	s0 =	sor.u32 s3, s0;
	s1 =	sshll.u32 s1, $0x11  }
0xbc: {  	s0 =	sor.u32 s1, s0  }
0xbd: {  	s0 =	sadd.s32 $0x8F2B, s0  }
0xbe: {  	[sflag:s0] =	ssyncadd.remote.s32 $0x1  }
0xbf: {  	_ =	sfence.sel $0xFFFF  }
0xc0: {  	[dreg:$0x0] =	wrdreg $0xFFFFFFFF;
	(pc) =	sbr.abs _section_cstart, $3  }
0xc1: {  	[dreg:$0x1] =	wrdreg $0xFFFFFFFF  }
0xc2: {  	_ =	task.clear_ibuf [dreg:s7], $0x2FFFF;
	_ =	strace $0x9FFFFFFF  }
0xc3: {  	(tm) =	ssettm $0x7FFFFFFF  }
tec
execute0_lowered:
.L_overlay_start_1:
0x0: {  	(tag) =	ssettag $0x1  }
0x1: {  	s5 =	rddreg [dreg:$0x0]  }
0x2: {  	s6 =	rddreg [dreg:$0x1]  }
0x3: {  	s1 =	rddreg [dreg:$0x2]  }
0x4: {  	s0 =	rddreg [dreg:$0x3];
	s3 =	simm.s32 $0x0  }
0x5: {  	s2 =	srdreg.scid;
	s14 =	simm.s32 $0x1;
	s15 =	simm.s32 $0x2  }
0x6: {  	s16 =	simm.s32 $0x1380;
	[smem:$0x7FF] =	sst s3;
	s7 =	sand.u32 $0x1, s2  }
0x7: {  	s17 =	simm.s32 $0x0;
	s2 =	stileid.u32;
	s8 =	smul.u32 $0x13C000, s7  }
0x8: {  	s4 =	sadd.s32 $0x8200, s6;
	s11 =	sadd.s32 $0x2FA00, s6;
	s9 =	smul.u32 $0x13C00, s2  }
0x9: {  	_ =	strace $0x80000047;
	s10 =	sshll.u32 s7, $0x4;
	s13 =	smul.u32 $0x4F000, s2  }
0xa: {  	s25 =	ssub.s32 $0x2, s7;
	p0 =	seq.s32 s7, $0x1;
	s29 =	smul.u32 $0x2780, s2  }
0xb: {  	s31 =	sshll.u32 s2, $0x6;
	s10 =	sor.u32 s2, s10;
	s12 =	sshrl.u32 s25, $0x1  }
0xc: {  	s8 =	sadd.s32 s9, s8;
	s10 =	smul.u32 $0x280, s10;
	s26 =	ssub.s32 s25, s12  }
0xd: {  	s28 =	sshrl.u32 s13, $0x2;
	s9 =	simm.s32 $0x3;
	s13 =	simm.s32 $0x80  }
0xe: {  	s8 =	sshrl.u32 s8, $0x3;
	s30 =	sadd.s32 s28, s1;
	s7 =	smax.u32 s26, $0x1  }
0xf: {  	s6 =	sadd.s32 s8, s6;
	s5 =	sadd.s32 s5, s10;
	s10 =	smov.u32 s4  }
0x10: {  	s12 =	sshrl.u32 s30, $0x3;
	s6 =	sadd.s32 $0x57200, s6;
	s10 =	smov.u32 @p0 s11  }
0x11: {  	s11 =	sor.u32 $0x1C03, s31;
	s8 =	sadd.s32 s10, s29;
	s10 =	simm.s32 $0x1400  }
.LBB2_1:
0x12: {  	[tilespmem:s3], [sflag:$0x3] =	stream.linear.gather [hbm4b:s5+s3], $0x1400, $0x38;
	[tilespmem:$0x19000] =	vst v63  }
0x13: {  	_ =	swait.ge [sflag:s9], $0x1400  }
0x14: {  	[sflag:s9] =	ssyncset.done $0x0  }
0x15: {  	[sflag:s9] =	ssyncadd.s32 $0xFFFFEC00  }
0x16: {  	[tilespmem:s10], [sflag:$0x3] =	stream.linear.gather [hbm4b:s4+s3], $0x4000, $0x38;
	[tilespmem:$0x19000] =	vst v63  }
0x17: {  	_ =	swait.ge [sflag:s9], $0x4000  }
0x18: {  	[sflag:s9] =	ssyncset.done $0x0  }
0x19: {  	[sflag:s9] =	ssyncadd.s32 $0xFFFFC000  }
0x1a: {  	[spmem:s12], [sflag:s11] =	dma.local [hbm:s8], $0x2780  }
0x1b: {  	_ =	swait.ge [sflag:s9], $0x2780  }
0x1c: {  	[sflag:s9] =	ssyncset.done $0x0  }
0x1d: {  	[sflag:s9] =	ssyncadd.s32 $0xFFFFD880  }
0x1e: {  	[bflag:$0x0] =	sbarrier.arrive $0xFFFF  }
0x1f: {  	[spmem:s1] =	stream.indirect.scatter.add.f32 [tilespmem:s10], [sflag:$0x1], $0x80, s3, s13, $0xb8;
	[tilespmem:$0x19000] =	vst v63  }
0x20: {  	s18 =	simm.s32 $0x80  }
0x21: {  	[spmem:s1] =	stream.indirect.scatter.add.f32 [tilespmem:s10], [sflag:$0x2], $0x80, s18, s13, $0xb8;
	[tilespmem:$0x19000] =	vst v63  }
0x22: {  	_ =	swait.ge [sflag:s14], $0x4000  }
0x23: {  	[sflag:s14] =	ssyncset.done $0x0  }
0x24: {  	s31 =	simm.s32 $0x100;
	[sflag:s14] =	ssyncadd.s32 $0xFFFFC000  }
0x25: {  	[spmem:s1] =	stream.indirect.scatter.add.f32 [tilespmem:s10], [sflag:$0x1], $0x80, s31, s13, $0xb8;
	[tilespmem:$0x19000] =	vst v63  }
0x26: {  	_ =	swait.ge [sflag:s15], $0x4000  }
0x27: {  	s19 =	simm.s32 $0xFFFFBC00;
	s18 =	simm.s32 $0xFFFFEE00;
	[sflag:s15] =	ssyncset.done $0x0  }
.LBB2_2:
0x28: {  	s20 =	sadd.s32 $0x1380, s18  }
0x29: {  	[sflag:s15] =	ssyncadd.s32 $0xFFFFC000;
	s21 =	smov.u32 s19;
	s22 =	sadd.s32 $0x400, s19  }
0x2a: {  	[spmem:s1] =	stream.indirect.scatter.add.f32 [tilespmem:s10], [sflag:$0x2], $0x80, s20, s13, $0xb8;
	[tilespmem:$0x19000] =	vst v63  }
0x2b: {  	p0 =	sne.s32 s19, $0xFFFFFC00;
	_ =	swait.ge [sflag:s14], $0x4000  }
.Ltmp0:
0x2c: {  	[sflag:s14] =	ssyncset.done $0x0;
	(pc) =	sbr.rel @p0 .LBB2_2-.Ltmp0, $4  }
0x2d: {  	s18 =	sadd.s32 $0x1400, s18;
	[sflag:s14] =	ssyncadd.s32 $0xFFFFC000  }
0x2e: {  	[spmem:s1] =	stream.indirect.scatter.add.f32 [tilespmem:s10], [sflag:$0x1], $0x80, s18, s13, $0xb8;
	[tilespmem:$0x19000] =	vst v63  }
0x2f: {  	_ =	swait.ge [sflag:s15], $0x4000  }
0x30: {  	s19 =	smov.u32 s22;
	s18 =	sshra.s32 s21, $0x2;
	[sflag:s15] =	ssyncset.done $0x0  }
0x31: {  	s19 =	sadd.s32 $0x1380, s18;
	[sflag:s15] =	ssyncadd.s32 $0xFFFFC000  }
0x32: {  	[spmem:s1] =	stream.indirect.scatter.add.f32 [tilespmem:s10], [sflag:$0x2], $0x80, s19, s13, $0xb8;
	[tilespmem:$0x19000] =	vst v63  }
0x33: {  	_ =	swait.ge [sflag:s14], $0x4000  }
0x34: {  	[sflag:s14] =	ssyncset.done $0x0  }
0x35: {  	s31 =	sadd.s32 $0x1400, s18;
	[sflag:s14] =	ssyncadd.s32 $0xFFFFC000  }
0x36: {  	[spmem:s1] =	stream.indirect.scatter.add.f32 [tilespmem:s10], [sflag:$0x1], $0x80, s31, s13, $0xb8;
	[tilespmem:$0x19000] =	vst v63  }
0x37: {  	_ =	swait.ge [sflag:s15], $0x4000  }
0x38: {  	[sflag:s15] =	ssyncset.done $0x0  }
0x39: {  	[sflag:s15] =	ssyncadd.s32 $0xFFFFC000  }
0x3a: {  	[spmem:s1] =	stream.indirect.scatter.add.f32 [tilespmem:s10], [sflag:$0x2], $0x80, s16, s13, $0xb8;
	[tilespmem:$0x19000] =	vst v63  }
0x3b: {  	_ =	swait.ge [sflag:s14], $0x4000  }
0x3c: {  	[sflag:s14] =	ssyncset.done $0x0  }
0x3d: {  	[sflag:s14] =	ssyncadd.s32 $0xFFFFC000  }
0x3e: {  	_ =	swait.ge [sflag:s15], $0x4000  }
0x3f: {  	s17 =	sadd.s32 $0x1, s17;
	[sflag:s15] =	ssyncset.done $0x0  }
0x40: {  	p0 =	sne.s32 s17, s7;
	[sflag:s15] =	ssyncadd.s32 $0xFFFFC000  }
.Ltmp1:
0x41: {  	[bflag:$0x0] =	sbarrier.arrive $0xFFFF;
	(pc) =	sbr.rel @p0 .LBB2_1-.Ltmp1, $4  }
0x42: {  	[hbm:s6], [sflag:s11] =	dma.local [spmem:s12], $0x2780  }
0x43: {  	_ =	swait.ge [sflag:s9], $0x2780  }
0x44: {  	[sflag:s9] =	ssyncset.done $0x0  }
0x45: {  	[sflag:s9] =	ssyncadd.s32 $0xFFFFD880  }
0x46: {  	_ =	sfence.sel $0x180000  }
0x47: {  	[bflag:$0x0] =	sbarrier.arrive $0xFFFF  }
0x48: {  	p0 =	sne.s32 s2, $0x0;
	_ =	strace $0x90000047  }
0x49: {  	s0 =	sadd.s32 @!p0 $0x100000, s0;
	[bflag:$0x2] =	sbarrier.arrive $0xFFFF  }
0x4a: {  	[sflag:s0] =	ssyncadd.tile.s32 @!p0 $0x1;
	_ =	shalt  }
.Lfunc_end2:
_tile_overlayer_lowered:
.L_overlay_start_2:
0x4b: {  	(tag) =	ssettag $0x2  }
0x4c: {  	s0 =	rddreg [dreg:$0x0];
	s2 =	stileid.u32  }
0x4d: {  	s1 =	rddreg [dreg:$0x1];
	p0 =	sne.s32 s2, $0x0  }
0x4e: {  	s3 =	rddreg [dreg:$0x2];
	[bflag:$0x3] =	sbarrier.arrive $0xFFFF;
	s2 =	simm.s32 @!p0 $0x1C03  }
0x4f: {  	[timem:s3], [sflag:s2] =	dma.local @!p0 [hbm:s0], s1  }
0x50: {  	s0 =	simm.s32 @!p0 $0x3  }
0x51: {  	_ =	swait.ge @!p0 [sflag:s0], s1  }
0x52: {  	s1 =	ssub.s32 @!p0 $0x0, s1;
	[sflag:s0] =	ssyncset.done @!p0 $0x0  }
0x53: {  	[sflag:s0] =	ssyncadd.s32 @!p0 s1  }
0x54: {  	[bflag:$0x3] =	sbarrier.arrive $0xFFFF  }
0x55: {  	_ =	shalt  }

// kernel: kernel.13.cloned.1.call-start
scs
__scs_entry_jumppad:
0x0: {  	(pc) =	sbr.rel $0x88, $3  }
0x1: {  	(tag) =	ssettag $0x0;
	lr =	simm.s32 $0x1  }
0x2: {  	[smem:$0x3F99] =	sst lr;
	_ =	strace $0xD0000000  }
0x3: {  	_ = 	snop  }
0x4: {  	_ = 	snop  }
0x5: {  	_ = 	snop  }
0x6: {  	_ = 	snop  }
0x7: {  	_ = 	snop  }
__scs_overlays_trampoline_lowered:
0x8: {  	[smem:$0x3FA8] =	sst s0  }
0x9: {  	[smem:$0x3FA9] =	sst s1  }
0xa: {  	[smem:$0x3FAA] =	sst s2  }
0xb: {  	[smem:$0x3FAB] =	sst s3  }
0xc: {  	[smem:$0x3FAC] =	sst s4  }
0xd: {  	[smem:$0x3FAD] =	sst s5  }
0xe: {  	[smem:$0x3FAE] =	sst s6  }
0xf: {  	[smem:$0x3FAF] =	sst s7  }
0x10: {  	[smem:$0x3FB0] =	sst s8  }
0x11: {  	[smem:$0x3FB1] =	sst s9;
	s0 =	simm.s32 @!p0 $0x0  }
0x12: {  	s1 =	sld [smem:$0x3F97];
	s0 =	simm.s32 @p0 $0x1  }
0x13: {  	[smem:$0x3FB2] =	sst s0;
	s0 =	simm.s32 @!p1 $0x0  }
0x14: {  	s2 =	sld [smem:$0x3F96];
	s0 =	simm.s32 @p1 $0x1  }
0x15: {  	[smem:$0x3FB3] =	sst s0;
	s0 =	simm.s32 @!p2 $0x0  }
0x16: {  	s3 =	sld [smem:$0x3FDB];
	s0 =	simm.s32 @p2 $0x1  }
0x17: {  	s4 =	simm.s32 $0x1BF5;
	[smem:$0x3FB5] =	sst s0  }
0x18: {  	s0 =	sld [smem:$0x3F98];
	_ =	swait.ge [sflag:s4], $0x0  }
0x19: {  	s7 =	sld [smem:$0x3F99]  }
0x1a: {  	s8 =	sadd.s32 $0xFFFFE003, lr  }
0x1b: {  	s9 =	sadd.s32 $0xFFFFFEF7, lr;
	s5 =	simm.s32 $0xFFFFFFFF;
	p2 =	slt.u32 s8, $0xFFFFF086  }
0x1c: {  	p1 =	slt.u32 s9, $0xF7A;
	s5 =	simm.s32 @!p2 $0x0  }
0x1d: {  	s5 =	simm.s32 @p1 $0x1;
	p0 =	seq.s32 s7, s2  }
0x1e: {  	s7 =	smul.u32 @!p0 $0xF7A, s2;
	p2 =	seq.s32 @!p0 s5, $0x0  }
0x1f: {  	s9 =	smul.u32 $0xF7A, s1;
	s8 =	simm.s32 @!p0 $0x1BF5;
	p2 =	por !p2, p0  }
0x20: {  	[sflag:s8] =	ssyncset.s32 @!p0 $0xFFFFF086;
	s6 =	sadd.s32 @!p0 s3, s7;
	s7 =	simm.s32 @!p0 $0x108  }
0x21: {  	s3 =	sadd.s32 s3, s9;
	s6 =	sadd.s32 @!p0 $0x88, s6;
	s7 =	simm.s32 @p2 $0x1082  }
0x22: {  	[simem:s7], [sflag:s8] =	dma.local @!p0 [hbm:s6], $0xF7A  }
0x23: {  	s9 =	sor.u32 $0xD0000000, s2;
	s6 =	simm.s32 $0x108;
	_ =	swait.ge @!p0 [sflag:s8], $0x0  }
0x24: {  	s3 =	sadd.s32 $0x88, s3;
	s6 =	simm.s32 @!p1 $0x1082;
	[sflag:s4] =	ssyncset.s32 $0xFFFFF086  }
0x25: {  	[simem:s6], [sflag:s4] =	dma.local [hbm:s3], $0xF7A  }
0x26: {  	[smem:$0x3F99] =	sst s1;
	(tag) =	ssettag s2;
	_ =	strace s9  }
0x27: {  	s1 =	sld [smem:$0x3FA9]  }
0x28: {  	s2 =	sld [smem:$0x3FAA]  }
0x29: {  	s4 =	sld [smem:$0x3FAC]  }
0x2a: {  	p0 =	seq.s32 s5, $0x0;
	s5 =	sld [smem:$0x3FAD]  }
0x2b: {  	s6 =	sld [smem:$0x3FAE]  }
0x2c: {  	s7 =	sld [smem:$0x3FAF]  }
0x2d: {  	s3 =	simm.s32 $0x108;
	s8 =	sld [smem:$0x3FB0]  }
0x2e: {  	s3 =	simm.s32 @!p0 $0x1082;
	s9 =	sld [smem:$0x3FB1]  }
0x2f: {  	lr =	sadd.s32 s0, s3;
	s0 =	sld [smem:$0x3FA8]  }
0x30: {  	s3 =	sld [smem:$0x3FAB]  }
0x31: {  	[smem:$0x3FB4] =	sst s10  }
0x32: {  	s10 =	sld [smem:$0x3FB2];
	_ =	sdelay $0x3  }
0x33: {  	p0 =	seq.s32 s10, $0x1;
	s10 =	sld [smem:$0x3FB4];
	_ =	sdelay $0x3  }
0x34: {  	[smem:$0x3FB4] =	sst s10  }
0x35: {  	s10 =	sld [smem:$0x3FB3];
	_ =	sdelay $0x3  }
0x36: {  	p1 =	seq.s32 s10, $0x1;
	s10 =	sld [smem:$0x3FB4];
	_ =	sdelay $0x3  }
0x37: {  	[smem:$0x3FB4] =	sst s10  }
0x38: {  	s10 =	sld [smem:$0x3FB5]  }
0x39: {  	_ = 	snop;
	(pc) =	sbr.ind lr, $3  }
0x3a: {  	_ = 	snop  }
0x3b: {  	_ = 	snop  }
0x3c: {  	p2 =	seq.s32 s10, $0x1;
	s10 =	sld [smem:$0x3FB4]  }
0x3d: {  	_ =	shalt  }
0x3e: {  	_ =	shalt  }
0x3f: {  	_ =	shalt  }
0x40: {  	_ =	shalt  }
0x41: {  	_ =	shalt  }
0x42: {  	_ =	shalt  }
0x43: {  	_ =	shalt  }
0x44: {  	_ =	shalt  }
0x45: {  	_ =	shalt  }
0x46: {  	_ =	shalt  }
0x47: {  	_ =	shalt  }
0x48: {  	_ =	shalt  }
0x49: {  	_ =	shalt  }
0x4a: {  	_ =	shalt  }
0x4b: {  	_ =	shalt  }
0x4c: {  	_ =	shalt  }
0x4d: {  	_ =	shalt  }
0x4e: {  	_ =	shalt  }
0x4f: {  	_ =	shalt  }
0x50: {  	_ =	shalt  }
0x51: {  	_ =	shalt  }
0x52: {  	_ =	shalt  }
0x53: {  	_ =	shalt  }
0x54: {  	_ =	shalt  }
0x55: {  	_ =	shalt  }
0x56: {  	_ =	shalt  }
0x57: {  	_ =	shalt  }
0x58: {  	_ =	shalt  }
0x59: {  	_ =	shalt  }
0x5a: {  	_ =	shalt  }
0x5b: {  	_ =	shalt  }
0x5c: {  	_ =	shalt  }
0x5d: {  	_ =	shalt  }
0x5e: {  	_ =	shalt  }
0x5f: {  	_ =	shalt  }
0x60: {  	_ =	shalt  }
0x61: {  	_ =	shalt  }
0x62: {  	_ =	shalt  }
0x63: {  	_ =	shalt  }
0x64: {  	_ =	shalt  }
0x65: {  	_ =	shalt  }
0x66: {  	_ =	shalt  }
0x67: {  	_ =	shalt  }
0x68: {  	_ =	shalt  }
0x69: {  	_ =	shalt  }
0x6a: {  	_ =	shalt  }
0x6b: {  	_ =	shalt  }
0x6c: {  	_ =	shalt  }
0x6d: {  	_ =	shalt  }
0x6e: {  	_ =	shalt  }
0x6f: {  	_ =	shalt  }
0x70: {  	_ =	shalt  }
0x71: {  	_ =	shalt  }
0x72: {  	_ =	shalt  }
0x73: {  	_ =	shalt  }
0x74: {  	_ =	shalt  }
0x75: {  	_ =	shalt  }
0x76: {  	_ =	shalt  }
0x77: {  	_ =	shalt  }
0x78: {  	_ =	shalt  }
0x79: {  	_ =	shalt  }
0x7a: {  	_ =	shalt  }
0x7b: {  	_ =	shalt  }
0x7c: {  	_ =	shalt  }
0x7d: {  	_ =	shalt  }
0x7e: {  	_ =	shalt  }
0x7f: {  	_ =	shalt  }
0x80: {  	_ =	shalt  }
0x81: {  	_ =	shalt  }
0x82: {  	_ =	shalt  }
0x83: {  	_ =	shalt  }
0x84: {  	_ =	shalt  }
0x85: {  	_ =	shalt  }
0x86: {  	_ =	shalt  }
0x87: {  	_ =	shalt  }
.Lfunc_end0:
.L_simem_size_0:
called_computation.1_lowered:
.L_overlay_start_0:
0x88: {  	s2 =	sld [smem:$0x3FD9]  }
0x89: {  	s3 =	sld [smem:$0x3FFE];
	_ =	sdelay $0x1  }
0x8a: {  	s1 =	srdreg.scid  }
0x8b: {  	s0 =	sand.u32 $0x1, s1  }
0x8c: {  	s17 =	sshll.u32 s0, $0xA;
	s2 =	sadd.s32 s3, s2  }
0x8d: {  	s2 =	sadd.s32 s2, s17  }
0x8e: {  	[smem:$0x3FC0] =	sst s2  }
0x8f: {  	_ = 	snop  }
0x90: {  	s2 =	sld [smem:$0x3FD0];
	(tm) =	ssettm $0x1  }
0x91: {  	s18 =	sld [smem:$0x3FFB];
	_ =	sdelay $0x3  }
0x92: {  	_ =	strace s18  }
0x93: {  	s3 =	sld [smem:$0x3FFC];
	_ =	sdelay $0x3  }
0x94: {  	_ =	strace s3  }
0x95: {  	s3 =	sld [smem:$0x3FFD];
	_ =	sdelay $0x3  }
0x96: {  	_ =	strace s3  }
0x97: {  	_ =	strace $0x8FFFFFFF  }
0x98: {  	s19 =	sld [smem:$0x3FDB];
	_ =	sdelay $0x1  }
0x99: {  	s4 =	simm.s32 $_scs_section_size  }
0x9a: {  	s5 =	simm.s32 $_size__tile_overlayer_lowered;
	s6 =	simm.s32 $_tile_overlayer_lowered  }
0x9b: {  	s22 =	simm.s32 $0x1BFF;
	s21 =	sshll.u32 s6, $0x1;
	s3 =	sadd.s32 s4, s19  }
0x9c: {  	s7 =	simm.s32 $0x0;
	s20 =	sshll.u32 s5, $0x1;
	s5 =	sadd.s32 s21, s3  }
0x9d: {  	[timem:s7], [sflag:s22] =	dma.local [hbm:s5], s20  }
0x9e: {  	_ =	swait.ge [sflag:s22], s20  }
0x9f: {  	s4 =	ssub.s32 $0x0, s20;
	[sflag:s22] =	ssyncset.done $0x0  }
0xa0: {  	[sflag:s22] =	ssyncadd.s32 s4;
	_ =	sdelay $0x1  }
0xa1: {  	s23 =	simm.s32 $0x1B8B  }
0xa2: {  	_ =	swait.ge [sflag:s23], $0x1  }
0xa3: {  	[sflag:s23] =	ssyncset.done $0x0  }
0xa4: {  	s25 =	simm.s32 $0x1B8E;
	s24 =	sld [smem:$0x3FFE];
	[sflag:s23] =	ssyncadd.s32 $0xFFFFFFFF  }
0xa5: {  	s26 =	simm.s32 $execute0_lowered;
	[smem:$0x3FD2] =	sst s25  }
0xa6: {  	s5 =	sshll.u32 s26, $0x1;
	_ =	strace $0x80000049;
	[dreg:$0x1] =	wrdreg $0xFFFFFFFF  }
0xa7: {  	s28 =	simm.s32 $_size_execute0_lowered;
	s3 =	sadd.s32 s3, s5;
	[dreg:$0x0] =	wrdreg $0x0  }
0xa8: {  	s5 =	sshll.u32 s28, $0x1;
	[dreg:$0x2] =	wrdreg s3  }
0xa9: {  	[dreg:$0x3] =	wrdreg s5  }
0xaa: {  	[dreg:$0x4] =	wrdreg $0xC0  }
0xab: {  	_ =	task [dreg:s7], $0x5FFFF  }
0xac: {  	[dreg:$0x1] =	wrdreg $0xFFFFFFFF  }
0xad: {  	[dreg:$0x0] =	wrdreg $0x60  }
0xae: {  	[dreg:$0x2] =	wrdreg s24  }
0xaf: {  	[dreg:$0x3] =	wrdreg s2  }
0xb0: {  	[dreg:$0x4] =	wrdreg $0xA8000  }
0xb1: {  	[dreg:$0x5] =	wrdreg $0x9  }
0xb2: {  	_ =	task.clear_ibuf [dreg:s7], $0x6FFFF;
	_ =	strace $0x90000049  }
0xb3: {  	s29 =	simm.s32 $0x9;
	_ =	strace $0x8000004B  }
0xb4: {  	_ =	swait.ge [sflag:s29], $0x1  }
0xb5: {  	[sflag:s29] =	ssyncadd.s32 $0xFFFFFFFF  }
0xb6: {  	_ =	strace $0x9000004B  }
0xb7: {  	_ =	sfence  }
0xb8: {  	s30 =	sld [smem:$0x0];
	_ =	sdelay $0x2  }
0xb9: {  	s31 =	sshll.u32 s1, $0xD;
	s1 =	sshrl.u32 s1, $0x2  }
0xba: {  	s3 =	sand.u32 $0x4000, s31;
	s1 =	sadd.s32 s1, s30  }
0xbb: {  	s0 =	sor.u32 s3, s0;
	s1 =	sshll.u32 s1, $0x11  }
0xbc: {  	s0 =	sor.u32 s1, s0  }
0xbd: {  	s0 =	sadd.s32 $0x8F2B, s0  }
0xbe: {  	[sflag:s0] =	ssyncadd.remote.s32 $0x1  }
0xbf: {  	_ =	sfence.sel $0xFFFF  }
0xc0: {  	[dreg:$0x0] =	wrdreg $0xFFFFFFFF;
	(pc) =	sbr.abs _section_cstart, $3  }
0xc1: {  	[dreg:$0x1] =	wrdreg $0xFFFFFFFF  }
0xc2: {  	_ =	task.clear_ibuf [dreg:s7], $0x2FFFF;
	_ =	strace $0x9FFFFFFF  }
0xc3: {  	(tm) =	ssettm $0x7FFFFFFF  }
tec
execute0_lowered:
.L_overlay_start_1:
0x0: {  	(tag) =	ssettag $0x1  }
0x1: {  	s8 =	rddreg [dreg:$0x0]  }
0x2: {  	s12 =	rddreg [dreg:$0x1]  }
0x3: {  	s1 =	rddreg [dreg:$0x2]  }
0x4: {  	s2 =	srdreg.scid;
	s0 =	rddreg [dreg:$0x3]  }
0x5: {  	s3 =	simm.s32 $0x0;
	s17 =	simm.s32 $0x2800;
	s18 =	simm.s32 $0x6800  }
0x6: {  	s19 =	simm.s32 $0x1;
	s20 =	simm.s32 $0x2;
	s5 =	sand.u32 $0x1, s2  }
0x7: {  	s21 =	simm.s32 $0x1380;
	s2 =	stileid.u32;
	s6 =	smul.u32 $0x13C000, s5  }
0x8: {  	s22 =	simm.s32 $0x2700;
	s23 =	simm.s32 $0x2780;
	s7 =	smul.u32 $0x13C00, s2  }
0x9: {  	[smem:$0x7FF] =	sst s3;
	s4 =	sadd.s32 $0x57200, s8;
	s9 =	smul.u32 $0x4F000, s2  }
0xa: {  	_ =	strace $0x8000004A;
	s24 =	ssub.s32 $0x2, s5;
	s10 =	smul.u32 $0x27800, s5  }
0xb: {  	s13 =	smul.u32 $0x2780, s2;
	s28 =	sshll.u32 s2, $0x6;
	p0 =	seq.s32 s5, $0x1  }
0xc: {  	s29 =	smul.u32 $0x2800, s2;
	s11 =	sshrl.u32 s24, $0x1;
	s6 =	sadd.s32 s7, s6  }
0xd: {  	s11 =	ssub.s32 s24, s11;
	s25 =	sshrl.u32 s9, $0x2;
	s26 =	sadd.s32 s13, s10  }
0xe: {  	s10 =	simm.s32 $0xF5200;
	s30 =	sshrl.u32 s29, $0x3;
	s24 =	simm.s32 $0x0  }
0xf: {  	s6 =	sshrl.u32 s6, $0x3;
	s15 =	sadd.s32 s25, s1;
	s5 =	sadd.s32 s4, s26  }
0x10: {  	s10 =	simm.s32 @!p0 $0x3200;
	s16 =	sadd.s32 $0x280, s30;
	s14 =	sadd.s32 s6, s8  }
0x11: {  	s6 =	sor.u32 $0x1C03, s28;
	s31 =	sadd.s32 s10, s8;
	s8 =	smax.u32 s11, $0x1  }
0x12: {  	s10 =	sadd.s32 s12, s30;
	s12 =	sadd.s32 s12, s16;
	s13 =	sshrl.u32 s15, $0x3  }
0x13: {  	s15 =	simm.s32 $0x1400;
	s7 =	sadd.s32 $0xA6200, s14;
	s9 =	sadd.s32 s31, s30  }
0x14: {  	s11 =	sadd.s32 s31, s16;
	s14 =	simm.s32 $0x3;
	s16 =	simm.s32 $0x80  }
.LBB2_1:
0x15: {  	[spmem:s13], [sflag:s6] =	dma.local [hbm:s5], $0x2780  }
0x16: {  	_ =	swait.ge [sflag:s14], $0x2780  }
0x17: {  	[sflag:s14] =	ssyncset.done $0x0  }
0x18: {  	[sflag:s14] =	ssyncadd.s32 $0xFFFFD880  }
0x19: {  	[bflag:$0x0] =	sbarrier.arrive $0xFFFF  }
0x1a: {  	[tilespmem:s3], [sflag:$0x3] =	stream.linear.gather [hbm4b:s9+s3], $0x1400, $0x38;
	[tilespmem:$0x1E400] =	vst v63  }
0x1b: {  	_ =	swait.ge [sflag:s14], $0x1400  }
0x1c: {  	[sflag:s14] =	ssyncset.done $0x0  }
0x1d: {  	[sflag:s14] =	ssyncadd.s32 $0xFFFFEC00  }
0x1e: {  	[tilespmem:s15], [sflag:$0x3] =	stream.linear.gather [hbm4b:s10+s3], $0x1400, $0x38;
	[tilespmem:$0x1E400] =	vst v63  }
0x1f: {  	_ =	swait.ge [sflag:s14], $0x1400  }
0x20: {  	[sflag:s14] =	ssyncset.done $0x0  }
0x21: {  	[sflag:s14] =	ssyncadd.s32 $0xFFFFEC00  }
0x22: {  	[tilespmem:s17], [sflag:$0x1] =	stream.indirect.gather [hbm4b:s4+s16], $0x80, s3, s16, $0xb8;
	[tilespmem:$0x1E400] =	vst v63  }
0x23: {  	s25 =	simm.s32 $0x80  }
0x24: {  	[tilespmem:s18], [sflag:$0x2] =	stream.indirect.gather [hbm4b:s4+s16], $0x80, s25, s16, $0xb8;
	[tilespmem:$0x1E400] =	vst v63  }
0x25: {  	_ =	swait.ge [sflag:s19], $0x4000  }
0x26: {  	[sflag:s19] =	ssyncset.done $0x0  }
0x27: {  	s29 =	simm.s32 $0x1400;
	[sflag:s19] =	ssyncadd.s32 $0xFFFFC000  }
0x28: {  	[spmem:s1] =	stream.indirect.scatter.add.f32 [tilespmem:s17], [sflag:$0x3], $0x80, s29, s16, $0xb8;
	[tilespmem:$0x1E400] =	vst v63  }
0x29: {  	_ =	swait.ge [sflag:s14], $0x4000  }
0x2a: {  	[sflag:s14] =	ssyncset.done $0x0  }
0x2b: {  	s30 =	simm.s32 $0x100;
	[sflag:s14] =	ssyncadd.s32 $0xFFFFC000  }
0x2c: {  	[tilespmem:s17], [sflag:$0x1] =	stream.indirect.gather [hbm4b:s4+s16], $0x80, s30, s16, $0xb8;
	[tilespmem:$0x1E400] =	vst v63  }
0x2d: {  	_ =	swait.ge [sflag:s20], $0x4000  }
0x2e: {  	[sflag:s20] =	ssyncset.done $0x0  }
0x2f: {  	s31 =	simm.s32 $0x1480;
	[sflag:s20] =	ssyncadd.s32 $0xFFFFC000  }
0x30: {  	[spmem:s1] =	stream.indirect.scatter.add.f32 [tilespmem:s18], [sflag:$0x3], $0x80, s31, s16, $0xb8;
	[tilespmem:$0x1E400] =	vst v63  }
0x31: {  	_ =	swait.ge [sflag:s14], $0x4000  }
0x32: {  	s26 =	simm.s32 $0x800;
	s25 =	simm.s32 $0x100;
	[sflag:s14] =	ssyncset.done $0x0  }
.LBB2_2:
0x33: {  	s28 =	sadd.s32 $0x80, s25  }
0x34: {  	[sflag:s14] =	ssyncadd.s32 $0xFFFFC000;
	s29 =	smov.u32 s26;
	s30 =	sadd.s32 $0x400, s26  }
0x35: {  	[tilespmem:s18], [sflag:$0x2] =	stream.indirect.gather [hbm4b:s4+s16], $0x80, s28, s16, $0xb8;
	[tilespmem:$0x1E400] =	vst v63  }
0x36: {  	p0 =	sne.s32 s26, $0x4800;
	_ =	swait.ge [sflag:s19], $0x4000  }
0x37: {  	[sflag:s19] =	ssyncset.done $0x0  }
0x38: {  	s26 =	sadd.s32 $0x1400, s25;
	[sflag:s19] =	ssyncadd.s32 $0xFFFFC000  }
0x39: {  	[spmem:s1] =	stream.indirect.scatter.add.f32 [tilespmem:s17], [sflag:$0x3], $0x80, s26, s16, $0xb8;
	[tilespmem:$0x1E400] =	vst v63  }
0x3a: {  	_ =	swait.ge [sflag:s14], $0x4000  }
0x3b: {  	[sflag:s14] =	ssyncset.done $0x0  }
0x3c: {  	s26 =	sadd.s32 $0x100, s25;
	[sflag:s14] =	ssyncadd.s32 $0xFFFFC000  }
0x3d: {  	[tilespmem:s17], [sflag:$0x1] =	stream.indirect.gather [hbm4b:s4+s16], $0x80, s26, s16, $0xb8;
	[tilespmem:$0x1E400] =	vst v63  }
0x3e: {  	_ =	swait.ge [sflag:s20], $0x4000  }
.Ltmp0:
0x3f: {  	[sflag:s20] =	ssyncset.done $0x0;
	(pc) =	sbr.rel @p0 .LBB2_2-.Ltmp0, $4  }
0x40: {  	s25 =	sadd.s32 $0x1480, s25;
	[sflag:s20] =	ssyncadd.s32 $0xFFFFC000  }
0x41: {  	[spmem:s1] =	stream.indirect.scatter.add.f32 [tilespmem:s18], [sflag:$0x3], $0x80, s25, s16, $0xb8;
	[tilespmem:$0x1E400] =	vst v63  }
0x42: {  	_ =	swait.ge [sflag:s14], $0x4000  }
0x43: {  	s26 =	smov.u32 s30;
	s25 =	sshra.s32 s29, $0x2;
	[sflag:s14] =	ssyncset.done $0x0  }
0x44: {  	s26 =	sadd.s32 $0x80, s25;
	[sflag:s14] =	ssyncadd.s32 $0xFFFFC000  }
0x45: {  	[tilespmem:s18], [sflag:$0x2] =	stream.indirect.gather [hbm4b:s4+s16], $0x80, s26, s16, $0xb8;
	[tilespmem:$0x1E400] =	vst v63  }
0x46: {  	_ =	swait.ge [sflag:s19], $0x4000  }
0x47: {  	[sflag:s19] =	ssyncset.done $0x0  }
0x48: {  	s29 =	sadd.s32 $0x1400, s25;
	[sflag:s19] =	ssyncadd.s32 $0xFFFFC000  }
0x49: {  	[spmem:s1] =	stream.indirect.scatter.add.f32 [tilespmem:s17], [sflag:$0x3], $0x80, s29, s16, $0xb8;
	[tilespmem:$0x1E400] =	vst v63  }
0x4a: {  	_ =	swait.ge [sflag:s14], $0x4000  }
0x4b: {  	[sflag:s14] =	ssyncset.done $0x0  }
0x4c: {  	s30 =	sadd.s32 $0x100, s25;
	[sflag:s14] =	ssyncadd.s32 $0xFFFFC000  }
0x4d: {  	[tilespmem:s17], [sflag:$0x1] =	stream.indirect.gather [hbm4b:s4+s16], $0x80, s30, s16, $0xb8;
	[tilespmem:$0x1E400] =	vst v63  }
0x4e: {  	_ =	swait.ge [sflag:s20], $0x4000  }
0x4f: {  	[sflag:s20] =	ssyncset.done $0x0  }
0x50: {  	s31 =	sadd.s32 $0x1480, s25;
	[sflag:s20] =	ssyncadd.s32 $0xFFFFC000  }
0x51: {  	[spmem:s1] =	stream.indirect.scatter.add.f32 [tilespmem:s18], [sflag:$0x3], $0x80, s31, s16, $0xb8;
	[tilespmem:$0x1E400] =	vst v63  }
0x52: {  	_ =	swait.ge [sflag:s14], $0x4000  }
0x53: {  	[sflag:s14] =	ssyncset.done $0x0  }
0x54: {  	[sflag:s14] =	ssyncadd.s32 $0xFFFFC000  }
0x55: {  	[tilespmem:s18], [sflag:$0x2] =	stream.indirect.gather [hbm4b:s4+s16], $0x80, s21, s16, $0xb8;
	[tilespmem:$0x1E400] =	vst v63  }
0x56: {  	_ =	swait.ge [sflag:s19], $0x4000  }
0x57: {  	[sflag:s19] =	ssyncset.done $0x0  }
0x58: {  	[sflag:s19] =	ssyncadd.s32 $0xFFFFC000  }
0x59: {  	[spmem:s1] =	stream.indirect.scatter.add.f32 [tilespmem:s17], [sflag:$0x3], $0x80, s22, s16, $0xb8;
	[tilespmem:$0x1E400] =	vst v63  }
0x5a: {  	_ =	swait.ge [sflag:s14], $0x4000  }
0x5b: {  	[sflag:s14] =	ssyncset.done $0x0  }
0x5c: {  	[sflag:s14] =	ssyncadd.s32 $0xFFFFC000  }
0x5d: {  	_ =	swait.ge [sflag:s20], $0x4000  }
0x5e: {  	[sflag:s20] =	ssyncset.done $0x0  }
0x5f: {  	[sflag:s20] =	ssyncadd.s32 $0xFFFFC000  }
0x60: {  	[spmem:s1] =	stream.indirect.scatter.add.f32 [tilespmem:s18], [sflag:$0x3], $0x80, s23, s16, $0xb8;
	[tilespmem:$0x1E400] =	vst v63  }
0x61: {  	_ =	swait.ge [sflag:s14], $0x4000  }
0x62: {  	[sflag:s14] =	ssyncset.done $0x0  }
0x63: {  	s26 =	simm.s32 $0x0;
	[sflag:s14] =	ssyncadd.s32 $0xFFFFC000  }
0x64: {  	[tilespmem:s26], [sflag:$0x3] =	stream.linear.gather [hbm4b:s11+s26], $0x1400, $0x38;
	[tilespmem:$0x1E400] =	vst v63  }
0x65: {  	_ =	swait.ge [sflag:s14], $0x1400  }
0x66: {  	[sflag:s14] =	ssyncset.done $0x0  }
0x67: {  	[sflag:s14] =	ssyncadd.s32 $0xFFFFEC00  }
0x68: {  	[tilespmem:s15], [sflag:$0x3] =	stream.linear.gather [hbm4b:s12+s26], $0x1400, $0x38;
	[tilespmem:$0x1E400] =	vst v63  }
0x69: {  	_ =	swait.ge [sflag:s14], $0x1400  }
0x6a: {  	[sflag:s14] =	ssyncset.done $0x0  }
0x6b: {  	[sflag:s14] =	ssyncadd.s32 $0xFFFFEC00  }
0x6c: {  	[tilespmem:s17], [sflag:$0x1] =	stream.indirect.gather [hbm4b:s4+s16], $0x80, s26, s16, $0xb8;
	[tilespmem:$0x1E400] =	vst v63  }
0x6d: {  	s28 =	simm.s32 $0x80  }
0x6e: {  	[tilespmem:s18], [sflag:$0x2] =	stream.indirect.gather [hbm4b:s4+s16], $0x80, s28, s16, $0xb8;
	[tilespmem:$0x1E400] =	vst v63  }
0x6f: {  	_ =	swait.ge [sflag:s19], $0x4000  }
0x70: {  	[sflag:s19] =	ssyncset.done $0x0  }
0x71: {  	s29 =	simm.s32 $0x1400;
	[sflag:s19] =	ssyncadd.s32 $0xFFFFC000  }
0x72: {  	[spmem:s1] =	stream.indirect.scatter.add.f32 [tilespmem:s17], [sflag:$0x3], $0x80, s29, s16, $0xb8;
	[tilespmem:$0x1E400] =	vst v63  }
0x73: {  	_ =	swait.ge [sflag:s14], $0x4000  }
0x74: {  	[sflag:s14] =	ssyncset.done $0x0  }
0x75: {  	s30 =	simm.s32 $0x100;
	[sflag:s14] =	ssyncadd.s32 $0xFFFFC000  }
0x76: {  	[tilespmem:s17], [sflag:$0x1] =	stream.indirect.gather [hbm4b:s4+s16], $0x80, s30, s16, $0xb8;
	[tilespmem:$0x1E400] =	vst v63  }
0x77: {  	_ =	swait.ge [sflag:s20], $0x4000  }
0x78: {  	[sflag:s20] =	ssyncset.done $0x0  }
0x79: {  	s31 =	simm.s32 $0x1480;
	[sflag:s20] =	ssyncadd.s32 $0xFFFFC000  }
0x7a: {  	[spmem:s1] =	stream.indirect.scatter.add.f32 [tilespmem:s18], [sflag:$0x3], $0x80, s31, s16, $0xb8;
	[tilespmem:$0x1E400] =	vst v63  }
0x7b: {  	_ =	swait.ge [sflag:s14], $0x4000  }
0x7c: {  	s25 =	simm.s32 $0x100;
	s26 =	simm.s32 $0x800;
	[sflag:s14] =	ssyncset.done $0x0  }
.LBB2_4:
0x7d: {  	s28 =	sadd.s32 $0x80, s25  }
0x7e: {  	[sflag:s14] =	ssyncadd.s32 $0xFFFFC000;
	s29 =	smov.u32 s26;
	s30 =	sadd.s32 $0x400, s26  }
0x7f: {  	[tilespmem:s18], [sflag:$0x2] =	stream.indirect.gather [hbm4b:s4+s16], $0x80, s28, s16, $0xb8;
	[tilespmem:$0x1E400] =	vst v63  }
0x80: {  	p0 =	sne.s32 s26, $0x4800;
	_ =	swait.ge [sflag:s19], $0x4000  }
0x81: {  	[sflag:s19] =	ssyncset.done $0x0  }
0x82: {  	s26 =	sadd.s32 $0x1400, s25;
	[sflag:s19] =	ssyncadd.s32 $0xFFFFC000  }
0x83: {  	[spmem:s1] =	stream.indirect.scatter.add.f32 [tilespmem:s17], [sflag:$0x3], $0x80, s26, s16, $0xb8;
	[tilespmem:$0x1E400] =	vst v63  }
0x84: {  	_ =	swait.ge [sflag:s14], $0x4000  }
0x85: {  	[sflag:s14] =	ssyncset.done $0x0  }
0x86: {  	s26 =	sadd.s32 $0x100, s25;
	[sflag:s14] =	ssyncadd.s32 $0xFFFFC000  }
0x87: {  	[tilespmem:s17], [sflag:$0x1] =	stream.indirect.gather [hbm4b:s4+s16], $0x80, s26, s16, $0xb8;
	[tilespmem:$0x1E400] =	vst v63  }
0x88: {  	_ =	swait.ge [sflag:s20], $0x4000  }
.Ltmp1:
0x89: {  	[sflag:s20] =	ssyncset.done $0x0;
	(pc) =	sbr.rel @p0 .LBB2_4-.Ltmp1, $4  }
0x8a: {  	s25 =	sadd.s32 $0x1480, s25;
	[sflag:s20] =	ssyncadd.s32 $0xFFFFC000  }
0x8b: {  	[spmem:s1] =	stream.indirect.scatter.add.f32 [tilespmem:s18], [sflag:$0x3], $0x80, s25, s16, $0xb8;
	[tilespmem:$0x1E400] =	vst v63  }
0x8c: {  	_ =	swait.ge [sflag:s14], $0x4000  }
0x8d: {  	s26 =	smov.u32 s30;
	s25 =	sshra.s32 s29, $0x2;
	[sflag:s14] =	ssyncset.done $0x0  }
0x8e: {  	s26 =	sadd.s32 $0x80, s25;
	[sflag:s14] =	ssyncadd.s32 $0xFFFFC000  }
0x8f: {  	[tilespmem:s18], [sflag:$0x2] =	stream.indirect.gather [hbm4b:s4+s16], $0x80, s26, s16, $0xb8;
	[tilespmem:$0x1E400] =	vst v63  }
0x90: {  	_ =	swait.ge [sflag:s19], $0x4000  }
0x91: {  	[sflag:s19] =	ssyncset.done $0x0  }
0x92: {  	s29 =	sadd.s32 $0x1400, s25;
	[sflag:s19] =	ssyncadd.s32 $0xFFFFC000  }
0x93: {  	[spmem:s1] =	stream.indirect.scatter.add.f32 [tilespmem:s17], [sflag:$0x3], $0x80, s29, s16, $0xb8;
	[tilespmem:$0x1E400] =	vst v63  }
0x94: {  	_ =	swait.ge [sflag:s14], $0x4000  }
0x95: {  	[sflag:s14] =	ssyncset.done $0x0  }
0x96: {  	s30 =	sadd.s32 $0x100, s25;
	[sflag:s14] =	ssyncadd.s32 $0xFFFFC000  }
0x97: {  	[tilespmem:s17], [sflag:$0x1] =	stream.indirect.gather [hbm4b:s4+s16], $0x80, s30, s16, $0xb8;
	[tilespmem:$0x1E400] =	vst v63  }
0x98: {  	_ =	swait.ge [sflag:s20], $0x4000  }
0x99: {  	[sflag:s20] =	ssyncset.done $0x0  }
0x9a: {  	s31 =	sadd.s32 $0x1480, s25;
	[sflag:s20] =	ssyncadd.s32 $0xFFFFC000  }
0x9b: {  	[spmem:s1] =	stream.indirect.scatter.add.f32 [tilespmem:s18], [sflag:$0x3], $0x80, s31, s16, $0xb8;
	[tilespmem:$0x1E400] =	vst v63  }
0x9c: {  	_ =	swait.ge [sflag:s14], $0x4000  }
0x9d: {  	[sflag:s14] =	ssyncset.done $0x0  }
0x9e: {  	[sflag:s14] =	ssyncadd.s32 $0xFFFFC000  }
0x9f: {  	[tilespmem:s18], [sflag:$0x2] =	stream.indirect.gather [hbm4b:s4+s16], $0x80, s21, s16, $0xb8;
	[tilespmem:$0x1E400] =	vst v63  }
0xa0: {  	_ =	swait.ge [sflag:s19], $0x4000  }
0xa1: {  	[sflag:s19] =	ssyncset.done $0x0  }
0xa2: {  	[sflag:s19] =	ssyncadd.s32 $0xFFFFC000  }
0xa3: {  	[spmem:s1] =	stream.indirect.scatter.add.f32 [tilespmem:s17], [sflag:$0x3], $0x80, s22, s16, $0xb8;
	[tilespmem:$0x1E400] =	vst v63  }
0xa4: {  	_ =	swait.ge [sflag:s14], $0x4000  }
0xa5: {  	[sflag:s14] =	ssyncset.done $0x0  }
0xa6: {  	[sflag:s14] =	ssyncadd.s32 $0xFFFFC000  }
0xa7: {  	_ =	swait.ge [sflag:s20], $0x4000  }
0xa8: {  	[sflag:s20] =	ssyncset.done $0x0  }
0xa9: {  	[sflag:s20] =	ssyncadd.s32 $0xFFFFC000  }
0xaa: {  	[spmem:s1] =	stream.indirect.scatter.add.f32 [tilespmem:s18], [sflag:$0x3], $0x80, s23, s16, $0xb8;
	[tilespmem:$0x1E400] =	vst v63  }
0xab: {  	_ =	swait.ge [sflag:s14], $0x4000  }
0xac: {  	s24 =	sadd.s32 $0x1, s24;
	[sflag:s14] =	ssyncset.done $0x0  }
0xad: {  	p0 =	sne.s32 s24, s8;
	[sflag:s14] =	ssyncadd.s32 $0xFFFFC000  }
.Ltmp2:
0xae: {  	[bflag:$0x0] =	sbarrier.arrive $0xFFFF;
	(pc) =	sbr.rel @p0 .LBB2_1-.Ltmp2, $4  }
0xaf: {  	[hbm:s7], [sflag:s6] =	dma.local [spmem:s13], $0x2780  }
0xb0: {  	_ =	swait.ge [sflag:s14], $0x2780  }
0xb1: {  	[sflag:s14] =	ssyncset.done $0x0  }
0xb2: {  	[sflag:s14] =	ssyncadd.s32 $0xFFFFD880  }
0xb3: {  	_ =	sfence.sel $0x180000  }
0xb4: {  	[bflag:$0x0] =	sbarrier.arrive $0xFFFF  }
0xb5: {  	p0 =	sne.s32 s2, $0x0;
	_ =	strace $0x9000004A  }
0xb6: {  	s0 =	sadd.s32 @!p0 $0x100000, s0;
	[bflag:$0x2] =	sbarrier.arrive $0xFFFF  }
0xb7: {  	[sflag:s0] =	ssyncadd.tile.s32 @!p0 $0x1;
	_ =	shalt  }
.Lfunc_end2:
_tile_overlayer_lowered:
.L_overlay_start_2:
0xb8: {  	(tag) =	ssettag $0x2  }
0xb9: {  	s0 =	rddreg [dreg:$0x0];
	s2 =	stileid.u32  }
0xba: {  	s1 =	rddreg [dreg:$0x1];
	p0 =	sne.s32 s2, $0x0  }
0xbb: {  	s3 =	rddreg [dreg:$0x2];
	[bflag:$0x3] =	sbarrier.arrive $0xFFFF;
	s2 =	simm.s32 @!p0 $0x1C03  }
0xbc: {  	[timem:s3], [sflag:s2] =	dma.local @!p0 [hbm:s0], s1  }
0xbd: {  	s0 =	simm.s32 @!p0 $0x3  }
0xbe: {  	_ =	swait.ge @!p0 [sflag:s0], s1  }
0xbf: {  	s1 =	ssub.s32 @!p0 $0x0, s1;
	[sflag:s0] =	ssyncset.done @!p0 $0x0  }
0xc0: {  	[sflag:s0] =	ssyncadd.s32 @!p0 s1  }
0xc1: {  	[bflag:$0x3] =	sbarrier.arrive $0xFFFF  }
0xc2: {  	_ =	shalt  }

// kernel: kernel.16.cloned.1.call-start
scs
__scs_entry_jumppad:
0x0: {  	(pc) =	sbr.rel $0x88, $3  }
0x1: {  	(tag) =	ssettag $0x0;
	lr =	simm.s32 $0x1  }
0x2: {  	[smem:$0x3F99] =	sst lr;
	_ =	strace $0xD0000000  }
0x3: {  	_ = 	snop  }
0x4: {  	_ = 	snop  }
0x5: {  	_ = 	snop  }
0x6: {  	_ = 	snop  }
0x7: {  	_ = 	snop  }
__scs_overlays_trampoline_lowered:
0x8: {  	[smem:$0x3FA8] =	sst s0  }
0x9: {  	[smem:$0x3FA9] =	sst s1  }
0xa: {  	[smem:$0x3FAA] =	sst s2  }
0xb: {  	[smem:$0x3FAB] =	sst s3  }
0xc: {  	[smem:$0x3FAC] =	sst s4  }
0xd: {  	[smem:$0x3FAD] =	sst s5  }
0xe: {  	[smem:$0x3FAE] =	sst s6  }
0xf: {  	[smem:$0x3FAF] =	sst s7  }
0x10: {  	[smem:$0x3FB0] =	sst s8  }
0x11: {  	[smem:$0x3FB1] =	sst s9;
	s0 =	simm.s32 @!p0 $0x0  }
0x12: {  	s1 =	sld [smem:$0x3F97];
	s0 =	simm.s32 @p0 $0x1  }
0x13: {  	[smem:$0x3FB2] =	sst s0;
	s0 =	simm.s32 @!p1 $0x0  }
0x14: {  	s2 =	sld [smem:$0x3F96];
	s0 =	simm.s32 @p1 $0x1  }
0x15: {  	[smem:$0x3FB3] =	sst s0;
	s0 =	simm.s32 @!p2 $0x0  }
0x16: {  	s3 =	sld [smem:$0x3FDB];
	s0 =	simm.s32 @p2 $0x1  }
0x17: {  	s4 =	simm.s32 $0x1BF5;
	[smem:$0x3FB5] =	sst s0  }
0x18: {  	s0 =	sld [smem:$0x3F98];
	_ =	swait.ge [sflag:s4], $0x0  }
0x19: {  	s7 =	sld [smem:$0x3F99]  }
0x1a: {  	s8 =	sadd.s32 $0xFFFFE003, lr  }
0x1b: {  	s9 =	sadd.s32 $0xFFFFFEF7, lr;
	s5 =	simm.s32 $0xFFFFFFFF;
	p2 =	slt.u32 s8, $0xFFFFF086  }
0x1c: {  	p1 =	slt.u32 s9, $0xF7A;
	s5 =	simm.s32 @!p2 $0x0  }
0x1d: {  	s5 =	simm.s32 @p1 $0x1;
	p0 =	seq.s32 s7, s2  }
0x1e: {  	s7 =	smul.u32 @!p0 $0xF7A, s2;
	p2 =	seq.s32 @!p0 s5, $0x0  }
0x1f: {  	s9 =	smul.u32 $0xF7A, s1;
	s8 =	simm.s32 @!p0 $0x1BF5;
	p2 =	por !p2, p0  }
0x20: {  	[sflag:s8] =	ssyncset.s32 @!p0 $0xFFFFF086;
	s6 =	sadd.s32 @!p0 s3, s7;
	s7 =	simm.s32 @!p0 $0x108  }
0x21: {  	s3 =	sadd.s32 s3, s9;
	s6 =	sadd.s32 @!p0 $0x88, s6;
	s7 =	simm.s32 @p2 $0x1082  }
0x22: {  	[simem:s7], [sflag:s8] =	dma.local @!p0 [hbm:s6], $0xF7A  }
0x23: {  	s9 =	sor.u32 $0xD0000000, s2;
	s6 =	simm.s32 $0x108;
	_ =	swait.ge @!p0 [sflag:s8], $0x0  }
0x24: {  	s3 =	sadd.s32 $0x88, s3;
	s6 =	simm.s32 @!p1 $0x1082;
	[sflag:s4] =	ssyncset.s32 $0xFFFFF086  }
0x25: {  	[simem:s6], [sflag:s4] =	dma.local [hbm:s3], $0xF7A  }
0x26: {  	[smem:$0x3F99] =	sst s1;
	(tag) =	ssettag s2;
	_ =	strace s9  }
0x27: {  	s1 =	sld [smem:$0x3FA9]  }
0x28: {  	s2 =	sld [smem:$0x3FAA]  }
0x29: {  	s4 =	sld [smem:$0x3FAC]  }
0x2a: {  	p0 =	seq.s32 s5, $0x0;
	s5 =	sld [smem:$0x3FAD]  }
0x2b: {  	s6 =	sld [smem:$0x3FAE]  }
0x2c: {  	s7 =	sld [smem:$0x3FAF]  }
0x2d: {  	s3 =	simm.s32 $0x108;
	s8 =	sld [smem:$0x3FB0]  }
0x2e: {  	s3 =	simm.s32 @!p0 $0x1082;
	s9 =	sld [smem:$0x3FB1]  }
0x2f: {  	lr =	sadd.s32 s0, s3;
	s0 =	sld [smem:$0x3FA8]  }
0x30: {  	s3 =	sld [smem:$0x3FAB]  }
0x31: {  	[smem:$0x3FB4] =	sst s10  }
0x32: {  	s10 =	sld [smem:$0x3FB2];
	_ =	sdelay $0x3  }
0x33: {  	p0 =	seq.s32 s10, $0x1;
	s10 =	sld [smem:$0x3FB4];
	_ =	sdelay $0x3  }
0x34: {  	[smem:$0x3FB4] =	sst s10  }
0x35: {  	s10 =	sld [smem:$0x3FB3];
	_ =	sdelay $0x3  }
0x36: {  	p1 =	seq.s32 s10, $0x1;
	s10 =	sld [smem:$0x3FB4];
	_ =	sdelay $0x3  }
0x37: {  	[smem:$0x3FB4] =	sst s10  }
0x38: {  	s10 =	sld [smem:$0x3FB5]  }
0x39: {  	_ = 	snop;
	(pc) =	sbr.ind lr, $3  }
0x3a: {  	_ = 	snop  }
0x3b: {  	_ = 	snop  }
0x3c: {  	p2 =	seq.s32 s10, $0x1;
	s10 =	sld [smem:$0x3FB4]  }
0x3d: {  	_ =	shalt  }
0x3e: {  	_ =	shalt  }
0x3f: {  	_ =	shalt  }
0x40: {  	_ =	shalt  }
0x41: {  	_ =	shalt  }
0x42: {  	_ =	shalt  }
0x43: {  	_ =	shalt  }
0x44: {  	_ =	shalt  }
0x45: {  	_ =	shalt  }
0x46: {  	_ =	shalt  }
0x47: {  	_ =	shalt  }
0x48: {  	_ =	shalt  }
0x49: {  	_ =	shalt  }
0x4a: {  	_ =	shalt  }
0x4b: {  	_ =	shalt  }
0x4c: {  	_ =	shalt  }
0x4d: {  	_ =	shalt  }
0x4e: {  	_ =	shalt  }
0x4f: {  	_ =	shalt  }
0x50: {  	_ =	shalt  }
0x51: {  	_ =	shalt  }
0x52: {  	_ =	shalt  }
0x53: {  	_ =	shalt  }
0x54: {  	_ =	shalt  }
0x55: {  	_ =	shalt  }
0x56: {  	_ =	shalt  }
0x57: {  	_ =	shalt  }
0x58: {  	_ =	shalt  }
0x59: {  	_ =	shalt  }
0x5a: {  	_ =	shalt  }
0x5b: {  	_ =	shalt  }
0x5c: {  	_ =	shalt  }
0x5d: {  	_ =	shalt  }
0x5e: {  	_ =	shalt  }
0x5f: {  	_ =	shalt  }
0x60: {  	_ =	shalt  }
0x61: {  	_ =	shalt  }
0x62: {  	_ =	shalt  }
0x63: {  	_ =	shalt  }
0x64: {  	_ =	shalt  }
0x65: {  	_ =	shalt  }
0x66: {  	_ =	shalt  }
0x67: {  	_ =	shalt  }
0x68: {  	_ =	shalt  }
0x69: {  	_ =	shalt  }
0x6a: {  	_ =	shalt  }
0x6b: {  	_ =	shalt  }
0x6c: {  	_ =	shalt  }
0x6d: {  	_ =	shalt  }
0x6e: {  	_ =	shalt  }
0x6f: {  	_ =	shalt  }
0x70: {  	_ =	shalt  }
0x71: {  	_ =	shalt  }
0x72: {  	_ =	shalt  }
0x73: {  	_ =	shalt  }
0x74: {  	_ =	shalt  }
0x75: {  	_ =	shalt  }
0x76: {  	_ =	shalt  }
0x77: {  	_ =	shalt  }
0x78: {  	_ =	shalt  }
0x79: {  	_ =	shalt  }
0x7a: {  	_ =	shalt  }
0x7b: {  	_ =	shalt  }
0x7c: {  	_ =	shalt  }
0x7d: {  	_ =	shalt  }
0x7e: {  	_ =	shalt  }
0x7f: {  	_ =	shalt  }
0x80: {  	_ =	shalt  }
0x81: {  	_ =	shalt  }
0x82: {  	_ =	shalt  }
0x83: {  	_ =	shalt  }
0x84: {  	_ =	shalt  }
0x85: {  	_ =	shalt  }
0x86: {  	_ =	shalt  }
0x87: {  	_ =	shalt  }
.Lfunc_end0:
.L_simem_size_0:
called_computation.2_lowered:
.L_overlay_start_0:
0x88: {  	s2 =	sld [smem:$0x3FD9]  }
0x89: {  	s3 =	sld [smem:$0x3FFE];
	_ =	sdelay $0x1  }
0x8a: {  	s1 =	srdreg.scid  }
0x8b: {  	s0 =	sand.u32 $0x1, s1  }
0x8c: {  	s17 =	sshll.u32 s0, $0xA;
	s2 =	sadd.s32 s3, s2  }
0x8d: {  	s2 =	sadd.s32 s2, s17  }
0x8e: {  	[smem:$0x3FC0] =	sst s2  }
0x8f: {  	_ = 	snop  }
0x90: {  	s2 =	sld [smem:$0x3FD0];
	(tm) =	ssettm $0x1  }
0x91: {  	s18 =	sld [smem:$0x3FFB];
	_ =	sdelay $0x3  }
0x92: {  	_ =	strace s18  }
0x93: {  	s3 =	sld [smem:$0x3FFC];
	_ =	sdelay $0x3  }
0x94: {  	_ =	strace s3  }
0x95: {  	s3 =	sld [smem:$0x3FFD];
	_ =	sdelay $0x3  }
0x96: {  	_ =	strace s3  }
0x97: {  	_ =	strace $0x8FFFFFFF  }
0x98: {  	s19 =	sld [smem:$0x3FDB];
	_ =	sdelay $0x1  }
0x99: {  	s4 =	simm.s32 $_scs_section_size  }
0x9a: {  	s5 =	simm.s32 $_size__tile_overlayer_lowered;
	s6 =	simm.s32 $_tile_overlayer_lowered  }
0x9b: {  	s22 =	simm.s32 $0x1BFF;
	s21 =	sshll.u32 s6, $0x1;
	s3 =	sadd.s32 s4, s19  }
0x9c: {  	s7 =	simm.s32 $0x0;
	s20 =	sshll.u32 s5, $0x1;
	s5 =	sadd.s32 s21, s3  }
0x9d: {  	[timem:s7], [sflag:s22] =	dma.local [hbm:s5], s20  }
0x9e: {  	_ =	swait.ge [sflag:s22], s20  }
0x9f: {  	s4 =	ssub.s32 $0x0, s20;
	[sflag:s22] =	ssyncset.done $0x0  }
0xa0: {  	[sflag:s22] =	ssyncadd.s32 s4;
	_ =	sdelay $0x1  }
0xa1: {  	s23 =	simm.s32 $0x1B8B  }
0xa2: {  	_ =	swait.ge [sflag:s23], $0x1  }
0xa3: {  	[sflag:s23] =	ssyncset.done $0x0  }
0xa4: {  	s25 =	simm.s32 $0x1B8E;
	s24 =	sld [smem:$0x3FFE];
	[sflag:s23] =	ssyncadd.s32 $0xFFFFFFFF  }
0xa5: {  	s26 =	simm.s32 $execute0_lowered;
	[smem:$0x3FD2] =	sst s25  }
0xa6: {  	s5 =	sshll.u32 s26, $0x1;
	_ =	strace $0x8000004C;
	[dreg:$0x1] =	wrdreg $0xFFFFFFFF  }
0xa7: {  	s28 =	simm.s32 $_size_execute0_lowered;
	s3 =	sadd.s32 s3, s5;
	[dreg:$0x0] =	wrdreg $0x0  }
0xa8: {  	s5 =	sshll.u32 s28, $0x1;
	[dreg:$0x2] =	wrdreg s3  }
0xa9: {  	[dreg:$0x3] =	wrdreg s5  }
0xaa: {  	[dreg:$0x4] =	wrdreg $0xC0  }
0xab: {  	_ =	task [dreg:s7], $0x5FFFF  }
0xac: {  	[dreg:$0x1] =	wrdreg $0xFFFFFFFF  }
0xad: {  	[dreg:$0x0] =	wrdreg $0x60  }
0xae: {  	[dreg:$0x2] =	wrdreg s24  }
0xaf: {  	[dreg:$0x3] =	wrdreg s2  }
0xb0: {  	[dreg:$0x4] =	wrdreg $0xA8000  }
0xb1: {  	[dreg:$0x5] =	wrdreg $0x9  }
0xb2: {  	_ =	task.clear_ibuf [dreg:s7], $0x6FFFF;
	_ =	strace $0x9000004C  }
0xb3: {  	s29 =	simm.s32 $0x9;
	_ =	strace $0x8000004E  }
0xb4: {  	_ =	swait.ge [sflag:s29], $0x1  }
0xb5: {  	[sflag:s29] =	ssyncadd.s32 $0xFFFFFFFF  }
0xb6: {  	_ =	strace $0x9000004E  }
0xb7: {  	_ =	sfence  }
0xb8: {  	s30 =	sld [smem:$0x0];
	_ =	sdelay $0x2  }
0xb9: {  	s31 =	sshll.u32 s1, $0xD;
	s1 =	sshrl.u32 s1, $0x2  }
0xba: {  	s3 =	sand.u32 $0x4000, s31;
	s1 =	sadd.s32 s1, s30  }
0xbb: {  	s0 =	sor.u32 s3, s0;
	s1 =	sshll.u32 s1, $0x11  }
0xbc: {  	s0 =	sor.u32 s1, s0  }
0xbd: {  	s0 =	sadd.s32 $0x8F2B, s0  }
0xbe: {  	[sflag:s0] =	ssyncadd.remote.s32 $0x1  }
0xbf: {  	_ =	sfence.sel $0xFFFF  }
0xc0: {  	[dreg:$0x0] =	wrdreg $0xFFFFFFFF;
	(pc) =	sbr.abs _section_cstart, $3  }
0xc1: {  	[dreg:$0x1] =	wrdreg $0xFFFFFFFF  }
0xc2: {  	_ =	task.clear_ibuf [dreg:s7], $0x2FFFF;
	_ =	strace $0x9FFFFFFF  }
0xc3: {  	(tm) =	ssettm $0x7FFFFFFF  }
tec
execute0_lowered:
.L_overlay_start_1:
0x0: {  	(tag) =	ssettag $0x1  }
0x1: {  	s5 =	rddreg [dreg:$0x0]  }
0x2: {  	s6 =	rddreg [dreg:$0x1]  }
0x3: {  	s1 =	rddreg [dreg:$0x2]  }
0x4: {  	s0 =	rddreg [dreg:$0x3];
	s3 =	simm.s32 $0x0  }
0x5: {  	s2 =	srdreg.scid;
	s15 =	simm.s32 $0x2800;
	s16 =	simm.s32 $0x6800  }
0x6: {  	s17 =	simm.s32 $0x1;
	s18 =	simm.s32 $0x2;
	s19 =	simm.s32 $0x1380  }
0x7: {  	s20 =	simm.s32 $0x2700;
	s21 =	simm.s32 $0x2780;
	s22 =	simm.s32 $0x0  }
0x8: {  	[smem:$0x7FF] =	sst s3;
	s7 =	sand.u32 $0x1, s2;
	s2 =	stileid.u32  }
0x9: {  	s4 =	sadd.s32 $0x8200, s5;
	s11 =	sadd.s32 $0x2FA00, s5;
	s8 =	smul.u32 $0x13C000, s7  }
0xa: {  	_ =	strace $0x8000004D;
	s9 =	sshll.u32 s7, $0x4;
	s10 =	smul.u32 $0x13C00, s2  }
0xb: {  	s28 =	ssub.s32 $0x2, s7;
	s13 =	smul.u32 $0x4F000, s2;
	p0 =	seq.s32 s7, $0x1  }
0xc: {  	s30 =	smul.u32 $0x2780, s2;
	s31 =	sshll.u32 s2, $0x6;
	s9 =	sor.u32 s2, s9  }
0xd: {  	s12 =	sshrl.u32 s28, $0x1;
	s9 =	smul.u32 $0x280, s9;
	s8 =	sadd.s32 s10, s8  }
0xe: {  	s10 =	ssub.s32 s28, s12;
	s29 =	sshrl.u32 s13, $0x2;
	s12 =	smov.u32 s4  }
0xf: {  	s8 =	sshrl.u32 s8, $0x3;
	s13 =	sadd.s32 s29, s1;
	s12 =	smov.u32 @p0 s11  }
0x10: {  	s11 =	simm.s32 $0x1400;
	s14 =	sadd.s32 s9, s5;
	s8 =	sadd.s32 s8, s5  }
0x11: {  	s6 =	sadd.s32 s6, s9;
	s9 =	sadd.s32 s12, s30;
	s12 =	sor.u32 $0x1C03, s31  }
0x12: {  	s13 =	sshrl.u32 s13, $0x3;
	s5 =	sadd.s32 $0x3200, s14;
	s7 =	sadd.s32 $0x57200, s8  }
0x13: {  	s8 =	smax.u32 s10, $0x1;
	s10 =	simm.s32 $0x3;
	s14 =	simm.s32 $0x80  }
.LBB2_1:
0x14: {  	[tilespmem:s3], [sflag:$0x3] =	stream.linear.gather [hbm4b:s5+s3], $0x1400, $0x38;
	[tilespmem:$0x1E400] =	vst v63  }
0x15: {  	_ =	swait.ge [sflag:s10], $0x1400  }
0x16: {  	[sflag:s10] =	ssyncset.done $0x0  }
0x17: {  	[sflag:s10] =	ssyncadd.s32 $0xFFFFEC00  }
0x18: {  	[tilespmem:s11], [sflag:$0x3] =	stream.linear.gather [hbm4b:s6+s3], $0x1400, $0x38;
	[tilespmem:$0x1E400] =	vst v63  }
0x19: {  	_ =	swait.ge [sflag:s10], $0x1400  }
0x1a: {  	[sflag:s10] =	ssyncset.done $0x0  }
0x1b: {  	[sflag:s10] =	ssyncadd.s32 $0xFFFFEC00  }
0x1c: {  	[spmem:s13], [sflag:s12] =	dma.local [hbm:s9], $0x2780  }
0x1d: {  	_ =	swait.ge [sflag:s10], $0x2780  }
0x1e: {  	[sflag:s10] =	ssyncset.done $0x0  }
0x1f: {  	[sflag:s10] =	ssyncadd.s32 $0xFFFFD880  }
0x20: {  	[bflag:$0x0] =	sbarrier.arrive $0xFFFF  }
0x21: {  	[tilespmem:s15], [sflag:$0x1] =	stream.indirect.gather [hbm4b:s4+s14], $0x80, s3, s14, $0xb8;
	[tilespmem:$0x1E400] =	vst v63  }
0x22: {  	s23 =	simm.s32 $0x80  }
0x23: {  	[tilespmem:s16], [sflag:$0x2] =	stream.indirect.gather [hbm4b:s4+s14], $0x80, s23, s14, $0xb8;
	[tilespmem:$0x1E400] =	vst v63  }
0x24: {  	_ =	swait.ge [sflag:s17], $0x4000  }
0x25: {  	[sflag:s17] =	ssyncset.done $0x0  }
0x26: {  	s29 =	simm.s32 $0x1400;
	[sflag:s17] =	ssyncadd.s32 $0xFFFFC000  }
0x27: {  	[spmem:s1] =	stream.indirect.scatter.add.f32 [tilespmem:s15], [sflag:$0x3], $0x80, s29, s14, $0xb8;
	[tilespmem:$0x1E400] =	vst v63  }
0x28: {  	_ =	swait.ge [sflag:s10], $0x4000  }
0x29: {  	[sflag:s10] =	ssyncset.done $0x0  }
0x2a: {  	s30 =	simm.s32 $0x100;
	[sflag:s10] =	ssyncadd.s32 $0xFFFFC000  }
0x2b: {  	[tilespmem:s15], [sflag:$0x1] =	stream.indirect.gather [hbm4b:s4+s14], $0x80, s30, s14, $0xb8;
	[tilespmem:$0x1E400] =	vst v63  }
0x2c: {  	_ =	swait.ge [sflag:s18], $0x4000  }
0x2d: {  	[sflag:s18] =	ssyncset.done $0x0  }
0x2e: {  	s31 =	simm.s32 $0x1480;
	[sflag:s18] =	ssyncadd.s32 $0xFFFFC000  }
0x2f: {  	[spmem:s1] =	stream.indirect.scatter.add.f32 [tilespmem:s16], [sflag:$0x3], $0x80, s31, s14, $0xb8;
	[tilespmem:$0x1E400] =	vst v63  }
0x30: {  	_ =	swait.ge [sflag:s10], $0x4000  }
0x31: {  	s24 =	simm.s32 $0x800;
	s23 =	simm.s32 $0x100;
	[sflag:s10] =	ssyncset.done $0x0  }
.LBB2_2:
0x32: {  	s25 =	sadd.s32 $0x80, s23  }
0x33: {  	[sflag:s10] =	ssyncadd.s32 $0xFFFFC000;
	s26 =	smov.u32 s24;
	s28 =	sadd.s32 $0x400, s24  }
0x34: {  	[tilespmem:s16], [sflag:$0x2] =	stream.indirect.gather [hbm4b:s4+s14], $0x80, s25, s14, $0xb8;
	[tilespmem:$0x1E400] =	vst v63  }
0x35: {  	p0 =	sne.s32 s24, $0x4800;
	_ =	swait.ge [sflag:s17], $0x4000  }
0x36: {  	[sflag:s17] =	ssyncset.done $0x0  }
0x37: {  	s24 =	sadd.s32 $0x1400, s23;
	[sflag:s17] =	ssyncadd.s32 $0xFFFFC000  }
0x38: {  	[spmem:s1] =	stream.indirect.scatter.add.f32 [tilespmem:s15], [sflag:$0x3], $0x80, s24, s14, $0xb8;
	[tilespmem:$0x1E400] =	vst v63  }
0x39: {  	_ =	swait.ge [sflag:s10], $0x4000  }
0x3a: {  	[sflag:s10] =	ssyncset.done $0x0  }
0x3b: {  	s24 =	sadd.s32 $0x100, s23;
	[sflag:s10] =	ssyncadd.s32 $0xFFFFC000  }
0x3c: {  	[tilespmem:s15], [sflag:$0x1] =	stream.indirect.gather [hbm4b:s4+s14], $0x80, s24, s14, $0xb8;
	[tilespmem:$0x1E400] =	vst v63  }
0x3d: {  	_ =	swait.ge [sflag:s18], $0x4000  }
.Ltmp0:
0x3e: {  	[sflag:s18] =	ssyncset.done $0x0;
	(pc) =	sbr.rel @p0 .LBB2_2-.Ltmp0, $4  }
0x3f: {  	s23 =	sadd.s32 $0x1480, s23;
	[sflag:s18] =	ssyncadd.s32 $0xFFFFC000  }
0x40: {  	[spmem:s1] =	stream.indirect.scatter.add.f32 [tilespmem:s16], [sflag:$0x3], $0x80, s23, s14, $0xb8;
	[tilespmem:$0x1E400] =	vst v63  }
0x41: {  	_ =	swait.ge [sflag:s10], $0x4000  }
0x42: {  	s24 =	smov.u32 s28;
	s23 =	sshra.s32 s26, $0x2;
	[sflag:s10] =	ssyncset.done $0x0  }
0x43: {  	s24 =	sadd.s32 $0x80, s23;
	[sflag:s10] =	ssyncadd.s32 $0xFFFFC000  }
0x44: {  	[tilespmem:s16], [sflag:$0x2] =	stream.indirect.gather [hbm4b:s4+s14], $0x80, s24, s14, $0xb8;
	[tilespmem:$0x1E400] =	vst v63  }
0x45: {  	_ =	swait.ge [sflag:s17], $0x4000  }
0x46: {  	[sflag:s17] =	ssyncset.done $0x0  }
0x47: {  	s29 =	sadd.s32 $0x1400, s23;
	[sflag:s17] =	ssyncadd.s32 $0xFFFFC000  }
0x48: {  	[spmem:s1] =	stream.indirect.scatter.add.f32 [tilespmem:s15], [sflag:$0x3], $0x80, s29, s14, $0xb8;
	[tilespmem:$0x1E400] =	vst v63  }
0x49: {  	_ =	swait.ge [sflag:s10], $0x4000  }
0x4a: {  	[sflag:s10] =	ssyncset.done $0x0  }
0x4b: {  	s30 =	sadd.s32 $0x100, s23;
	[sflag:s10] =	ssyncadd.s32 $0xFFFFC000  }
0x4c: {  	[tilespmem:s15], [sflag:$0x1] =	stream.indirect.gather [hbm4b:s4+s14], $0x80, s30, s14, $0xb8;
	[tilespmem:$0x1E400] =	vst v63  }
0x4d: {  	_ =	swait.ge [sflag:s18], $0x4000  }
0x4e: {  	[sflag:s18] =	ssyncset.done $0x0  }
0x4f: {  	s31 =	sadd.s32 $0x1480, s23;
	[sflag:s18] =	ssyncadd.s32 $0xFFFFC000  }
0x50: {  	[spmem:s1] =	stream.indirect.scatter.add.f32 [tilespmem:s16], [sflag:$0x3], $0x80, s31, s14, $0xb8;
	[tilespmem:$0x1E400] =	vst v63  }
0x51: {  	_ =	swait.ge [sflag:s10], $0x4000  }
0x52: {  	[sflag:s10] =	ssyncset.done $0x0  }
0x53: {  	[sflag:s10] =	ssyncadd.s32 $0xFFFFC000  }
0x54: {  	[tilespmem:s16], [sflag:$0x2] =	stream.indirect.gather [hbm4b:s4+s14], $0x80, s19, s14, $0xb8;
	[tilespmem:$0x1E400] =	vst v63  }
0x55: {  	_ =	swait.ge [sflag:s17], $0x4000  }
0x56: {  	[sflag:s17] =	ssyncset.done $0x0  }
0x57: {  	[sflag:s17] =	ssyncadd.s32 $0xFFFFC000  }
0x58: {  	[spmem:s1] =	stream.indirect.scatter.add.f32 [tilespmem:s15], [sflag:$0x3], $0x80, s20, s14, $0xb8;
	[tilespmem:$0x1E400] =	vst v63  }
0x59: {  	_ =	swait.ge [sflag:s10], $0x4000  }
0x5a: {  	[sflag:s10] =	ssyncset.done $0x0  }
0x5b: {  	[sflag:s10] =	ssyncadd.s32 $0xFFFFC000  }
0x5c: {  	_ =	swait.ge [sflag:s18], $0x4000  }
0x5d: {  	[sflag:s18] =	ssyncset.done $0x0  }
0x5e: {  	[sflag:s18] =	ssyncadd.s32 $0xFFFFC000  }
0x5f: {  	[spmem:s1] =	stream.indirect.scatter.add.f32 [tilespmem:s16], [sflag:$0x3], $0x80, s21, s14, $0xb8;
	[tilespmem:$0x1E400] =	vst v63  }
0x60: {  	_ =	swait.ge [sflag:s10], $0x4000  }
0x61: {  	s22 =	sadd.s32 $0x1, s22;
	[sflag:s10] =	ssyncset.done $0x0  }
0x62: {  	p0 =	sne.s32 s22, s8;
	[sflag:s10] =	ssyncadd.s32 $0xFFFFC000  }
.Ltmp1:
0x63: {  	[bflag:$0x0] =	sbarrier.arrive $0xFFFF;
	(pc) =	sbr.rel @p0 .LBB2_1-.Ltmp1, $4  }
0x64: {  	[hbm:s7], [sflag:s12] =	dma.local [spmem:s13], $0x2780  }
0x65: {  	_ =	swait.ge [sflag:s10], $0x2780  }
0x66: {  	[sflag:s10] =	ssyncset.done $0x0  }
0x67: {  	[sflag:s10] =	ssyncadd.s32 $0xFFFFD880  }
0x68: {  	_ =	sfence.sel $0x180000  }
0x69: {  	[bflag:$0x0] =	sbarrier.arrive $0xFFFF  }
0x6a: {  	p0 =	sne.s32 s2, $0x0;
	_ =	strace $0x9000004D  }
0x6b: {  	s0 =	sadd.s32 @!p0 $0x100000, s0;
	[bflag:$0x2] =	sbarrier.arrive $0xFFFF  }
0x6c: {  	[sflag:s0] =	ssyncadd.tile.s32 @!p0 $0x1;
	_ =	shalt  }
.Lfunc_end2:
_tile_overlayer_lowered:
.L_overlay_start_2:
0x6d: {  	(tag) =	ssettag $0x2  }
0x6e: {  	s0 =	rddreg [dreg:$0x0];
	s2 =	stileid.u32  }
0x6f: {  	s1 =	rddreg [dreg:$0x1];
	p0 =	sne.s32 s2, $0x0  }
0x70: {  	s3 =	rddreg [dreg:$0x2];
	[bflag:$0x3] =	sbarrier.arrive $0xFFFF;
	s2 =	simm.s32 @!p0 $0x1C03  }
0x71: {  	[timem:s3], [sflag:s2] =	dma.local @!p0 [hbm:s0], s1  }
0x72: {  	s0 =	simm.s32 @!p0 $0x3  }
0x73: {  	_ =	swait.ge @!p0 [sflag:s0], s1  }
0x74: {  	s1 =	ssub.s32 @!p0 $0x0, s1;
	[sflag:s0] =	ssyncset.done @!p0 $0x0  }
0x75: {  	[sflag:s0] =	ssyncadd.s32 @!p0 s1  }
0x76: {  	[bflag:$0x3] =	sbarrier.arrive $0xFFFF  }
0x77: {  	_ =	shalt  }

// kernel: kernel.19.cloned.1.call-start
scs
__scs_entry_jumppad:
0x0: {  	(pc) =	sbr.rel $0x88, $3  }
0x1: {  	(tag) =	ssettag $0x0;
	lr =	simm.s32 $0x1  }
0x2: {  	[smem:$0x3F99] =	sst lr;
	_ =	strace $0xD0000000  }
0x3: {  	_ = 	snop  }
0x4: {  	_ = 	snop  }
0x5: {  	_ = 	snop  }
0x6: {  	_ = 	snop  }
0x7: {  	_ = 	snop  }
__scs_overlays_trampoline_lowered:
0x8: {  	[smem:$0x3FA8] =	sst s0  }
0x9: {  	[smem:$0x3FA9] =	sst s1  }
0xa: {  	[smem:$0x3FAA] =	sst s2  }
0xb: {  	[smem:$0x3FAB] =	sst s3  }
0xc: {  	[smem:$0x3FAC] =	sst s4  }
0xd: {  	[smem:$0x3FAD] =	sst s5  }
0xe: {  	[smem:$0x3FAE] =	sst s6  }
0xf: {  	[smem:$0x3FAF] =	sst s7  }
0x10: {  	[smem:$0x3FB0] =	sst s8  }
0x11: {  	[smem:$0x3FB1] =	sst s9;
	s0 =	simm.s32 @!p0 $0x0  }
0x12: {  	s1 =	sld [smem:$0x3F97];
	s0 =	simm.s32 @p0 $0x1  }
0x13: {  	[smem:$0x3FB2] =	sst s0;
	s0 =	simm.s32 @!p1 $0x0  }
0x14: {  	s2 =	sld [smem:$0x3F96];
	s0 =	simm.s32 @p1 $0x1  }
0x15: {  	[smem:$0x3FB3] =	sst s0;
	s0 =	simm.s32 @!p2 $0x0  }
0x16: {  	s3 =	sld [smem:$0x3FDB];
	s0 =	simm.s32 @p2 $0x1  }
0x17: {  	s4 =	simm.s32 $0x1BF5;
	[smem:$0x3FB5] =	sst s0  }
0x18: {  	s0 =	sld [smem:$0x3F98];
	_ =	swait.ge [sflag:s4], $0x0  }
0x19: {  	s7 =	sld [smem:$0x3F99]  }
0x1a: {  	s8 =	sadd.s32 $0xFFFFE003, lr  }
0x1b: {  	s9 =	sadd.s32 $0xFFFFFEF7, lr;
	s5 =	simm.s32 $0xFFFFFFFF;
	p2 =	slt.u32 s8, $0xFFFFF086  }
0x1c: {  	p1 =	slt.u32 s9, $0xF7A;
	s5 =	simm.s32 @!p2 $0x0  }
0x1d: {  	s5 =	simm.s32 @p1 $0x1;
	p0 =	seq.s32 s7, s2  }
0x1e: {  	s7 =	smul.u32 @!p0 $0xF7A, s2;
	p2 =	seq.s32 @!p0 s5, $0x0  }
0x1f: {  	s9 =	smul.u32 $0xF7A, s1;
	s8 =	simm.s32 @!p0 $0x1BF5;
	p2 =	por !p2, p0  }
0x20: {  	[sflag:s8] =	ssyncset.s32 @!p0 $0xFFFFF086;
	s6 =	sadd.s32 @!p0 s3, s7;
	s7 =	simm.s32 @!p0 $0x108  }
0x21: {  	s3 =	sadd.s32 s3, s9;
	s6 =	sadd.s32 @!p0 $0x88, s6;
	s7 =	simm.s32 @p2 $0x1082  }
0x22: {  	[simem:s7], [sflag:s8] =	dma.local @!p0 [hbm:s6], $0xF7A  }
0x23: {  	s9 =	sor.u32 $0xD0000000, s2;
	s6 =	simm.s32 $0x108;
	_ =	swait.ge @!p0 [sflag:s8], $0x0  }
0x24: {  	s3 =	sadd.s32 $0x88, s3;
	s6 =	simm.s32 @!p1 $0x1082;
	[sflag:s4] =	ssyncset.s32 $0xFFFFF086  }
0x25: {  	[simem:s6], [sflag:s4] =	dma.local [hbm:s3], $0xF7A  }
0x26: {  	[smem:$0x3F99] =	sst s1;
	(tag) =	ssettag s2;
	_ =	strace s9  }
0x27: {  	s1 =	sld [smem:$0x3FA9]  }
0x28: {  	s2 =	sld [smem:$0x3FAA]  }
0x29: {  	s4 =	sld [smem:$0x3FAC]  }
0x2a: {  	p0 =	seq.s32 s5, $0x0;
	s5 =	sld [smem:$0x3FAD]  }
0x2b: {  	s6 =	sld [smem:$0x3FAE]  }
0x2c: {  	s7 =	sld [smem:$0x3FAF]  }
0x2d: {  	s3 =	simm.s32 $0x108;
	s8 =	sld [smem:$0x3FB0]  }
0x2e: {  	s3 =	simm.s32 @!p0 $0x1082;
	s9 =	sld [smem:$0x3FB1]  }
0x2f: {  	lr =	sadd.s32 s0, s3;
	s0 =	sld [smem:$0x3FA8]  }
0x30: {  	s3 =	sld [smem:$0x3FAB]  }
0x31: {  	[smem:$0x3FB4] =	sst s10  }
0x32: {  	s10 =	sld [smem:$0x3FB2];
	_ =	sdelay $0x3  }
0x33: {  	p0 =	seq.s32 s10, $0x1;
	s10 =	sld [smem:$0x3FB4];
	_ =	sdelay $0x3  }
0x34: {  	[smem:$0x3FB4] =	sst s10  }
0x35: {  	s10 =	sld [smem:$0x3FB3];
	_ =	sdelay $0x3  }
0x36: {  	p1 =	seq.s32 s10, $0x1;
	s10 =	sld [smem:$0x3FB4];
	_ =	sdelay $0x3  }
0x37: {  	[smem:$0x3FB4] =	sst s10  }
0x38: {  	s10 =	sld [smem:$0x3FB5]  }
0x39: {  	_ = 	snop;
	(pc) =	sbr.ind lr, $3  }
0x3a: {  	_ = 	snop  }
0x3b: {  	_ = 	snop  }
0x3c: {  	p2 =	seq.s32 s10, $0x1;
	s10 =	sld [smem:$0x3FB4]  }
0x3d: {  	_ =	shalt  }
0x3e: {  	_ =	shalt  }
0x3f: {  	_ =	shalt  }
0x40: {  	_ =	shalt  }
0x41: {  	_ =	shalt  }
0x42: {  	_ =	shalt  }
0x43: {  	_ =	shalt  }
0x44: {  	_ =	shalt  }
0x45: {  	_ =	shalt  }
0x46: {  	_ =	shalt  }
0x47: {  	_ =	shalt  }
0x48: {  	_ =	shalt  }
0x49: {  	_ =	shalt  }
0x4a: {  	_ =	shalt  }
0x4b: {  	_ =	shalt  }
0x4c: {  	_ =	shalt  }
0x4d: {  	_ =	shalt  }
0x4e: {  	_ =	shalt  }
0x4f: {  	_ =	shalt  }
0x50: {  	_ =	shalt  }
0x51: {  	_ =	shalt  }
0x52: {  	_ =	shalt  }
0x53: {  	_ =	shalt  }
0x54: {  	_ =	shalt  }
0x55: {  	_ =	shalt  }
0x56: {  	_ =	shalt  }
0x57: {  	_ =	shalt  }
0x58: {  	_ =	shalt  }
0x59: {  	_ =	shalt  }
0x5a: {  	_ =	shalt  }
0x5b: {  	_ =	shalt  }
0x5c: {  	_ =	shalt  }
0x5d: {  	_ =	shalt  }
0x5e: {  	_ =	shalt  }
0x5f: {  	_ =	shalt  }
0x60: {  	_ =	shalt  }
0x61: {  	_ =	shalt  }
0x62: {  	_ =	shalt  }
0x63: {  	_ =	shalt  }
0x64: {  	_ =	shalt  }
0x65: {  	_ =	shalt  }
0x66: {  	_ =	shalt  }
0x67: {  	_ =	shalt  }
0x68: {  	_ =	shalt  }
0x69: {  	_ =	shalt  }
0x6a: {  	_ =	shalt  }
0x6b: {  	_ =	shalt  }
0x6c: {  	_ =	shalt  }
0x6d: {  	_ =	shalt  }
0x6e: {  	_ =	shalt  }
0x6f: {  	_ =	shalt  }
0x70: {  	_ =	shalt  }
0x71: {  	_ =	shalt  }
0x72: {  	_ =	shalt  }
0x73: {  	_ =	shalt  }
0x74: {  	_ =	shalt  }
0x75: {  	_ =	shalt  }
0x76: {  	_ =	shalt  }
0x77: {  	_ =	shalt  }
0x78: {  	_ =	shalt  }
0x79: {  	_ =	shalt  }
0x7a: {  	_ =	shalt  }
0x7b: {  	_ =	shalt  }
0x7c: {  	_ =	shalt  }
0x7d: {  	_ =	shalt  }
0x7e: {  	_ =	shalt  }
0x7f: {  	_ =	shalt  }
0x80: {  	_ =	shalt  }
0x81: {  	_ =	shalt  }
0x82: {  	_ =	shalt  }
0x83: {  	_ =	shalt  }
0x84: {  	_ =	shalt  }
0x85: {  	_ =	shalt  }
0x86: {  	_ =	shalt  }
0x87: {  	_ =	shalt  }
.Lfunc_end0:
.L_simem_size_0:
called_computation.3_lowered:
.L_overlay_start_0:
0x88: {  	s2 =	sld [smem:$0x3FD9]  }
0x89: {  	s3 =	sld [smem:$0x3FFE];
	_ =	sdelay $0x1  }
0x8a: {  	s1 =	srdreg.scid  }
0x8b: {  	s0 =	sand.u32 $0x1, s1  }
0x8c: {  	s17 =	sshll.u32 s0, $0xA;
	s2 =	sadd.s32 s3, s2  }
0x8d: {  	s2 =	sadd.s32 s2, s17  }
0x8e: {  	[smem:$0x3FC0] =	sst s2  }
0x8f: {  	_ = 	snop  }
0x90: {  	s2 =	sld [smem:$0x3FD0];
	(tm) =	ssettm $0x1  }
0x91: {  	s18 =	sld [smem:$0x3FFB];
	_ =	sdelay $0x3  }
0x92: {  	_ =	strace s18  }
0x93: {  	s3 =	sld [smem:$0x3FFC];
	_ =	sdelay $0x3  }
0x94: {  	_ =	strace s3  }
0x95: {  	s3 =	sld [smem:$0x3FFD];
	_ =	sdelay $0x3  }
0x96: {  	_ =	strace s3  }
0x97: {  	_ =	strace $0x8FFFFFFF  }
0x98: {  	s19 =	sld [smem:$0x3FDB];
	_ =	sdelay $0x1  }
0x99: {  	s4 =	simm.s32 $_scs_section_size  }
0x9a: {  	s5 =	simm.s32 $_size__tile_overlayer_lowered;
	s6 =	simm.s32 $_tile_overlayer_lowered  }
0x9b: {  	s22 =	simm.s32 $0x1BFF;
	s21 =	sshll.u32 s6, $0x1;
	s3 =	sadd.s32 s4, s19  }
0x9c: {  	s7 =	simm.s32 $0x0;
	s20 =	sshll.u32 s5, $0x1;
	s5 =	sadd.s32 s21, s3  }
0x9d: {  	[timem:s7], [sflag:s22] =	dma.local [hbm:s5], s20  }
0x9e: {  	_ =	swait.ge [sflag:s22], s20  }
0x9f: {  	s4 =	ssub.s32 $0x0, s20;
	[sflag:s22] =	ssyncset.done $0x0  }
0xa0: {  	[sflag:s22] =	ssyncadd.s32 s4;
	_ =	sdelay $0x1  }
0xa1: {  	s23 =	simm.s32 $0x1B8B  }
0xa2: {  	_ =	swait.ge [sflag:s23], $0x1  }
0xa3: {  	[sflag:s23] =	ssyncset.done $0x0  }
0xa4: {  	s25 =	simm.s32 $0x1B8E;
	s24 =	sld [smem:$0x3FFE];
	[sflag:s23] =	ssyncadd.s32 $0xFFFFFFFF  }
0xa5: {  	s26 =	simm.s32 $execute0_lowered;
	[smem:$0x3FD2] =	sst s25  }
0xa6: {  	s5 =	sshll.u32 s26, $0x1;
	_ =	strace $0x8000004F;
	[dreg:$0x1] =	wrdreg $0xFFFFFFFF  }
0xa7: {  	s28 =	simm.s32 $_size_execute0_lowered;
	s3 =	sadd.s32 s3, s5;
	[dreg:$0x0] =	wrdreg $0x0  }
0xa8: {  	s5 =	sshll.u32 s28, $0x1;
	[dreg:$0x2] =	wrdreg s3  }
0xa9: {  	[dreg:$0x3] =	wrdreg s5  }
0xaa: {  	[dreg:$0x4] =	wrdreg $0xC0  }
0xab: {  	_ =	task [dreg:s7], $0x5FFFF  }
0xac: {  	[dreg:$0x1] =	wrdreg $0xFFFFFFFF  }
0xad: {  	[dreg:$0x0] =	wrdreg $0x60  }
0xae: {  	[dreg:$0x2] =	wrdreg s24  }
0xaf: {  	[dreg:$0x3] =	wrdreg s2  }
0xb0: {  	[dreg:$0x4] =	wrdreg $0xA8000  }
0xb1: {  	[dreg:$0x5] =	wrdreg $0x9  }
0xb2: {  	_ =	task.clear_ibuf [dreg:s7], $0x6FFFF;
	_ =	strace $0x9000004F  }
0xb3: {  	s29 =	simm.s32 $0x9;
	_ =	strace $0x80000051  }
0xb4: {  	_ =	swait.ge [sflag:s29], $0x1  }
0xb5: {  	[sflag:s29] =	ssyncadd.s32 $0xFFFFFFFF  }
0xb6: {  	_ =	strace $0x90000051  }
0xb7: {  	_ =	sfence  }
0xb8: {  	s30 =	sld [smem:$0x0];
	_ =	sdelay $0x2  }
0xb9: {  	s31 =	sshll.u32 s1, $0xD;
	s1 =	sshrl.u32 s1, $0x2  }
0xba: {  	s3 =	sand.u32 $0x4000, s31;
	s1 =	sadd.s32 s1, s30  }
0xbb: {  	s0 =	sor.u32 s3, s0;
	s1 =	sshll.u32 s1, $0x11  }
0xbc: {  	s0 =	sor.u32 s1, s0  }
0xbd: {  	s0 =	sadd.s32 $0x8F2B, s0  }
0xbe: {  	[sflag:s0] =	ssyncadd.remote.s32 $0x1  }
0xbf: {  	_ =	sfence.sel $0xFFFF  }
0xc0: {  	[dreg:$0x0] =	wrdreg $0xFFFFFFFF;
	(pc) =	sbr.abs _section_cstart, $3  }
0xc1: {  	[dreg:$0x1] =	wrdreg $0xFFFFFFFF  }
0xc2: {  	_ =	task.clear_ibuf [dreg:s7], $0x2FFFF;
	_ =	strace $0x9FFFFFFF  }
0xc3: {  	(tm) =	ssettm $0x7FFFFFFF  }
tec
execute0_lowered:
.L_overlay_start_1:
0x0: {  	(tag) =	ssettag $0x1  }
0x1: {  	s5 =	rddreg [dreg:$0x0]  }
0x2: {  	s6 =	rddreg [dreg:$0x1]  }
0x3: {  	s1 =	rddreg [dreg:$0x2]  }
0x4: {  	s0 =	rddreg [dreg:$0x3];
	s3 =	simm.s32 $0x0  }
0x5: {  	s2 =	srdreg.scid;
	s15 =	simm.s32 $0x2800;
	s16 =	simm.s32 $0x6800  }
0x6: {  	s17 =	simm.s32 $0x1;
	s18 =	simm.s32 $0x2;
	s19 =	simm.s32 $0x1380  }
0x7: {  	s20 =	simm.s32 $0x2700;
	s21 =	simm.s32 $0x2780;
	s22 =	simm.s32 $0x0  }
0x8: {  	[smem:$0x7FF] =	sst s3;
	s7 =	sand.u32 $0x1, s2;
	s2 =	stileid.u32  }
0x9: {  	s4 =	sadd.s32 $0x8200, s5;
	s11 =	sadd.s32 $0x2FA00, s5;
	s8 =	smul.u32 $0x13C000, s7  }
0xa: {  	_ =	strace $0x80000050;
	s9 =	sshll.u32 s7, $0x4;
	s10 =	smul.u32 $0x13C00, s2  }
0xb: {  	s28 =	ssub.s32 $0x2, s7;
	s13 =	smul.u32 $0x4F000, s2;
	p0 =	seq.s32 s7, $0x1  }
0xc: {  	s30 =	smul.u32 $0x2780, s2;
	s31 =	sshll.u32 s2, $0x6;
	s9 =	sor.u32 s2, s9  }
0xd: {  	s12 =	sshrl.u32 s28, $0x1;
	s9 =	smul.u32 $0x280, s9;
	s8 =	sadd.s32 s10, s8  }
0xe: {  	s10 =	ssub.s32 s28, s12;
	s29 =	sshrl.u32 s13, $0x2;
	s12 =	smov.u32 s4  }
0xf: {  	s8 =	sshrl.u32 s8, $0x3;
	s13 =	sadd.s32 s29, s1;
	s12 =	smov.u32 @p0 s11  }
0x10: {  	s11 =	simm.s32 $0x1400;
	s14 =	sadd.s32 s9, s5;
	s8 =	sadd.s32 s8, s5  }
0x11: {  	s6 =	sadd.s32 s6, s9;
	s9 =	sadd.s32 s12, s30;
	s12 =	sor.u32 $0x1C03, s31  }
0x12: {  	s13 =	sshrl.u32 s13, $0x3;
	s5 =	sadd.s32 $0x3200, s14;
	s7 =	sadd.s32 $0x57200, s8  }
0x13: {  	s8 =	smax.u32 s10, $0x1;
	s10 =	simm.s32 $0x3;
	s14 =	simm.s32 $0x80  }
.LBB2_1:
0x14: {  	[tilespmem:s3], [sflag:$0x3] =	stream.linear.gather [hbm4b:s5+s3], $0x1400, $0x38;
	[tilespmem:$0x1E400] =	vst v63  }
0x15: {  	_ =	swait.ge [sflag:s10], $0x1400  }
0x16: {  	[sflag:s10] =	ssyncset.done $0x0  }
0x17: {  	[sflag:s10] =	ssyncadd.s32 $0xFFFFEC00  }
0x18: {  	[tilespmem:s11], [sflag:$0x3] =	stream.linear.gather [hbm4b:s6+s3], $0x1400, $0x38;
	[tilespmem:$0x1E400] =	vst v63  }
0x19: {  	_ =	swait.ge [sflag:s10], $0x1400  }
0x1a: {  	[sflag:s10] =	ssyncset.done $0x0  }
0x1b: {  	[sflag:s10] =	ssyncadd.s32 $0xFFFFEC00  }
0x1c: {  	[spmem:s13], [sflag:s12] =	dma.local [hbm:s9], $0x2780  }
0x1d: {  	_ =	swait.ge [sflag:s10], $0x2780  }
0x1e: {  	[sflag:s10] =	ssyncset.done $0x0  }
0x1f: {  	[sflag:s10] =	ssyncadd.s32 $0xFFFFD880  }
0x20: {  	[bflag:$0x0] =	sbarrier.arrive $0xFFFF  }
0x21: {  	[tilespmem:s15], [sflag:$0x1] =	stream.indirect.gather [hbm4b:s4+s14], $0x80, s3, s14, $0xb8;
	[tilespmem:$0x1E400] =	vst v63  }
0x22: {  	s23 =	simm.s32 $0x80  }
0x23: {  	[tilespmem:s16], [sflag:$0x2] =	stream.indirect.gather [hbm4b:s4+s14], $0x80, s23, s14, $0xb8;
	[tilespmem:$0x1E400] =	vst v63  }
0x24: {  	_ =	swait.ge [sflag:s17], $0x4000  }
0x25: {  	[sflag:s17] =	ssyncset.done $0x0  }
0x26: {  	s29 =	simm.s32 $0x1400;
	[sflag:s17] =	ssyncadd.s32 $0xFFFFC000  }
0x27: {  	[spmem:s1] =	stream.indirect.scatter.add.f32 [tilespmem:s15], [sflag:$0x3], $0x80, s29, s14, $0xb8;
	[tilespmem:$0x1E400] =	vst v63  }
0x28: {  	_ =	swait.ge [sflag:s10], $0x4000  }
0x29: {  	[sflag:s10] =	ssyncset.done $0x0  }
0x2a: {  	s30 =	simm.s32 $0x100;
	[sflag:s10] =	ssyncadd.s32 $0xFFFFC000  }
0x2b: {  	[tilespmem:s15], [sflag:$0x1] =	stream.indirect.gather [hbm4b:s4+s14], $0x80, s30, s14, $0xb8;
	[tilespmem:$0x1E400] =	vst v63  }
0x2c: {  	_ =	swait.ge [sflag:s18], $0x4000  }
0x2d: {  	[sflag:s18] =	ssyncset.done $0x0  }
0x2e: {  	s31 =	simm.s32 $0x1480;
	[sflag:s18] =	ssyncadd.s32 $0xFFFFC000  }
0x2f: {  	[spmem:s1] =	stream.indirect.scatter.add.f32 [tilespmem:s16], [sflag:$0x3], $0x80, s31, s14, $0xb8;
	[tilespmem:$0x1E400] =	vst v63  }
0x30: {  	_ =	swait.ge [sflag:s10], $0x4000  }
0x31: {  	s24 =	simm.s32 $0x800;
	s23 =	simm.s32 $0x100;
	[sflag:s10] =	ssyncset.done $0x0  }
.LBB2_2:
0x32: {  	s25 =	sadd.s32 $0x80, s23  }
0x33: {  	[sflag:s10] =	ssyncadd.s32 $0xFFFFC000;
	s26 =	smov.u32 s24;
	s28 =	sadd.s32 $0x400, s24  }
0x34: {  	[tilespmem:s16], [sflag:$0x2] =	stream.indirect.gather [hbm4b:s4+s14], $0x80, s25, s14, $0xb8;
	[tilespmem:$0x1E400] =	vst v63  }
0x35: {  	p0 =	sne.s32 s24, $0x4800;
	_ =	swait.ge [sflag:s17], $0x4000  }
0x36: {  	[sflag:s17] =	ssyncset.done $0x0  }
0x37: {  	s24 =	sadd.s32 $0x1400, s23;
	[sflag:s17] =	ssyncadd.s32 $0xFFFFC000  }
0x38: {  	[spmem:s1] =	stream.indirect.scatter.add.f32 [tilespmem:s15], [sflag:$0x3], $0x80, s24, s14, $0xb8;
	[tilespmem:$0x1E400] =	vst v63  }
0x39: {  	_ =	swait.ge [sflag:s10], $0x4000  }
0x3a: {  	[sflag:s10] =	ssyncset.done $0x0  }
0x3b: {  	s24 =	sadd.s32 $0x100, s23;
	[sflag:s10] =	ssyncadd.s32 $0xFFFFC000  }
0x3c: {  	[tilespmem:s15], [sflag:$0x1] =	stream.indirect.gather [hbm4b:s4+s14], $0x80, s24, s14, $0xb8;
	[tilespmem:$0x1E400] =	vst v63  }
0x3d: {  	_ =	swait.ge [sflag:s18], $0x4000  }
.Ltmp0:
0x3e: {  	[sflag:s18] =	ssyncset.done $0x0;
	(pc) =	sbr.rel @p0 .LBB2_2-.Ltmp0, $4  }
0x3f: {  	s23 =	sadd.s32 $0x1480, s23;
	[sflag:s18] =	ssyncadd.s32 $0xFFFFC000  }
0x40: {  	[spmem:s1] =	stream.indirect.scatter.add.f32 [tilespmem:s16], [sflag:$0x3], $0x80, s23, s14, $0xb8;
	[tilespmem:$0x1E400] =	vst v63  }
0x41: {  	_ =	swait.ge [sflag:s10], $0x4000  }
0x42: {  	s24 =	smov.u32 s28;
	s23 =	sshra.s32 s26, $0x2;
	[sflag:s10] =	ssyncset.done $0x0  }
0x43: {  	s24 =	sadd.s32 $0x80, s23;
	[sflag:s10] =	ssyncadd.s32 $0xFFFFC000  }
0x44: {  	[tilespmem:s16], [sflag:$0x2] =	stream.indirect.gather [hbm4b:s4+s14], $0x80, s24, s14, $0xb8;
	[tilespmem:$0x1E400] =	vst v63  }
0x45: {  	_ =	swait.ge [sflag:s17], $0x4000  }
0x46: {  	[sflag:s17] =	ssyncset.done $0x0  }
0x47: {  	s29 =	sadd.s32 $0x1400, s23;
	[sflag:s17] =	ssyncadd.s32 $0xFFFFC000  }
0x48: {  	[spmem:s1] =	stream.indirect.scatter.add.f32 [tilespmem:s15], [sflag:$0x3], $0x80, s29, s14, $0xb8;
	[tilespmem:$0x1E400] =	vst v63  }
0x49: {  	_ =	swait.ge [sflag:s10], $0x4000  }
0x4a: {  	[sflag:s10] =	ssyncset.done $0x0  }
0x4b: {  	s30 =	sadd.s32 $0x100, s23;
	[sflag:s10] =	ssyncadd.s32 $0xFFFFC000  }
0x4c: {  	[tilespmem:s15], [sflag:$0x1] =	stream.indirect.gather [hbm4b:s4+s14], $0x80, s30, s14, $0xb8;
	[tilespmem:$0x1E400] =	vst v63  }
0x4d: {  	_ =	swait.ge [sflag:s18], $0x4000  }
0x4e: {  	[sflag:s18] =	ssyncset.done $0x0  }
0x4f: {  	s31 =	sadd.s32 $0x1480, s23;
	[sflag:s18] =	ssyncadd.s32 $0xFFFFC000  }
0x50: {  	[spmem:s1] =	stream.indirect.scatter.add.f32 [tilespmem:s16], [sflag:$0x3], $0x80, s31, s14, $0xb8;
	[tilespmem:$0x1E400] =	vst v63  }
0x51: {  	_ =	swait.ge [sflag:s10], $0x4000  }
0x52: {  	[sflag:s10] =	ssyncset.done $0x0  }
0x53: {  	[sflag:s10] =	ssyncadd.s32 $0xFFFFC000  }
0x54: {  	[tilespmem:s16], [sflag:$0x2] =	stream.indirect.gather [hbm4b:s4+s14], $0x80, s19, s14, $0xb8;
	[tilespmem:$0x1E400] =	vst v63  }
0x55: {  	_ =	swait.ge [sflag:s17], $0x4000  }
0x56: {  	[sflag:s17] =	ssyncset.done $0x0  }
0x57: {  	[sflag:s17] =	ssyncadd.s32 $0xFFFFC000  }
0x58: {  	[spmem:s1] =	stream.indirect.scatter.add.f32 [tilespmem:s15], [sflag:$0x3], $0x80, s20, s14, $0xb8;
	[tilespmem:$0x1E400] =	vst v63  }
0x59: {  	_ =	swait.ge [sflag:s10], $0x4000  }
0x5a: {  	[sflag:s10] =	ssyncset.done $0x0  }
0x5b: {  	[sflag:s10] =	ssyncadd.s32 $0xFFFFC000  }
0x5c: {  	_ =	swait.ge [sflag:s18], $0x4000  }
0x5d: {  	[sflag:s18] =	ssyncset.done $0x0  }
0x5e: {  	[sflag:s18] =	ssyncadd.s32 $0xFFFFC000  }
0x5f: {  	[spmem:s1] =	stream.indirect.scatter.add.f32 [tilespmem:s16], [sflag:$0x3], $0x80, s21, s14, $0xb8;
	[tilespmem:$0x1E400] =	vst v63  }
0x60: {  	_ =	swait.ge [sflag:s10], $0x4000  }
0x61: {  	s22 =	sadd.s32 $0x1, s22;
	[sflag:s10] =	ssyncset.done $0x0  }
0x62: {  	p0 =	sne.s32 s22, s8;
	[sflag:s10] =	ssyncadd.s32 $0xFFFFC000  }
.Ltmp1:
0x63: {  	[bflag:$0x0] =	sbarrier.arrive $0xFFFF;
	(pc) =	sbr.rel @p0 .LBB2_1-.Ltmp1, $4  }
0x64: {  	[hbm:s7], [sflag:s12] =	dma.local [spmem:s13], $0x2780  }
0x65: {  	_ =	swait.ge [sflag:s10], $0x2780  }
0x66: {  	[sflag:s10] =	ssyncset.done $0x0  }
0x67: {  	[sflag:s10] =	ssyncadd.s32 $0xFFFFD880  }
0x68: {  	_ =	sfence.sel $0x180000  }
0x69: {  	[bflag:$0x0] =	sbarrier.arrive $0xFFFF  }
0x6a: {  	p0 =	sne.s32 s2, $0x0;
	_ =	strace $0x90000050  }
0x6b: {  	s0 =	sadd.s32 @!p0 $0x100000, s0;
	[bflag:$0x2] =	sbarrier.arrive $0xFFFF  }
0x6c: {  	[sflag:s0] =	ssyncadd.tile.s32 @!p0 $0x1;
	_ =	shalt  }
.Lfunc_end2:
_tile_overlayer_lowered:
.L_overlay_start_2:
0x6d: {  	(tag) =	ssettag $0x2  }
0x6e: {  	s0 =	rddreg [dreg:$0x0];
	s2 =	stileid.u32  }
0x6f: {  	s1 =	rddreg [dreg:$0x1];
	p0 =	sne.s32 s2, $0x0  }
0x70: {  	s3 =	rddreg [dreg:$0x2];
	[bflag:$0x3] =	sbarrier.arrive $0xFFFF;
	s2 =	simm.s32 @!p0 $0x1C03  }
0x71: {  	[timem:s3], [sflag:s2] =	dma.local @!p0 [hbm:s0], s1  }
0x72: {  	s0 =	simm.s32 @!p0 $0x3  }
0x73: {  	_ =	swait.ge @!p0 [sflag:s0], s1  }
0x74: {  	s1 =	ssub.s32 @!p0 $0x0, s1;
	[sflag:s0] =	ssyncset.done @!p0 $0x0  }
0x75: {  	[sflag:s0] =	ssyncadd.s32 @!p0 s1  }
0x76: {  	[bflag:$0x3] =	sbarrier.arrive $0xFFFF  }
0x77: {  	_ =	shalt  }

</sc_bundles>
